<compile_context>
chip_gen: v7x
topology: tpu7x:2x2x1
jax: 0.10.2.dev20260603
libtpu: 0.0.44.dev20260713+nightly
codegen_flags: <defaults>
</compile_context>

<pallas_src>
import functools

import jax
import jax.numpy as jnp
from jax import lax
from jax.experimental import pallas as pl
from jax.experimental.pallas import tpu as pltpu
from jax.experimental.pallas import tpu_sc as plsc

N = 10000
E = 320000
F = 128
HID = 128
NCLS = 64

SC_CORES = 2
SC_SUBCORES = 16
NW = SC_CORES * SC_SUBCORES

CHUNK = 64
NCH = 160
EP = NCH * CHUNK
E_PAD = EP * NW
ROWS_PER_SUB = 640
N_PAD = ROWS_PER_SUB * SC_SUBCORES

DEG_NCH = E_PAD // (NW * 128)


@functools.lru_cache(maxsize=None)
def _get_mesh():
  return plsc.VectorSubcoreMesh(
      core_axis_name="c", subcore_axis_name="s",
      num_cores=SC_CORES, num_subcores=SC_SUBCORES)


@functools.lru_cache(maxsize=None)
def _make_deg_kernel():
  D = 16

  @functools.partial(
      pl.kernel,
      out_type=jax.ShapeDtypeStruct((SC_CORES, N_PAD, D), jnp.float32),
      mesh=_get_mesh(),
      compiler_params=pltpu.CompilerParams(use_tc_tiling_on_sc=False),
      scratch_types=[
          pltpu.VMEM_SHARED((N_PAD, D), jnp.float32),
          pltpu.VMEM((128, D), jnp.float32),
          pltpu.VMEM((DEG_NCH, 128), jnp.int32),
      ],
  )
  def deg_kernel(dst_hbm, e1_hbm, zeros_hbm, out_hbm, acc_sh, e1_v, dst_all):
    cid = lax.axis_index("c")
    sid = lax.axis_index("s")
    wid = sid * SC_CORES + cid
    rbase = sid * ROWS_PER_SUB
    pltpu.sync_copy(zeros_hbm, acc_sh.at[pl.ds(rbase, ROWS_PER_SUB)])
    pltpu.sync_copy(e1_hbm, e1_v)
    pltpu.sync_copy(dst_hbm.at[wid], dst_all)
    plsc.subcore_barrier()

    def body(k, carry):
      pltpu.sync_copy(e1_v, acc_sh.at[dst_all.at[k]], add=True)
      return carry

    lax.fori_loop(0, DEG_NCH, body, 0)
    plsc.subcore_barrier()
    pltpu.sync_copy(acc_sh.at[pl.ds(rbase, ROWS_PER_SUB)],
                    out_hbm.at[cid, pl.ds(rbase, ROWS_PER_SUB)])

  return deg_kernel


@functools.lru_cache(maxsize=None)
def _make_scatter_kernel(D, ring, gdepth, chunk, nch):
  sdepth = ring - gdepth

  @functools.partial(
      pl.kernel,
      out_type=jax.ShapeDtypeStruct((SC_CORES, N_PAD, D), jnp.float32),
      mesh=_get_mesh(),
      compiler_params=pltpu.CompilerParams(use_tc_tiling_on_sc=False),
      scratch_types=[
          pltpu.VMEM_SHARED((N_PAD, D), jnp.float32),
          pltpu.VMEM((nch, chunk), jnp.int32),
          pltpu.VMEM((nch, chunk), jnp.int32),
      ] + [pltpu.VMEM((chunk, D), jnp.float32)] * ring
        + [pltpu.SemaphoreType.DMA] * (2 * ring),
  )
  def scat_kernel(src_hbm, dst_hbm, rows_hbm, zeros_hbm, out_hbm,
                  acc_sh, src_all, dst_all, *bufsem):
    bufs = bufsem[:ring]
    gsem = bufsem[ring:2 * ring]
    ssem = bufsem[2 * ring:]
    cid = lax.axis_index("c")
    sid = lax.axis_index("s")
    rbase = sid * ROWS_PER_SUB
    pltpu.sync_copy(zeros_hbm, acc_sh.at[pl.ds(rbase, ROWS_PER_SUB)])
    pltpu.sync_copy(src_hbm.at[cid, sid], src_all)
    pltpu.sync_copy(dst_hbm.at[cid, sid], dst_all)
    plsc.subcore_barrier()

    for b in range(gdepth):
      pltpu.async_copy(rows_hbm.at[src_all.at[b]], bufs[b], gsem[b])

    def body(j, carry):
      for b in range(ring):
        k = j * ring + b
        pltpu.make_async_copy(rows_hbm.at[src_all.at[k]], bufs[b], gsem[b]).wait()
        pltpu.async_copy(bufs[b], acc_sh.at[dst_all.at[k]], ssem[b], add=True)

        bw = (b - sdepth) % ring

        @pl.when(k >= sdepth)
        def _():
          kw = k - sdepth
          pltpu.make_async_copy(bufs[bw], acc_sh.at[dst_all.at[kw]], ssem[bw]).wait()

        bn = (b + gdepth) % ring

        @pl.when(k + gdepth < nch)
        def _():
          kn = k + gdepth
          pltpu.async_copy(rows_hbm.at[src_all.at[kn]], bufs[bn], gsem[bn])

      return carry

    lax.fori_loop(0, nch // ring, body, 0)
    tail = nch % ring
    for k in range(nch - tail, nch):
      b = k % ring
      pltpu.make_async_copy(rows_hbm.at[src_all.at[k]], bufs[b], gsem[b]).wait()
      pltpu.async_copy(bufs[b], acc_sh.at[dst_all.at[k]], ssem[b], add=True)
    for k in range(nch - tail - sdepth, nch):
      b = k % ring
      pltpu.make_async_copy(bufs[b], acc_sh.at[dst_all.at[k]], ssem[b]).wait()
    plsc.subcore_barrier()
    pltpu.sync_copy(acc_sh.at[pl.ds(rbase, ROWS_PER_SUB)],
                    out_hbm.at[cid, pl.ds(rbase, ROWS_PER_SUB)])

  return scat_kernel


@functools.lru_cache(maxsize=None)
def _make_packed_scatter_kernel(D, ring, gdepth, chunk, nch):
  sdepth = ring - gdepth

  @functools.partial(
      pl.kernel,
      out_type=jax.ShapeDtypeStruct((SC_CORES, N_PAD, D), jnp.float32),
      mesh=_get_mesh(),
      compiler_params=pltpu.CompilerParams(use_tc_tiling_on_sc=False),
      scratch_types=[
          pltpu.VMEM_SHARED((N_PAD, D), jnp.float32),
          pltpu.VMEM((nch, chunk), jnp.int32),
      ] + [pltpu.VMEM((chunk,), jnp.int32)] * (2 * ring)
        + [pltpu.VMEM((chunk, D), jnp.float32)] * ring
        + [pltpu.SemaphoreType.DMA] * (2 * ring),
  )
  def scat_kernel(pk_hbm, rows_hbm, zeros_hbm, out_hbm,
                  acc_sh, pk_all, *bufsem):
    srcb = bufsem[:ring]
    dstb = bufsem[ring:2 * ring]
    bufs = bufsem[2 * ring:3 * ring]
    gsem = bufsem[3 * ring:4 * ring]
    ssem = bufsem[4 * ring:]
    cid = lax.axis_index("c")
    sid = lax.axis_index("s")
    rbase = sid * ROWS_PER_SUB
    pltpu.sync_copy(zeros_hbm, acc_sh.at[pl.ds(rbase, ROWS_PER_SUB)])
    pltpu.sync_copy(pk_hbm.at[cid, sid], pk_all)
    plsc.subcore_barrier()

    def unpack(k, slot):
      for i in range(chunk // 16):
        v = pk_all[k, pl.ds(i * 16, 16)]
        srcb[slot][pl.ds(i * 16, 16)] = lax.shift_right_logical(v, 16)
        dstb[slot][pl.ds(i * 16, 16)] = lax.bitwise_and(v, 0xFFFF)

    for b in range(gdepth):
      unpack(b, b)
      pltpu.async_copy(rows_hbm.at[srcb[b]], bufs[b], gsem[b])

    def body(j, carry):
      for b in range(ring):
        k = j * ring + b
        pltpu.make_async_copy(rows_hbm.at[srcb[b]], bufs[b], gsem[b]).wait()
        pltpu.async_copy(bufs[b], acc_sh.at[dstb[b]], ssem[b], add=True)

        bw = (b - sdepth) % ring

        @pl.when(k >= sdepth)
        def _():
          pltpu.make_async_copy(bufs[bw], acc_sh.at[dstb[bw]], ssem[bw]).wait()

        bn = (b + gdepth) % ring

        @pl.when(k + gdepth < nch)
        def _():
          unpack(k + gdepth, bn)
          pltpu.async_copy(rows_hbm.at[srcb[bn]], bufs[bn], gsem[bn])

      return carry

    lax.fori_loop(0, nch // ring, body, 0)
    tail = nch % ring
    for k in range(nch - tail, nch):
      b = k % ring
      pltpu.make_async_copy(rows_hbm.at[srcb[b]], bufs[b], gsem[b]).wait()
      pltpu.async_copy(bufs[b], acc_sh.at[dstb[b]], ssem[b], add=True)
    for k in range(nch - tail - sdepth, nch):
      b = k % ring
      pltpu.make_async_copy(bufs[b], acc_sh.at[dstb[b]], ssem[b]).wait()
    plsc.subcore_barrier()
    pltpu.sync_copy(acc_sh.at[pl.ds(rbase, ROWS_PER_SUB)],
                    out_hbm.at[cid, pl.ds(rbase, ROWS_PER_SUB)])

  return scat_kernel


TB = 1024


def _tc_prep_body(dp_ref, x_ref, y1_ref, dinv_ref):
  deg = 1.0 + dp_ref[0, :, 0:1] + dp_ref[1, :, 0:1]
  dinv = lax.rsqrt(deg)
  dinvf = jnp.broadcast_to(dinv, (TB, F))
  dinv_ref[...] = dinvf
  y1_ref[...] = x_ref[...] * dinvf


def _tc_mid_body(s1_ref, y1_ref, dinv_ref, w1_ref, b1_ref, w2_ref, z_ref):
  dinvf = dinv_ref[...]
  s1 = s1_ref[0] + s1_ref[1] + y1_ref[...]
  agg1 = dinvf * s1
  h = lax.dot_general(agg1, w1_ref[...], (((1,), (0,)), ((), ())),
                      preferred_element_type=jnp.float32)
  h = jnp.maximum(h + b1_ref[...], 0.0)
  z_ref[...] = lax.dot_general(h * dinvf, w2_ref[...], (((1,), (0,)), ((), ())),
                               preferred_element_type=jnp.float32)


def _tc_out_body(s2_ref, z_ref, dinv_ref, b2_ref, out_ref):
  s2 = s2_ref[0] + s2_ref[1] + z_ref[...]
  out_ref[...] = dinv_ref[...][:, :NCLS] * s2 + b2_ref[...]


def _tc_prep(dp, x_pad):
  grid = (N_PAD // TB,)
  return pl.pallas_call(
      _tc_prep_body,
      grid=grid,
      in_specs=[
          pl.BlockSpec((SC_CORES, TB, 16), lambda i: (0, i, 0)),
          pl.BlockSpec((TB, F), lambda i: (i, 0)),
      ],
      out_specs=[
          pl.BlockSpec((TB, F), lambda i: (i, 0)),
          pl.BlockSpec((TB, F), lambda i: (i, 0)),
      ],
      out_shape=[
          jax.ShapeDtypeStruct((N_PAD, F), jnp.float32),
          jax.ShapeDtypeStruct((N_PAD, F), jnp.float32),
      ],
  )(dp, x_pad)


def _tc_mid(s1, y1p, dinvf, W1, b1, W2):
  grid = (N_PAD // TB,)
  return pl.pallas_call(
      _tc_mid_body,
      grid=grid,
      in_specs=[
          pl.BlockSpec((SC_CORES, TB, F), lambda i: (0, i, 0)),
          pl.BlockSpec((TB, F), lambda i: (i, 0)),
          pl.BlockSpec((TB, F), lambda i: (i, 0)),
          pl.BlockSpec((F, HID), lambda i: (0, 0)),
          pl.BlockSpec((1, HID), lambda i: (0, 0)),
          pl.BlockSpec((HID, NCLS), lambda i: (0, 0)),
      ],
      out_specs=pl.BlockSpec((TB, NCLS), lambda i: (i, 0)),
      out_shape=jax.ShapeDtypeStruct((N_PAD, NCLS), jnp.float32),
  )(s1, y1p, dinvf, W1, b1.reshape(1, HID), W2)


def _tc_out(s2, zp, dinvf, b2):
  tb = 1000
  grid = (N // tb,)
  return pl.pallas_call(
      _tc_out_body,
      grid=grid,
      in_specs=[
          pl.BlockSpec((SC_CORES, tb, NCLS), lambda i: (0, i, 0)),
          pl.BlockSpec((tb, NCLS), lambda i: (i, 0)),
          pl.BlockSpec((tb, F), lambda i: (i, 0)),
          pl.BlockSpec((1, NCLS), lambda i: (0, 0)),
      ],
      out_specs=pl.BlockSpec((tb, NCLS), lambda i: (i, 0)),
      out_shape=jax.ShapeDtypeStruct((N, NCLS), jnp.float32),
  )(s2, zp, dinvf, b2.reshape(1, NCLS))


@jax.jit
def kernel(node_features, edge_indices, W1, b1, W2, b2):
  pad = E_PAD - E
  fill = jnp.arange(pad, dtype=jnp.int32)
  srcp = jnp.concatenate([edge_indices[0], fill % N])
  dstp = jnp.concatenate([edge_indices[1], N + fill % (N_PAD - N)])
  dst_deg = dstp.reshape(NW, DEG_NCH, 128)

  x_pad = jnp.pad(node_features, ((0, N_PAD - N), (0, 0)))

  e1 = jnp.zeros((128, 16), jnp.float32).at[:, 0].set(1.0)
  z16 = jnp.zeros((ROWS_PER_SUB, 16), jnp.float32)
  z64 = jnp.zeros((ROWS_PER_SUB, 64), jnp.float32)
  z128 = jnp.zeros((ROWS_PER_SUB, 128), jnp.float32)

  dp = _make_deg_kernel()(dst_deg, e1, z16)
  y1p, dinvf = _tc_prep(dp, x_pad)
  pk4 = ((srcp << 16) | dstp).reshape(SC_CORES, SC_SUBCORES, NCH, CHUNK)
  s1 = _make_packed_scatter_kernel(128, 4, 3, CHUNK, NCH)(pk4, y1p, z128)
  zp = _tc_mid(s1, y1p, dinvf, W1, b1, W2)
  src4b = srcp.reshape(SC_CORES, SC_SUBCORES, NCH // 2, 2 * CHUNK)
  dst4b = dstp.reshape(SC_CORES, SC_SUBCORES, NCH // 2, 2 * CHUNK)
  s2 = _make_scatter_kernel(64, 6, 4, 2 * CHUNK, NCH // 2)(src4b, dst4b, zp, z64)
  return _tc_out(s2, zp, dinvf, b2)

# --- scband reference (transcript-rebuilt; emitter-appended) ---
"""Pipeline reference for scband-sgconv-model-40578851012868 (READ-ONLY COPY).

The authoritative reference and input builder live on the scoring server;
editing this copy changes nothing except your own understanding.
"""

import jax, jax.numpy as jnp
import numpy as np

N = 10000
E = 320000
F_IN = 128
HID = 128
NC = 64


def setup_inputs(seed: int = 0) -> dict:
    key = jax.random.key(seed)
    k1, k2, k3, k4, k5, k6 = jax.random.split(key, 6)
    node_features = jax.random.normal(k1, (N, F_IN), dtype=jnp.float32)
    edge_indices = jax.random.randint(k2, (2, E), 0, N, dtype=jnp.int32)
    W1 = jax.random.normal(k3, (F_IN, HID), dtype=jnp.float32) * (1.0 / np.sqrt(F_IN))
    b1 = jnp.zeros((HID,), dtype=jnp.float32)
    W2 = jax.random.normal(k4, (HID, NC), dtype=jnp.float32) * (1.0 / np.sqrt(HID))
    b2 = jnp.zeros((NC,), dtype=jnp.float32)
    return {"node_features": node_features, "edge_indices": edge_indices,
            "W1": W1, "b1": b1, "W2": W2, "b2": b2}


def _sgconv(x, src, dst, W, b):
    n = x.shape[0]
    # add self loops (already appended in caller via src/dst) -> here src/dst include loops
    w = jnp.ones(src.shape[0], dtype=x.dtype)
    deg = jnp.zeros((n,), dtype=x.dtype).at[dst].add(w)
    dinv = jnp.where(deg > 0, jax.lax.rsqrt(jnp.maximum(deg, 1e-12)), 0.0)
    norm = dinv[src] * dinv[dst]
    msg = x[src] * norm[:, None]
    agg = jnp.zeros_like(x).at[dst].add(msg)
    return agg @ W + b


def reference(node_features, edge_indices, W1, b1, W2, b2):
    n = node_features.shape[0]
    loop = jnp.arange(n, dtype=edge_indices.dtype)
    src = jnp.concatenate([edge_indices[0], loop])
    dst = jnp.concatenate([edge_indices[1], loop])
    x = _sgconv(node_features, src, dst, W1, b1)
    x = jax.nn.relu(x)
    x = _sgconv(x, src, dst, W2, b2)
    return x

if __name__ == "__main__":
    import jax
    _d = setup_inputs()
    print(jax.jit(kernel)(*tuple(_d.values())))

</pallas_src>

<mosaic_0001>
#map = affine_map<(d0, d1) -> (0, 0, 0, 0)>
#map1 = affine_map<(d0, d1) -> (0, 0)>
#map2 = affine_map<(d0, d1) -> (0, 0, 0)>
module attributes {stable_mosaic.version = 14 : i64} {
  func.func @scat_kernel(%arg0: i32, %arg1: i32, %arg2: memref<2x16x160x64xi32, #tpu.memory_space<hbm>>, %arg3: memref<10240x128xf32, #tpu.memory_space<hbm>>, %arg4: memref<640x128xf32, #tpu.memory_space<hbm>>, %arg5: memref<2x10240x128xf32, #tpu.memory_space<hbm>>, %arg6: memref<10240x128xf32, #tpu.memory_space<vmem_shared>>, %arg7: memref<160x64xi32, #tpu.memory_space<vmem>>, %arg8: memref<64xi32, #tpu.memory_space<vmem>>, %arg9: memref<64xi32, #tpu.memory_space<vmem>>, %arg10: memref<64xi32, #tpu.memory_space<vmem>>, %arg11: memref<64xi32, #tpu.memory_space<vmem>>, %arg12: memref<64xi32, #tpu.memory_space<vmem>>, %arg13: memref<64xi32, #tpu.memory_space<vmem>>, %arg14: memref<64xi32, #tpu.memory_space<vmem>>, %arg15: memref<64xi32, #tpu.memory_space<vmem>>, %arg16: memref<64x128xf32, #tpu.memory_space<vmem>>, %arg17: memref<64x128xf32, #tpu.memory_space<vmem>>, %arg18: memref<64x128xf32, #tpu.memory_space<vmem>>, %arg19: memref<64x128xf32, #tpu.memory_space<vmem>>, %arg20: memref<!tpu.dma_semaphore, #tpu.memory_space<semaphore_mem>>, %arg21: memref<!tpu.dma_semaphore, #tpu.memory_space<semaphore_mem>>, %arg22: memref<!tpu.dma_semaphore, #tpu.memory_space<semaphore_mem>>, %arg23: memref<!tpu.dma_semaphore, #tpu.memory_space<semaphore_mem>>, %arg24: memref<!tpu.dma_semaphore, #tpu.memory_space<semaphore_mem>>, %arg25: memref<!tpu.dma_semaphore, #tpu.memory_space<semaphore_mem>>, %arg26: memref<!tpu.dma_semaphore, #tpu.memory_space<semaphore_mem>>, %arg27: memref<!tpu.dma_semaphore, #tpu.memory_space<semaphore_mem>>) attributes {dimension_semantics = [#tpu.dimension_semantics<core_parallel>, #tpu.dimension_semantics<subcore_parallel>], iteration_bounds = array<i64: 2, 16>, scalar_prefetch = 0 : i64, scratch_operands = 22 : i64, tpu.core_type = #tpu.core_type<sc_vector_subcore>, window_params = [{transform_indices = #map}, {transform_indices = #map1}, {transform_indices = #map1}, {transform_indices = #map2}]} {
    %mul3A = arith.constant 640 : i32
    %mul3A_0 = arith.muli %arg1, %mul3A : i32
    "tpu.region"() ({
      %run_scoped3A = tpu.sem_alloc : memref<!tpu.dma_semaphore, #tpu.memory_space<semaphore_mem>>
      %dma_start3A_241 = arith.constant 0 : i32
      %dma_start3A_242 = tpu.memref_slice %arg6[%mul3A_0, %dma_start3A_241] : memref<10240x128xf32, #tpu.memory_space<vmem_shared>> -> memref<640x128xf32, #tpu.memory_space<vmem_shared>>
      tpu.enqueue_dma source(%arg4 : memref<640x128xf32, #tpu.memory_space<hbm>>) target(%dma_start3A_242 : memref<640x128xf32, #tpu.memory_space<vmem_shared>>) target_semaphore(%run_scoped3A : memref<!tpu.dma_semaphore, #tpu.memory_space<semaphore_mem>>)
      %dma_wait3A_243 = arith.constant 0 : i32
      %dma_wait3A_244 = tpu.memref_slice %arg6[%mul3A_0, %dma_wait3A_243] : memref<10240x128xf32, #tpu.memory_space<vmem_shared>> -> memref<640x128xf32, #tpu.memory_space<vmem_shared>>
      tpu.wait_dma2 semaphore(%run_scoped3A : memref<!tpu.dma_semaphore, #tpu.memory_space<semaphore_mem>>) src(%arg4 : memref<640x128xf32, #tpu.memory_space<hbm>>) dst(%dma_wait3A_244 : memref<640x128xf32, #tpu.memory_space<vmem_shared>>)
      tpu.yield
    }) : () -> ()
    "tpu.region"() ({
      %run_scoped3A = tpu.sem_alloc : memref<!tpu.dma_semaphore, #tpu.memory_space<semaphore_mem>>
      %dma_start3A_241 = arith.constant 0 : i32
      %dma_start3A_242 = arith.constant 0 : i32
      %dma_start3A_243 = tpu.memref_slice %arg2[%arg0, %arg1, %dma_start3A_241, %dma_start3A_242] : memref<2x16x160x64xi32, #tpu.memory_space<hbm>> -> memref<1x1x160x64xi32, #tpu.memory_space<hbm>>
      %dma_start3A_244 = tpu.memref_squeeze %dma_start3A_243 : memref<1x1x160x64xi32, #tpu.memory_space<hbm>> -> memref<160x64xi32, #tpu.memory_space<hbm>>
      %dma_start3A_245 = arith.constant 0 : i32
      %dma_start3A_246 = arith.constant 0 : i32
      %dma_start3A_247 = tpu.memref_slice %arg2[%arg0, %arg1, %dma_start3A_245, %dma_start3A_246] : memref<2x16x160x64xi32, #tpu.memory_space<hbm>> -> memref<1x1x160x64xi32, #tpu.memory_space<hbm>>
      %dma_start3A_248 = tpu.memref_squeeze %dma_start3A_247 : memref<1x1x160x64xi32, #tpu.memory_space<hbm>> -> memref<160x64xi32, #tpu.memory_space<hbm>>
      tpu.enqueue_dma source(%dma_start3A_248 : memref<160x64xi32, #tpu.memory_space<hbm>>) target(%arg7 : memref<160x64xi32, #tpu.memory_space<vmem>>) target_semaphore(%run_scoped3A : memref<!tpu.dma_semaphore, #tpu.memory_space<semaphore_mem>>)
      %dma_wait3A_249 = arith.constant 0 : i32
      %dma_wait3A_250 = arith.constant 0 : i32
      %dma_wait3A_251 = tpu.memref_slice %arg2[%arg0, %arg1, %dma_wait3A_249, %dma_wait3A_250] : memref<2x16x160x64xi32, #tpu.memory_space<hbm>> -> memref<1x1x160x64xi32, #tpu.memory_space<hbm>>
      %dma_wait3A_252 = tpu.memref_squeeze %dma_wait3A_251 : memref<1x1x160x64xi32, #tpu.memory_space<hbm>> -> memref<160x64xi32, #tpu.memory_space<hbm>>
      %dma_wait3A_253 = arith.constant 0 : i32
      %dma_wait3A_254 = arith.constant 0 : i32
      %dma_wait3A_255 = tpu.memref_slice %arg2[%arg0, %arg1, %dma_wait3A_253, %dma_wait3A_254] : memref<2x16x160x64xi32, #tpu.memory_space<hbm>> -> memref<1x1x160x64xi32, #tpu.memory_space<hbm>>
      %dma_wait3A_256 = tpu.memref_squeeze %dma_wait3A_255 : memref<1x1x160x64xi32, #tpu.memory_space<hbm>> -> memref<160x64xi32, #tpu.memory_space<hbm>>
      tpu.wait_dma2 semaphore(%run_scoped3A : memref<!tpu.dma_semaphore, #tpu.memory_space<semaphore_mem>>) src(%dma_wait3A_256 : memref<160x64xi32, #tpu.memory_space<hbm>>) dst(%arg7 : memref<160x64xi32, #tpu.memory_space<vmem>>)
      tpu.yield
    }) : () -> ()
    %barrier3A = arith.constant 0 : index
    tpu.barrier barrier_id(%barrier3A)
    %get3A = arith.constant 0 : i32
    %get3A_1 = arith.index_cast %get3A : i32 to index
    %get3A_2 = arith.constant 0 : index
    %get3A_3 = tpu.vector_load %arg7[%get3A_1, %get3A_2] {strides = array<i32>} : memref<160x64xi32, #tpu.memory_space<vmem>>, vector<1x16xi32>,
    %get3A_4 = vector.shape_cast %get3A_3 : vector<1x16xi32> to vector<16xi32>
    %shift_right_logical3A = arith.constant 16 : i32
    %shift_right_logical3A_5 = vector.broadcast %shift_right_logical3A : i32 to vector<16xi32>
    %shift_right_logical3A_6 = arith.shrui %get3A_4, %shift_right_logical3A_5 : vector<16xi32>
    %swap3A = arith.constant 0 : index
    %swap3A_7 = tpu.vector_load %arg8[%swap3A] {strides = array<i32>} : memref<64xi32, #tpu.memory_space<vmem>>, vector<16xi32>,
    %swap3A_8 = vector.shape_cast %swap3A_7 : vector<16xi32> to vector<16xi32>
    %swap3A_9 = vector.shape_cast %shift_right_logical3A_6 : vector<16xi32> to vector<16xi32>
    tpu.vector_store %arg8[%swap3A], %swap3A_9 {strides = array<i32>} : memref<64xi32, #tpu.memory_space<vmem>>, vector<16xi32>,
    %and3A = arith.constant 65535 : i32
    %and3A_10 = vector.broadcast %and3A : i32 to vector<16xi32>
    %and3A_11 = arith.andi %get3A_4, %and3A_10 : vector<16xi32>
    %swap3A_12 = arith.constant 0 : index
    %swap3A_13 = tpu.vector_load %arg12[%swap3A_12] {strides = array<i32>} : memref<64xi32, #tpu.memory_space<vmem>>, vector<16xi32>,
    %swap3A_14 = vector.shape_cast %swap3A_13 : vector<16xi32> to vector<16xi32>
    %swap3A_15 = vector.shape_cast %and3A_11 : vector<16xi32> to vector<16xi32>
    tpu.vector_store %arg12[%swap3A_12], %swap3A_15 {strides = array<i32>} : memref<64xi32, #tpu.memory_space<vmem>>, vector<16xi32>,
    %get3A_16 = arith.constant 0 : i32
    %get3A_17 = arith.index_cast %get3A_16 : i32 to index
    %get3A_18 = arith.constant 16 : index
    %get3A_19 = tpu.vector_load %arg7[%get3A_17, %get3A_18] {strides = array<i32>} : memref<160x64xi32, #tpu.memory_space<vmem>>, vector<1x16xi32>,
    %get3A_20 = vector.shape_cast %get3A_19 : vector<1x16xi32> to vector<16xi32>
    %shift_right_logical3A_21 = arith.constant 16 : i32
    %shift_right_logical3A_22 = vector.broadcast %shift_right_logical3A_21 : i32 to vector<16xi32>
    %shift_right_logical3A_23 = arith.shrui %get3A_20, %shift_right_logical3A_22 : vector<16xi32>
    %swap3A_24 = arith.constant 16 : index
    %swap3A_25 = tpu.vector_load %arg8[%swap3A_24] {strides = array<i32>} : memref<64xi32, #tpu.memory_space<vmem>>, vector<16xi32>,
    %swap3A_26 = vector.shape_cast %swap3A_25 : vector<16xi32> to vector<16xi32>
    %swap3A_27 = vector.shape_cast %shift_right_logical3A_23 : vector<16xi32> to vector<16xi32>
    tpu.vector_store %arg8[%swap3A_24], %swap3A_27 {strides = array<i32>} : memref<64xi32, #tpu.memory_space<vmem>>, vector<16xi32>,
    %and3A_28 = arith.constant 65535 : i32
    %and3A_29 = vector.broadcast %and3A_28 : i32 to vector<16xi32>
    %and3A_30 = arith.andi %get3A_20, %and3A_29 : vector<16xi32>
    %swap3A_31 = arith.constant 16 : index
    %swap3A_32 = tpu.vector_load %arg12[%swap3A_31] {strides = array<i32>} : memref<64xi32, #tpu.memory_space<vmem>>, vector<16xi32>,
    %swap3A_33 = vector.shape_cast %swap3A_32 : vector<16xi32> to vector<16xi32>
    %swap3A_34 = vector.shape_cast %and3A_30 : vector<16xi32> to vector<16xi32>
    tpu.vector_store %arg12[%swap3A_31], %swap3A_34 {strides = array<i32>} : memref<64xi32, #tpu.memory_space<vmem>>, vector<16xi32>,
    %get3A_35 = arith.constant 0 : i32
    %get3A_36 = arith.index_cast %get3A_35 : i32 to index
    %get3A_37 = arith.constant 32 : index
    %get3A_38 = tpu.vector_load %arg7[%get3A_36, %get3A_37] {strides = array<i32>} : memref<160x64xi32, #tpu.memory_space<vmem>>, vector<1x16xi32>,
    %get3A_39 = vector.shape_cast %get3A_38 : vector<1x16xi32> to vector<16xi32>
    %shift_right_logical3A_40 = arith.constant 16 : i32
    %shift_right_logical3A_41 = vector.broadcast %shift_right_logical3A_40 : i32 to vector<16xi32>
    %shift_right_logical3A_42 = arith.shrui %get3A_39, %shift_right_logical3A_41 : vector<16xi32>
    %swap3A_43 = arith.constant 32 : index
    %swap3A_44 = tpu.vector_load %arg8[%swap3A_43] {strides = array<i32>} : memref<64xi32, #tpu.memory_space<vmem>>, vector<16xi32>,
    %swap3A_45 = vector.shape_cast %swap3A_44 : vector<16xi32> to vector<16xi32>
    %swap3A_46 = vector.shape_cast %shift_right_logical3A_42 : vector<16xi32> to vector<16xi32>
    tpu.vector_store %arg8[%swap3A_43], %swap3A_46 {strides = array<i32>} : memref<64xi32, #tpu.memory_space<vmem>>, vector<16xi32>,
    %and3A_47 = arith.constant 65535 : i32
    %and3A_48 = vector.broadcast %and3A_47 : i32 to vector<16xi32>
    %and3A_49 = arith.andi %get3A_39, %and3A_48 : vector<16xi32>
    %swap3A_50 = arith.constant 32 : index
    %swap3A_51 = tpu.vector_load %arg12[%swap3A_50] {strides = array<i32>} : memref<64xi32, #tpu.memory_space<vmem>>, vector<16xi32>,
    %swap3A_52 = vector.shape_cast %swap3A_51 : vector<16xi32> to vector<16xi32>
    %swap3A_53 = vector.shape_cast %and3A_49 : vector<16xi32> to vector<16xi32>
    tpu.vector_store %arg12[%swap3A_50], %swap3A_53 {strides = array<i32>} : memref<64xi32, #tpu.memory_space<vmem>>, vector<16xi32>,
    %get3A_54 = arith.constant 0 : i32
    %get3A_55 = arith.index_cast %get3A_54 : i32 to index
    %get3A_56 = arith.constant 48 : index
    %get3A_57 = tpu.vector_load %arg7[%get3A_55, %get3A_56] {strides = array<i32>} : memref<160x64xi32, #tpu.memory_space<vmem>>, vector<1x16xi32>,
    %get3A_58 = vector.shape_cast %get3A_57 : vector<1x16xi32> to vector<16xi32>
    %shift_right_logical3A_59 = arith.constant 16 : i32
    %shift_right_logical3A_60 = vector.broadcast %shift_right_logical3A_59 : i32 to vector<16xi32>
    %shift_right_logical3A_61 = arith.shrui %get3A_58, %shift_right_logical3A_60 : vector<16xi32>
    %swap3A_62 = arith.constant 48 : index
    %swap3A_63 = tpu.vector_load %arg8[%swap3A_62] {strides = array<i32>} : memref<64xi32, #tpu.memory_space<vmem>>, vector<16xi32>,
    %swap3A_64 = vector.shape_cast %swap3A_63 : vector<16xi32> to vector<16xi32>
    %swap3A_65 = vector.shape_cast %shift_right_logical3A_61 : vector<16xi32> to vector<16xi32>
    tpu.vector_store %arg8[%swap3A_62], %swap3A_65 {strides = array<i32>} : memref<64xi32, #tpu.memory_space<vmem>>, vector<16xi32>,
    %and3A_66 = arith.constant 65535 : i32
    %and3A_67 = vector.broadcast %and3A_66 : i32 to vector<16xi32>
    %and3A_68 = arith.andi %get3A_58, %and3A_67 : vector<16xi32>
    %swap3A_69 = arith.constant 48 : index
    %swap3A_70 = tpu.vector_load %arg12[%swap3A_69] {strides = array<i32>} : memref<64xi32, #tpu.memory_space<vmem>>, vector<16xi32>,
    %swap3A_71 = vector.shape_cast %swap3A_70 : vector<16xi32> to vector<16xi32>
    %swap3A_72 = vector.shape_cast %and3A_68 : vector<16xi32> to vector<16xi32>
    tpu.vector_store %arg12[%swap3A_69], %swap3A_72 {strides = array<i32>} : memref<64xi32, #tpu.memory_space<vmem>>, vector<16xi32>,
    %dma_start3A = arith.constant 0 : i32
    %dma_start3A_73 = arith.constant 0 : i32
    %dma_start3A_74 = tpu.memref_slice %arg3[%dma_start3A, %dma_start3A_73] : memref<10240x128xf32, #tpu.memory_space<hbm>> -> memref<10240x128xf32, #tpu.memory_space<hbm>>
    tpu.enqueue_indirect_dma source(%dma_start3A_74 : memref<10240x128xf32, #tpu.memory_space<hbm>>) target(%arg16 : memref<64x128xf32, #tpu.memory_space<vmem>>) offsets(%arg8 : memref<64xi32, #tpu.memory_space<vmem>>) semaphore(%arg20 : memref<!tpu.dma_semaphore, #tpu.memory_space<semaphore_mem>>)
    %get3A_75 = arith.constant 1 : i32
    %get3A_76 = arith.index_cast %get3A_75 : i32 to index
    %get3A_77 = arith.constant 0 : index
    %get3A_78 = tpu.vector_load %arg7[%get3A_76, %get3A_77] {strides = array<i32>} : memref<160x64xi32, #tpu.memory_space<vmem>>, vector<1x16xi32>,
    %get3A_79 = vector.shape_cast %get3A_78 : vector<1x16xi32> to vector<16xi32>
    %shift_right_logical3A_80 = arith.constant 16 : i32
    %shift_right_logical3A_81 = vector.broadcast %shift_right_logical3A_80 : i32 to vector<16xi32>
    %shift_right_logical3A_82 = arith.shrui %get3A_79, %shift_right_logical3A_81 : vector<16xi32>
    %swap3A_83 = arith.constant 0 : index
    %swap3A_84 = tpu.vector_load %arg9[%swap3A_83] {strides = array<i32>} : memref<64xi32, #tpu.memory_space<vmem>>, vector<16xi32>,
    %swap3A_85 = vector.shape_cast %swap3A_84 : vector<16xi32> to vector<16xi32>
    %swap3A_86 = vector.shape_cast %shift_right_logical3A_82 : vector<16xi32> to vector<16xi32>
    tpu.vector_store %arg9[%swap3A_83], %swap3A_86 {strides = array<i32>} : memref<64xi32, #tpu.memory_space<vmem>>, vector<16xi32>,
    %and3A_87 = arith.constant 65535 : i32
    %and3A_88 = vector.broadcast %and3A_87 : i32 to vector<16xi32>
    %and3A_89 = arith.andi %get3A_79, %and3A_88 : vector<16xi32>
    %swap3A_90 = arith.constant 0 : index
    %swap3A_91 = tpu.vector_load %arg13[%swap3A_90] {strides = array<i32>} : memref<64xi32, #tpu.memory_space<vmem>>, vector<16xi32>,
    %swap3A_92 = vector.shape_cast %swap3A_91 : vector<16xi32> to vector<16xi32>
    %swap3A_93 = vector.shape_cast %and3A_89 : vector<16xi32> to vector<16xi32>
    tpu.vector_store %arg13[%swap3A_90], %swap3A_93 {strides = array<i32>} : memref<64xi32, #tpu.memory_space<vmem>>, vector<16xi32>,
    %get3A_94 = arith.constant 1 : i32
    %get3A_95 = arith.index_cast %get3A_94 : i32 to index
    %get3A_96 = arith.constant 16 : index
    %get3A_97 = tpu.vector_load %arg7[%get3A_95, %get3A_96] {strides = array<i32>} : memref<160x64xi32, #tpu.memory_space<vmem>>, vector<1x16xi32>,
    %get3A_98 = vector.shape_cast %get3A_97 : vector<1x16xi32> to vector<16xi32>
    %shift_right_logical3A_99 = arith.constant 16 : i32
    %shift_right_logical3A_100 = vector.broadcast %shift_right_logical3A_99 : i32 to vector<16xi32>
    %shift_right_logical3A_101 = arith.shrui %get3A_98, %shift_right_logical3A_100 : vector<16xi32>
    %swap3A_102 = arith.constant 16 : index
    %swap3A_103 = tpu.vector_load %arg9[%swap3A_102] {strides = array<i32>} : memref<64xi32, #tpu.memory_space<vmem>>, vector<16xi32>,
    %swap3A_104 = vector.shape_cast %swap3A_103 : vector<16xi32> to vector<16xi32>
    %swap3A_105 = vector.shape_cast %shift_right_logical3A_101 : vector<16xi32> to vector<16xi32>
    tpu.vector_store %arg9[%swap3A_102], %swap3A_105 {strides = array<i32>} : memref<64xi32, #tpu.memory_space<vmem>>, vector<16xi32>,
    %and3A_106 = arith.constant 65535 : i32
    %and3A_107 = vector.broadcast %and3A_106 : i32 to vector<16xi32>
    %and3A_108 = arith.andi %get3A_98, %and3A_107 : vector<16xi32>
    %swap3A_109 = arith.constant 16 : index
    %swap3A_110 = tpu.vector_load %arg13[%swap3A_109] {strides = array<i32>} : memref<64xi32, #tpu.memory_space<vmem>>, vector<16xi32>,
    %swap3A_111 = vector.shape_cast %swap3A_110 : vector<16xi32> to vector<16xi32>
    %swap3A_112 = vector.shape_cast %and3A_108 : vector<16xi32> to vector<16xi32>
    tpu.vector_store %arg13[%swap3A_109], %swap3A_112 {strides = array<i32>} : memref<64xi32, #tpu.memory_space<vmem>>, vector<16xi32>,
    %get3A_113 = arith.constant 1 : i32
    %get3A_114 = arith.index_cast %get3A_113 : i32 to index
    %get3A_115 = arith.constant 32 : index
    %get3A_116 = tpu.vector_load %arg7[%get3A_114, %get3A_115] {strides = array<i32>} : memref<160x64xi32, #tpu.memory_space<vmem>>, vector<1x16xi32>,
    %get3A_117 = vector.shape_cast %get3A_116 : vector<1x16xi32> to vector<16xi32>
    %shift_right_logical3A_118 = arith.constant 16 : i32
    %shift_right_logical3A_119 = vector.broadcast %shift_right_logical3A_118 : i32 to vector<16xi32>
    %shift_right_logical3A_120 = arith.shrui %get3A_117, %shift_right_logical3A_119 : vector<16xi32>
    %swap3A_121 = arith.constant 32 : index
    %swap3A_122 = tpu.vector_load %arg9[%swap3A_121] {strides = array<i32>} : memref<64xi32, #tpu.memory_space<vmem>>, vector<16xi32>,
    %swap3A_123 = vector.shape_cast %swap3A_122 : vector<16xi32> to vector<16xi32>
    %swap3A_124 = vector.shape_cast %shift_right_logical3A_120 : vector<16xi32> to vector<16xi32>
    tpu.vector_store %arg9[%swap3A_121], %swap3A_124 {strides = array<i32>} : memref<64xi32, #tpu.memory_space<vmem>>, vector<16xi32>,
    %and3A_125 = arith.constant 65535 : i32
    %and3A_126 = vector.broadcast %and3A_125 : i32 to vector<16xi32>
    %and3A_127 = arith.andi %get3A_117, %and3A_126 : vector<16xi32>
    %swap3A_128 = arith.constant 32 : index
    %swap3A_129 = tpu.vector_load %arg13[%swap3A_128] {strides = array<i32>} : memref<64xi32, #tpu.memory_space<vmem>>, vector<16xi32>,
    %swap3A_130 = vector.shape_cast %swap3A_129 : vector<16xi32> to vector<16xi32>
    %swap3A_131 = vector.shape_cast %and3A_127 : vector<16xi32> to vector<16xi32>
    tpu.vector_store %arg13[%swap3A_128], %swap3A_131 {strides = array<i32>} : memref<64xi32, #tpu.memory_space<vmem>>, vector<16xi32>,
    %get3A_132 = arith.constant 1 : i32
    %get3A_133 = arith.index_cast %get3A_132 : i32 to index
    %get3A_134 = arith.constant 48 : index
    %get3A_135 = tpu.vector_load %arg7[%get3A_133, %get3A_134] {strides = array<i32>} : memref<160x64xi32, #tpu.memory_space<vmem>>, vector<1x16xi32>,
    %get3A_136 = vector.shape_cast %get3A_135 : vector<1x16xi32> to vector<16xi32>
    %shift_right_logical3A_137 = arith.constant 16 : i32
    %shift_right_logical3A_138 = vector.broadcast %shift_right_logical3A_137 : i32 to vector<16xi32>
    %shift_right_logical3A_139 = arith.shrui %get3A_136, %shift_right_logical3A_138 : vector<16xi32>
    %swap3A_140 = arith.constant 48 : index
    %swap3A_141 = tpu.vector_load %arg9[%swap3A_140] {strides = array<i32>} : memref<64xi32, #tpu.memory_space<vmem>>, vector<16xi32>,
    %swap3A_142 = vector.shape_cast %swap3A_141 : vector<16xi32> to vector<16xi32>
    %swap3A_143 = vector.shape_cast %shift_right_logical3A_139 : vector<16xi32> to vector<16xi32>
    tpu.vector_store %arg9[%swap3A_140], %swap3A_143 {strides = array<i32>} : memref<64xi32, #tpu.memory_space<vmem>>, vector<16xi32>,
    %and3A_144 = arith.constant 65535 : i32
    %and3A_145 = vector.broadcast %and3A_144 : i32 to vector<16xi32>
    %and3A_146 = arith.andi %get3A_136, %and3A_145 : vector<16xi32>
    %swap3A_147 = arith.constant 48 : index
    %swap3A_148 = tpu.vector_load %arg13[%swap3A_147] {strides = array<i32>} : memref<64xi32, #tpu.memory_space<vmem>>, vector<16xi32>,
    %swap3A_149 = vector.shape_cast %swap3A_148 : vector<16xi32> to vector<16xi32>
    %swap3A_150 = vector.shape_cast %and3A_146 : vector<16xi32> to vector<16xi32>
    tpu.vector_store %arg13[%swap3A_147], %swap3A_150 {strides = array<i32>} : memref<64xi32, #tpu.memory_space<vmem>>, vector<16xi32>,
    %dma_start3A_151 = arith.constant 0 : i32
    %dma_start3A_152 = arith.constant 0 : i32
    %dma_start3A_153 = tpu.memref_slice %arg3[%dma_start3A_151, %dma_start3A_152] : memref<10240x128xf32, #tpu.memory_space<hbm>> -> memref<10240x128xf32, #tpu.memory_space<hbm>>
    tpu.enqueue_indirect_dma source(%dma_start3A_153 : memref<10240x128xf32, #tpu.memory_space<hbm>>) target(%arg17 : memref<64x128xf32, #tpu.memory_space<vmem>>) offsets(%arg9 : memref<64xi32, #tpu.memory_space<vmem>>) semaphore(%arg21 : memref<!tpu.dma_semaphore, #tpu.memory_space<semaphore_mem>>)
    %get3A_154 = arith.constant 2 : i32
    %get3A_155 = arith.index_cast %get3A_154 : i32 to index
    %get3A_156 = arith.constant 0 : index
    %get3A_157 = tpu.vector_load %arg7[%get3A_155, %get3A_156] {strides = array<i32>} : memref<160x64xi32, #tpu.memory_space<vmem>>, vector<1x16xi32>,
    %get3A_158 = vector.shape_cast %get3A_157 : vector<1x16xi32> to vector<16xi32>
    %shift_right_logical3A_159 = arith.constant 16 : i32
    %shift_right_logical3A_160 = vector.broadcast %shift_right_logical3A_159 : i32 to vector<16xi32>
    %shift_right_logical3A_161 = arith.shrui %get3A_158, %shift_right_logical3A_160 : vector<16xi32>
    %swap3A_162 = arith.constant 0 : index
    %swap3A_163 = tpu.vector_load %arg10[%swap3A_162] {strides = array<i32>} : memref<64xi32, #tpu.memory_space<vmem>>, vector<16xi32>,
    %swap3A_164 = vector.shape_cast %swap3A_163 : vector<16xi32> to vector<16xi32>
    %swap3A_165 = vector.shape_cast %shift_right_logical3A_161 : vector<16xi32> to vector<16xi32>
    tpu.vector_store %arg10[%swap3A_162], %swap3A_165 {strides = array<i32>} : memref<64xi32, #tpu.memory_space<vmem>>, vector<16xi32>,
    %and3A_166 = arith.constant 65535 : i32
    %and3A_167 = vector.broadcast %and3A_166 : i32 to vector<16xi32>
    %and3A_168 = arith.andi %get3A_158, %and3A_167 : vector<16xi32>
    %swap3A_169 = arith.constant 0 : index
    %swap3A_170 = tpu.vector_load %arg14[%swap3A_169] {strides = array<i32>} : memref<64xi32, #tpu.memory_space<vmem>>, vector<16xi32>,
    %swap3A_171 = vector.shape_cast %swap3A_170 : vector<16xi32> to vector<16xi32>
    %swap3A_172 = vector.shape_cast %and3A_168 : vector<16xi32> to vector<16xi32>
    tpu.vector_store %arg14[%swap3A_169], %swap3A_172 {strides = array<i32>} : memref<64xi32, #tpu.memory_space<vmem>>, vector<16xi32>,
    %get3A_173 = arith.constant 2 : i32
    %get3A_174 = arith.index_cast %get3A_173 : i32 to index
    %get3A_175 = arith.constant 16 : index
    %get3A_176 = tpu.vector_load %arg7[%get3A_174, %get3A_175] {strides = array<i32>} : memref<160x64xi32, #tpu.memory_space<vmem>>, vector<1x16xi32>,
    %get3A_177 = vector.shape_cast %get3A_176 : vector<1x16xi32> to vector<16xi32>
    %shift_right_logical3A_178 = arith.constant 16 : i32
    %shift_right_logical3A_179 = vector.broadcast %shift_right_logical3A_178 : i32 to vector<16xi32>
    %shift_right_logical3A_180 = arith.shrui %get3A_177, %shift_right_logical3A_179 : vector<16xi32>
    %swap3A_181 = arith.constant 16 : index
    %swap3A_182 = tpu.vector_load %arg10[%swap3A_181] {strides = array<i32>} : memref<64xi32, #tpu.memory_space<vmem>>, vector<16xi32>,
    %swap3A_183 = vector.shape_cast %swap3A_182 : vector<16xi32> to vector<16xi32>
    %swap3A_184 = vector.shape_cast %shift_right_logical3A_180 : vector<16xi32> to vector<16xi32>
    tpu.vector_store %arg10[%swap3A_181], %swap3A_184 {strides = array<i32>} : memref<64xi32, #tpu.memory_space<vmem>>, vector<16xi32>,
    %and3A_185 = arith.constant 65535 : i32
    %and3A_186 = vector.broadcast %and3A_185 : i32 to vector<16xi32>
    %and3A_187 = arith.andi %get3A_177, %and3A_186 : vector<16xi32>
    %swap3A_188 = arith.constant 16 : index
    %swap3A_189 = tpu.vector_load %arg14[%swap3A_188] {strides = array<i32>} : memref<64xi32, #tpu.memory_space<vmem>>, vector<16xi32>,
    %swap3A_190 = vector.shape_cast %swap3A_189 : vector<16xi32> to vector<16xi32>
    %swap3A_191 = vector.shape_cast %and3A_187 : vector<16xi32> to vector<16xi32>
    tpu.vector_store %arg14[%swap3A_188], %swap3A_191 {strides = array<i32>} : memref<64xi32, #tpu.memory_space<vmem>>, vector<16xi32>,
    %get3A_192 = arith.constant 2 : i32
    %get3A_193 = arith.index_cast %get3A_192 : i32 to index
    %get3A_194 = arith.constant 32 : index
    %get3A_195 = tpu.vector_load %arg7[%get3A_193, %get3A_194] {strides = array<i32>} : memref<160x64xi32, #tpu.memory_space<vmem>>, vector<1x16xi32>,
    %get3A_196 = vector.shape_cast %get3A_195 : vector<1x16xi32> to vector<16xi32>
    %shift_right_logical3A_197 = arith.constant 16 : i32
    %shift_right_logical3A_198 = vector.broadcast %shift_right_logical3A_197 : i32 to vector<16xi32>
    %shift_right_logical3A_199 = arith.shrui %get3A_196, %shift_right_logical3A_198 : vector<16xi32>
    %swap3A_200 = arith.constant 32 : index
    %swap3A_201 = tpu.vector_load %arg10[%swap3A_200] {strides = array<i32>} : memref<64xi32, #tpu.memory_space<vmem>>, vector<16xi32>,
    %swap3A_202 = vector.shape_cast %swap3A_201 : vector<16xi32> to vector<16xi32>
    %swap3A_203 = vector.shape_cast %shift_right_logical3A_199 : vector<16xi32> to vector<16xi32>
    tpu.vector_store %arg10[%swap3A_200], %swap3A_203 {strides = array<i32>} : memref<64xi32, #tpu.memory_space<vmem>>, vector<16xi32>,
    %and3A_204 = arith.constant 65535 : i32
    %and3A_205 = vector.broadcast %and3A_204 : i32 to vector<16xi32>
    %and3A_206 = arith.andi %get3A_196, %and3A_205 : vector<16xi32>
    %swap3A_207 = arith.constant 32 : index
    %swap3A_208 = tpu.vector_load %arg14[%swap3A_207] {strides = array<i32>} : memref<64xi32, #tpu.memory_space<vmem>>, vector<16xi32>,
    %swap3A_209 = vector.shape_cast %swap3A_208 : vector<16xi32> to vector<16xi32>
    %swap3A_210 = vector.shape_cast %and3A_206 : vector<16xi32> to vector<16xi32>
    tpu.vector_store %arg14[%swap3A_207], %swap3A_210 {strides = array<i32>} : memref<64xi32, #tpu.memory_space<vmem>>, vector<16xi32>,
    %get3A_211 = arith.constant 2 : i32
    %get3A_212 = arith.index_cast %get3A_211 : i32 to index
    %get3A_213 = arith.constant 48 : index
    %get3A_214 = tpu.vector_load %arg7[%get3A_212, %get3A_213] {strides = array<i32>} : memref<160x64xi32, #tpu.memory_space<vmem>>, vector<1x16xi32>,
    %get3A_215 = vector.shape_cast %get3A_214 : vector<1x16xi32> to vector<16xi32>
    %shift_right_logical3A_216 = arith.constant 16 : i32
    %shift_right_logical3A_217 = vector.broadcast %shift_right_logical3A_216 : i32 to vector<16xi32>
    %shift_right_logical3A_218 = arith.shrui %get3A_215, %shift_right_logical3A_217 : vector<16xi32>
    %swap3A_219 = arith.constant 48 : index
    %swap3A_220 = tpu.vector_load %arg10[%swap3A_219] {strides = array<i32>} : memref<64xi32, #tpu.memory_space<vmem>>, vector<16xi32>,
    %swap3A_221 = vector.shape_cast %swap3A_220 : vector<16xi32> to vector<16xi32>
    %swap3A_222 = vector.shape_cast %shift_right_logical3A_218 : vector<16xi32> to vector<16xi32>
    tpu.vector_store %arg10[%swap3A_219], %swap3A_222 {strides = array<i32>} : memref<64xi32, #tpu.memory_space<vmem>>, vector<16xi32>,
    %and3A_223 = arith.constant 65535 : i32
    %and3A_224 = vector.broadcast %and3A_223 : i32 to vector<16xi32>
    %and3A_225 = arith.andi %get3A_215, %and3A_224 : vector<16xi32>
    %swap3A_226 = arith.constant 48 : index
    %swap3A_227 = tpu.vector_load %arg14[%swap3A_226] {strides = array<i32>} : memref<64xi32, #tpu.memory_space<vmem>>, vector<16xi32>,
    %swap3A_228 = vector.shape_cast %swap3A_227 : vector<16xi32> to vector<16xi32>
    %swap3A_229 = vector.shape_cast %and3A_225 : vector<16xi32> to vector<16xi32>
    tpu.vector_store %arg14[%swap3A_226], %swap3A_229 {strides = array<i32>} : memref<64xi32, #tpu.memory_space<vmem>>, vector<16xi32>,
    %dma_start3A_230 = arith.constant 0 : i32
    %dma_start3A_231 = arith.constant 0 : i32
    %dma_start3A_232 = tpu.memref_slice %arg3[%dma_start3A_230, %dma_start3A_231] : memref<10240x128xf32, #tpu.memory_space<hbm>> -> memref<10240x128xf32, #tpu.memory_space<hbm>>
    tpu.enqueue_indirect_dma source(%dma_start3A_232 : memref<10240x128xf32, #tpu.memory_space<hbm>>) target(%arg18 : memref<64x128xf32, #tpu.memory_space<vmem>>) offsets(%arg10 : memref<64xi32, #tpu.memory_space<vmem>>) semaphore(%arg22 : memref<!tpu.dma_semaphore, #tpu.memory_space<semaphore_mem>>)
    %scan3A = arith.constant 0 : i32
    %scan3A_233 = arith.constant 0 : i32
    %scan3A_234 = arith.constant 40 : i32
    %scan3A_235 = arith.addi %scan3A_233, %scan3A_234 : i32
    %scan3A_236 = arith.constant 1 : i32
    scf.for %scan3A_241 = %scan3A_233 to %scan3A_235 step %scan3A_236  : i32 {
      %mul3A_242 = arith.constant 4 : i32
      %mul3A_243 = arith.muli %scan3A_241, %mul3A_242 : i32
      %add3A = arith.constant 0 : i32
      %add3A_244 = arith.addi %mul3A_243, %add3A : i32
      %dma_wait3A_245 = arith.constant 0 : i32
      %dma_wait3A_246 = arith.constant 0 : i32
      %dma_wait3A_247 = tpu.memref_slice %arg3[%dma_wait3A_245, %dma_wait3A_246] : memref<10240x128xf32, #tpu.memory_space<hbm>> -> memref<10240x128xf32, #tpu.memory_space<hbm>>
      tpu.wait_indirect_dma semaphore(%arg20 : memref<!tpu.dma_semaphore, #tpu.memory_space<semaphore_mem>>) src(%dma_wait3A_247 : memref<10240x128xf32, #tpu.memory_space<hbm>>) dst(%arg16 : memref<64x128xf32, #tpu.memory_space<vmem>>)
      %dma_start3A_248 = arith.constant 0 : i32
      %dma_start3A_249 = arith.constant 0 : i32
      %dma_start3A_250 = tpu.memref_slice %arg6[%dma_start3A_248, %dma_start3A_249] : memref<10240x128xf32, #tpu.memory_space<vmem_shared>> -> memref<10240x128xf32, #tpu.memory_space<vmem_shared>>
      tpu.enqueue_indirect_dma source(%arg16 : memref<64x128xf32, #tpu.memory_space<vmem>>) target(%dma_start3A_250 : memref<10240x128xf32, #tpu.memory_space<vmem_shared>>) offsets(%arg12 : memref<64xi32, #tpu.memory_space<vmem>>) semaphore(%arg24 : memref<!tpu.dma_semaphore, #tpu.memory_space<semaphore_mem>>) {add = true}
      %ge3A = arith.constant 1 : i32
      %ge3A_251 = arith.cmpi sge, %add3A_244, %ge3A : i32
      %convert_element_type3A = arith.extui %ge3A_251 : i1 to i32
      %cond3A = arith.constant 0 : i32
      %cond3A_252 = arith.cmpi ne, %convert_element_type3A, %cond3A : i32
      scf.if %cond3A_252 {
        %dma_wait3A_325 = arith.constant 0 : i32
        %dma_wait3A_326 = arith.constant 0 : i32
        %dma_wait3A_327 = tpu.memref_slice %arg6[%dma_wait3A_325, %dma_wait3A_326] : memref<10240x128xf32, #tpu.memory_space<vmem_shared>> -> memref<10240x128xf32, #tpu.memory_space<vmem_shared>>
        tpu.wait_indirect_dma semaphore(%arg27 : memref<!tpu.dma_semaphore, #tpu.memory_space<semaphore_mem>>) src(%arg19 : memref<64x128xf32, #tpu.memory_space<vmem>>) dst(%dma_wait3A_327 : memref<10240x128xf32, #tpu.memory_space<vmem_shared>>)
      } else {
      }
      %add3A_253 = arith.constant 3 : i32
      %add3A_254 = arith.addi %add3A_244, %add3A_253 : i32
      %lt3A = arith.constant 160 : i32
      %lt3A_255 = arith.cmpi slt, %add3A_254, %lt3A : i32
      %convert_element_type3A_256 = arith.extui %lt3A_255 : i1 to i32
      %cond3A_257 = arith.constant 0 : i32
      %cond3A_258 = arith.cmpi ne, %convert_element_type3A_256, %cond3A_257 : i32
      scf.if %cond3A_258 {
        %add3A_325 = arith.constant 3 : i32
        %add3A_326 = arith.addi %add3A_244, %add3A_325 : i32
        %get3A_327 = arith.index_cast %add3A_326 : i32 to index
        %get3A_328 = arith.constant 0 : index
        %get3A_329 = tpu.vector_load %arg7[%get3A_327, %get3A_328] {strides = array<i32>} : memref<160x64xi32, #tpu.memory_space<vmem>>, vector<1x16xi32>,
        %get3A_330 = vector.shape_cast %get3A_329 : vector<1x16xi32> to vector<16xi32>
        %shift_right_logical3A_331 = arith.constant 16 : i32
        %shift_right_logical3A_332 = vector.broadcast %shift_right_logical3A_331 : i32 to vector<16xi32>
        %shift_right_logical3A_333 = arith.shrui %get3A_330, %shift_right_logical3A_332 : vector<16xi32>
        %swap3A_334 = arith.constant 0 : index
        %swap3A_335 = tpu.vector_load %arg11[%swap3A_334] {strides = array<i32>} : memref<64xi32, #tpu.memory_space<vmem>>, vector<16xi32>,
        %swap3A_336 = vector.shape_cast %swap3A_335 : vector<16xi32> to vector<16xi32>
        %swap3A_337 = vector.shape_cast %shift_right_logical3A_333 : vector<16xi32> to vector<16xi32>
        tpu.vector_store %arg11[%swap3A_334], %swap3A_337 {strides = array<i32>} : memref<64xi32, #tpu.memory_space<vmem>>, vector<16xi32>,
        %and3A_338 = arith.constant 65535 : i32
        %and3A_339 = vector.broadcast %and3A_338 : i32 to vector<16xi32>
        %and3A_340 = arith.andi %get3A_330, %and3A_339 : vector<16xi32>
        %swap3A_341 = arith.constant 0 : index
        %swap3A_342 = tpu.vector_load %arg15[%swap3A_341] {strides = array<i32>} : memref<64xi32, #tpu.memory_space<vmem>>, vector<16xi32>,
        %swap3A_343 = vector.shape_cast %swap3A_342 : vector<16xi32> to vector<16xi32>
        %swap3A_344 = vector.shape_cast %and3A_340 : vector<16xi32> to vector<16xi32>
        tpu.vector_store %arg15[%swap3A_341], %swap3A_344 {strides = array<i32>} : memref<64xi32, #tpu.memory_space<vmem>>, vector<16xi32>,
        %get3A_345 = arith.index_cast %add3A_326 : i32 to index
        %get3A_346 = arith.constant 16 : index
        %get3A_347 = tpu.vector_load %arg7[%get3A_345, %get3A_346] {strides = array<i32>} : memref<160x64xi32, #tpu.memory_space<vmem>>, vector<1x16xi32>,
        %get3A_348 = vector.shape_cast %get3A_347 : vector<1x16xi32> to vector<16xi32>
        %shift_right_logical3A_349 = arith.constant 16 : i32
        %shift_right_logical3A_350 = vector.broadcast %shift_right_logical3A_349 : i32 to vector<16xi32>
        %shift_right_logical3A_351 = arith.shrui %get3A_348, %shift_right_logical3A_350 : vector<16xi32>
        %swap3A_352 = arith.constant 16 : index
        %swap3A_353 = tpu.vector_load %arg11[%swap3A_352] {strides = array<i32>} : memref<64xi32, #tpu.memory_space<vmem>>, vector<16xi32>,
        %swap3A_354 = vector.shape_cast %swap3A_353 : vector<16xi32> to vector<16xi32>
        %swap3A_355 = vector.shape_cast %shift_right_logical3A_351 : vector<16xi32> to vector<16xi32>
        tpu.vector_store %arg11[%swap3A_352], %swap3A_355 {strides = array<i32>} : memref<64xi32, #tpu.memory_space<vmem>>, vector<16xi32>,
        %and3A_356 = arith.constant 65535 : i32
        %and3A_357 = vector.broadcast %and3A_356 : i32 to vector<16xi32>
        %and3A_358 = arith.andi %get3A_348, %and3A_357 : vector<16xi32>
        %swap3A_359 = arith.constant 16 : index
        %swap3A_360 = tpu.vector_load %arg15[%swap3A_359] {strides = array<i32>} : memref<64xi32, #tpu.memory_space<vmem>>, vector<16xi32>,
        %swap3A_361 = vector.shape_cast %swap3A_360 : vector<16xi32> to vector<16xi32>
        %swap3A_362 = vector.shape_cast %and3A_358 : vector<16xi32> to vector<16xi32>
        tpu.vector_store %arg15[%swap3A_359], %swap3A_362 {strides = array<i32>} : memref<64xi32, #tpu.memory_space<vmem>>, vector<16xi32>,
        %get3A_363 = arith.index_cast %add3A_326 : i32 to index
        %get3A_364 = arith.constant 32 : index
        %get3A_365 = tpu.vector_load %arg7[%get3A_363, %get3A_364] {strides = array<i32>} : memref<160x64xi32, #tpu.memory_space<vmem>>, vector<1x16xi32>,
        %get3A_366 = vector.shape_cast %get3A_365 : vector<1x16xi32> to vector<16xi32>
        %shift_right_logical3A_367 = arith.constant 16 : i32
        %shift_right_logical3A_368 = vector.broadcast %shift_right_logical3A_367 : i32 to vector<16xi32>
        %shift_right_logical3A_369 = arith.shrui %get3A_366, %shift_right_logical3A_368 : vector<16xi32>
        %swap3A_370 = arith.constant 32 : index
        %swap3A_371 = tpu.vector_load %arg11[%swap3A_370] {strides = array<i32>} : memref<64xi32, #tpu.memory_space<vmem>>, vector<16xi32>,
        %swap3A_372 = vector.shape_cast %swap3A_371 : vector<16xi32> to vector<16xi32>
        %swap3A_373 = vector.shape_cast %shift_right_logical3A_369 : vector<16xi32> to vector<16xi32>
        tpu.vector_store %arg11[%swap3A_370], %swap3A_373 {strides = array<i32>} : memref<64xi32, #tpu.memory_space<vmem>>, vector<16xi32>,
        %and3A_374 = arith.constant 65535 : i32
        %and3A_375 = vector.broadcast %and3A_374 : i32 to vector<16xi32>
        %and3A_376 = arith.andi %get3A_366, %and3A_375 : vector<16xi32>
        %swap3A_377 = arith.constant 32 : index
        %swap3A_378 = tpu.vector_load %arg15[%swap3A_377] {strides = array<i32>} : memref<64xi32, #tpu.memory_space<vmem>>, vector<16xi32>,
        %swap3A_379 = vector.shape_cast %swap3A_378 : vector<16xi32> to vector<16xi32>
        %swap3A_380 = vector.shape_cast %and3A_376 : vector<16xi32> to vector<16xi32>
        tpu.vector_store %arg15[%swap3A_377], %swap3A_380 {strides = array<i32>} : memref<64xi32, #tpu.memory_space<vmem>>, vector<16xi32>,
        %get3A_381 = arith.index_cast %add3A_326 : i32 to index
        %get3A_382 = arith.constant 48 : index
        %get3A_383 = tpu.vector_load %arg7[%get3A_381, %get3A_382] {strides = array<i32>} : memref<160x64xi32, #tpu.memory_space<vmem>>, vector<1x16xi32>,
        %get3A_384 = vector.shape_cast %get3A_383 : vector<1x16xi32> to vector<16xi32>
        %shift_right_logical3A_385 = arith.constant 16 : i32
        %shift_right_logical3A_386 = vector.broadcast %shift_right_logical3A_385 : i32 to vector<16xi32>
        %shift_right_logical3A_387 = arith.shrui %get3A_384, %shift_right_logical3A_386 : vector<16xi32>
        %swap3A_388 = arith.constant 48 : index
        %swap3A_389 = tpu.vector_load %arg11[%swap3A_388] {strides = array<i32>} : memref<64xi32, #tpu.memory_space<vmem>>, vector<16xi32>,
        %swap3A_390 = vector.shape_cast %swap3A_389 : vector<16xi32> to vector<16xi32>
        %swap3A_391 = vector.shape_cast %shift_right_logical3A_387 : vector<16xi32> to vector<16xi32>
        tpu.vector_store %arg11[%swap3A_388], %swap3A_391 {strides = array<i32>} : memref<64xi32, #tpu.memory_space<vmem>>, vector<16xi32>,
        %and3A_392 = arith.constant 65535 : i32
        %and3A_393 = vector.broadcast %and3A_392 : i32 to vector<16xi32>
        %and3A_394 = arith.andi %get3A_384, %and3A_393 : vector<16xi32>
        %swap3A_395 = arith.constant 48 : index
        %swap3A_396 = tpu.vector_load %arg15[%swap3A_395] {strides = array<i32>} : memref<64xi32, #tpu.memory_space<vmem>>, vector<16xi32>,
        %swap3A_397 = vector.shape_cast %swap3A_396 : vector<16xi32> to vector<16xi32>
        %swap3A_398 = vector.shape_cast %and3A_394 : vector<16xi32> to vector<16xi32>
        tpu.vector_store %arg15[%swap3A_395], %swap3A_398 {strides = array<i32>} : memref<64xi32, #tpu.memory_space<vmem>>, vector<16xi32>,
        %dma_start3A_399 = arith.constant 0 : i32
        %dma_start3A_400 = arith.constant 0 : i32
        %dma_start3A_401 = tpu.memref_slice %arg3[%dma_start3A_399, %dma_start3A_400] : memref<10240x128xf32, #tpu.memory_space<hbm>> -> memref<10240x128xf32, #tpu.memory_space<hbm>>
        tpu.enqueue_indirect_dma source(%dma_start3A_401 : memref<10240x128xf32, #tpu.memory_space<hbm>>) target(%arg19 : memref<64x128xf32, #tpu.memory_space<vmem>>) offsets(%arg11 : memref<64xi32, #tpu.memory_space<vmem>>) semaphore(%arg23 : memref<!tpu.dma_semaphore, #tpu.memory_space<semaphore_mem>>)
      } else {
      }
      %mul3A_259 = arith.constant 4 : i32
      %mul3A_260 = arith.muli %scan3A_241, %mul3A_259 : i32
      %add3A_261 = arith.constant 1 : i32
      %add3A_262 = arith.addi %mul3A_260, %add3A_261 : i32
      %dma_wait3A_263 = arith.constant 0 : i32
      %dma_wait3A_264 = arith.constant 0 : i32
      %dma_wait3A_265 = tpu.memref_slice %arg3[%dma_wait3A_263, %dma_wait3A_264] : memref<10240x128xf32, #tpu.memory_space<hbm>> -> memref<10240x128xf32, #tpu.memory_space<hbm>>
      tpu.wait_indirect_dma semaphore(%arg21 : memref<!tpu.dma_semaphore, #tpu.memory_space<semaphore_mem>>) src(%dma_wait3A_265 : memref<10240x128xf32, #tpu.memory_space<hbm>>) dst(%arg17 : memref<64x128xf32, #tpu.memory_space<vmem>>)
      %dma_start3A_266 = arith.constant 0 : i32
      %dma_start3A_267 = arith.constant 0 : i32
      %dma_start3A_268 = tpu.memref_slice %arg6[%dma_start3A_266, %dma_start3A_267] : memref<10240x128xf32, #tpu.memory_space<vmem_shared>> -> memref<10240x128xf32, #tpu.memory_space<vmem_shared>>
      tpu.enqueue_indirect_dma source(%arg17 : memref<64x128xf32, #tpu.memory_space<vmem>>) target(%dma_start3A_268 : memref<10240x128xf32, #tpu.memory_space<vmem_shared>>) offsets(%arg13 : memref<64xi32, #tpu.memory_space<vmem>>) semaphore(%arg25 : memref<!tpu.dma_semaphore, #tpu.memory_space<semaphore_mem>>) {add = true}
      %ge3A_269 = arith.constant 1 : i32
      %ge3A_270 = arith.cmpi sge, %add3A_262, %ge3A_269 : i32
      %convert_element_type3A_271 = arith.extui %ge3A_270 : i1 to i32
      %cond3A_272 = arith.constant 0 : i32
      %cond3A_273 = arith.cmpi ne, %convert_element_type3A_271, %cond3A_272 : i32
      scf.if %cond3A_273 {
        %dma_wait3A_325 = arith.constant 0 : i32
        %dma_wait3A_326 = arith.constant 0 : i32
        %dma_wait3A_327 = tpu.memref_slice %arg6[%dma_wait3A_325, %dma_wait3A_326] : memref<10240x128xf32, #tpu.memory_space<vmem_shared>> -> memref<10240x128xf32, #tpu.memory_space<vmem_shared>>
        tpu.wait_indirect_dma semaphore(%arg24 : memref<!tpu.dma_semaphore, #tpu.memory_space<semaphore_mem>>) src(%arg16 : memref<64x128xf32, #tpu.memory_space<vmem>>) dst(%dma_wait3A_327 : memref<10240x128xf32, #tpu.memory_space<vmem_shared>>)
      } else {
      }
      %add3A_274 = arith.constant 3 : i32
      %add3A_275 = arith.addi %add3A_262, %add3A_274 : i32
      %lt3A_276 = arith.constant 160 : i32
      %lt3A_277 = arith.cmpi slt, %add3A_275, %lt3A_276 : i32
      %convert_element_type3A_278 = arith.extui %lt3A_277 : i1 to i32
      %cond3A_279 = arith.constant 0 : i32
      %cond3A_280 = arith.cmpi ne, %convert_element_type3A_278, %cond3A_279 : i32
      scf.if %cond3A_280 {
        %add3A_325 = arith.constant 3 : i32
        %add3A_326 = arith.addi %add3A_262, %add3A_325 : i32
        %get3A_327 = arith.index_cast %add3A_326 : i32 to index
        %get3A_328 = arith.constant 0 : index
        %get3A_329 = tpu.vector_load %arg7[%get3A_327, %get3A_328] {strides = array<i32>} : memref<160x64xi32, #tpu.memory_space<vmem>>, vector<1x16xi32>,
        %get3A_330 = vector.shape_cast %get3A_329 : vector<1x16xi32> to vector<16xi32>
        %shift_right_logical3A_331 = arith.constant 16 : i32
        %shift_right_logical3A_332 = vector.broadcast %shift_right_logical3A_331 : i32 to vector<16xi32>
        %shift_right_logical3A_333 = arith.shrui %get3A_330, %shift_right_logical3A_332 : vector<16xi32>
        %swap3A_334 = arith.constant 0 : index
        %swap3A_335 = tpu.vector_load %arg8[%swap3A_334] {strides = array<i32>} : memref<64xi32, #tpu.memory_space<vmem>>, vector<16xi32>,
        %swap3A_336 = vector.shape_cast %swap3A_335 : vector<16xi32> to vector<16xi32>
        %swap3A_337 = vector.shape_cast %shift_right_logical3A_333 : vector<16xi32> to vector<16xi32>
        tpu.vector_store %arg8[%swap3A_334], %swap3A_337 {strides = array<i32>} : memref<64xi32, #tpu.memory_space<vmem>>, vector<16xi32>,
        %and3A_338 = arith.constant 65535 : i32
        %and3A_339 = vector.broadcast %and3A_338 : i32 to vector<16xi32>
        %and3A_340 = arith.andi %get3A_330, %and3A_339 : vector<16xi32>
        %swap3A_341 = arith.constant 0 : index
        %swap3A_342 = tpu.vector_load %arg12[%swap3A_341] {strides = array<i32>} : memref<64xi32, #tpu.memory_space<vmem>>, vector<16xi32>,
        %swap3A_343 = vector.shape_cast %swap3A_342 : vector<16xi32> to vector<16xi32>
        %swap3A_344 = vector.shape_cast %and3A_340 : vector<16xi32> to vector<16xi32>
        tpu.vector_store %arg12[%swap3A_341], %swap3A_344 {strides = array<i32>} : memref<64xi32, #tpu.memory_space<vmem>>, vector<16xi32>,
        %get3A_345 = arith.index_cast %add3A_326 : i32 to index
        %get3A_346 = arith.constant 16 : index
        %get3A_347 = tpu.vector_load %arg7[%get3A_345, %get3A_346] {strides = array<i32>} : memref<160x64xi32, #tpu.memory_space<vmem>>, vector<1x16xi32>,
        %get3A_348 = vector.shape_cast %get3A_347 : vector<1x16xi32> to vector<16xi32>
        %shift_right_logical3A_349 = arith.constant 16 : i32
        %shift_right_logical3A_350 = vector.broadcast %shift_right_logical3A_349 : i32 to vector<16xi32>
        %shift_right_logical3A_351 = arith.shrui %get3A_348, %shift_right_logical3A_350 : vector<16xi32>
        %swap3A_352 = arith.constant 16 : index
        %swap3A_353 = tpu.vector_load %arg8[%swap3A_352] {strides = array<i32>} : memref<64xi32, #tpu.memory_space<vmem>>, vector<16xi32>,
        %swap3A_354 = vector.shape_cast %swap3A_353 : vector<16xi32> to vector<16xi32>
        %swap3A_355 = vector.shape_cast %shift_right_logical3A_351 : vector<16xi32> to vector<16xi32>
        tpu.vector_store %arg8[%swap3A_352], %swap3A_355 {strides = array<i32>} : memref<64xi32, #tpu.memory_space<vmem>>, vector<16xi32>,
        %and3A_356 = arith.constant 65535 : i32
        %and3A_357 = vector.broadcast %and3A_356 : i32 to vector<16xi32>
        %and3A_358 = arith.andi %get3A_348, %and3A_357 : vector<16xi32>
        %swap3A_359 = arith.constant 16 : index
        %swap3A_360 = tpu.vector_load %arg12[%swap3A_359] {strides = array<i32>} : memref<64xi32, #tpu.memory_space<vmem>>, vector<16xi32>,
        %swap3A_361 = vector.shape_cast %swap3A_360 : vector<16xi32> to vector<16xi32>
        %swap3A_362 = vector.shape_cast %and3A_358 : vector<16xi32> to vector<16xi32>
        tpu.vector_store %arg12[%swap3A_359], %swap3A_362 {strides = array<i32>} : memref<64xi32, #tpu.memory_space<vmem>>, vector<16xi32>,
        %get3A_363 = arith.index_cast %add3A_326 : i32 to index
        %get3A_364 = arith.constant 32 : index
        %get3A_365 = tpu.vector_load %arg7[%get3A_363, %get3A_364] {strides = array<i32>} : memref<160x64xi32, #tpu.memory_space<vmem>>, vector<1x16xi32>,
        %get3A_366 = vector.shape_cast %get3A_365 : vector<1x16xi32> to vector<16xi32>
        %shift_right_logical3A_367 = arith.constant 16 : i32
        %shift_right_logical3A_368 = vector.broadcast %shift_right_logical3A_367 : i32 to vector<16xi32>
        %shift_right_logical3A_369 = arith.shrui %get3A_366, %shift_right_logical3A_368 : vector<16xi32>
        %swap3A_370 = arith.constant 32 : index
        %swap3A_371 = tpu.vector_load %arg8[%swap3A_370] {strides = array<i32>} : memref<64xi32, #tpu.memory_space<vmem>>, vector<16xi32>,
        %swap3A_372 = vector.shape_cast %swap3A_371 : vector<16xi32> to vector<16xi32>
        %swap3A_373 = vector.shape_cast %shift_right_logical3A_369 : vector<16xi32> to vector<16xi32>
        tpu.vector_store %arg8[%swap3A_370], %swap3A_373 {strides = array<i32>} : memref<64xi32, #tpu.memory_space<vmem>>, vector<16xi32>,
        %and3A_374 = arith.constant 65535 : i32
        %and3A_375 = vector.broadcast %and3A_374 : i32 to vector<16xi32>
        %and3A_376 = arith.andi %get3A_366, %and3A_375 : vector<16xi32>
        %swap3A_377 = arith.constant 32 : index
        %swap3A_378 = tpu.vector_load %arg12[%swap3A_377] {strides = array<i32>} : memref<64xi32, #tpu.memory_space<vmem>>, vector<16xi32>,
        %swap3A_379 = vector.shape_cast %swap3A_378 : vector<16xi32> to vector<16xi32>
        %swap3A_380 = vector.shape_cast %and3A_376 : vector<16xi32> to vector<16xi32>
        tpu.vector_store %arg12[%swap3A_377], %swap3A_380 {strides = array<i32>} : memref<64xi32, #tpu.memory_space<vmem>>, vector<16xi32>,
        %get3A_381 = arith.index_cast %add3A_326 : i32 to index
        %get3A_382 = arith.constant 48 : index
        %get3A_383 = tpu.vector_load %arg7[%get3A_381, %get3A_382] {strides = array<i32>} : memref<160x64xi32, #tpu.memory_space<vmem>>, vector<1x16xi32>,
        %get3A_384 = vector.shape_cast %get3A_383 : vector<1x16xi32> to vector<16xi32>
        %shift_right_logical3A_385 = arith.constant 16 : i32
        %shift_right_logical3A_386 = vector.broadcast %shift_right_logical3A_385 : i32 to vector<16xi32>
        %shift_right_logical3A_387 = arith.shrui %get3A_384, %shift_right_logical3A_386 : vector<16xi32>
        %swap3A_388 = arith.constant 48 : index
        %swap3A_389 = tpu.vector_load %arg8[%swap3A_388] {strides = array<i32>} : memref<64xi32, #tpu.memory_space<vmem>>, vector<16xi32>,
        %swap3A_390 = vector.shape_cast %swap3A_389 : vector<16xi32> to vector<16xi32>
        %swap3A_391 = vector.shape_cast %shift_right_logical3A_387 : vector<16xi32> to vector<16xi32>
        tpu.vector_store %arg8[%swap3A_388], %swap3A_391 {strides = array<i32>} : memref<64xi32, #tpu.memory_space<vmem>>, vector<16xi32>,
        %and3A_392 = arith.constant 65535 : i32
        %and3A_393 = vector.broadcast %and3A_392 : i32 to vector<16xi32>
        %and3A_394 = arith.andi %get3A_384, %and3A_393 : vector<16xi32>
        %swap3A_395 = arith.constant 48 : index
        %swap3A_396 = tpu.vector_load %arg12[%swap3A_395] {strides = array<i32>} : memref<64xi32, #tpu.memory_space<vmem>>, vector<16xi32>,
        %swap3A_397 = vector.shape_cast %swap3A_396 : vector<16xi32> to vector<16xi32>
        %swap3A_398 = vector.shape_cast %and3A_394 : vector<16xi32> to vector<16xi32>
        tpu.vector_store %arg12[%swap3A_395], %swap3A_398 {strides = array<i32>} : memref<64xi32, #tpu.memory_space<vmem>>, vector<16xi32>,
        %dma_start3A_399 = arith.constant 0 : i32
        %dma_start3A_400 = arith.constant 0 : i32
        %dma_start3A_401 = tpu.memref_slice %arg3[%dma_start3A_399, %dma_start3A_400] : memref<10240x128xf32, #tpu.memory_space<hbm>> -> memref<10240x128xf32, #tpu.memory_space<hbm>>
        tpu.enqueue_indirect_dma source(%dma_start3A_401 : memref<10240x128xf32, #tpu.memory_space<hbm>>) target(%arg16 : memref<64x128xf32, #tpu.memory_space<vmem>>) offsets(%arg8 : memref<64xi32, #tpu.memory_space<vmem>>) semaphore(%arg20 : memref<!tpu.dma_semaphore, #tpu.memory_space<semaphore_mem>>)
      } else {
      }
      %mul3A_281 = arith.constant 4 : i32
      %mul3A_282 = arith.muli %scan3A_241, %mul3A_281 : i32
      %add3A_283 = arith.constant 2 : i32
      %add3A_284 = arith.addi %mul3A_282, %add3A_283 : i32
      %dma_wait3A_285 = arith.constant 0 : i32
      %dma_wait3A_286 = arith.constant 0 : i32
      %dma_wait3A_287 = tpu.memref_slice %arg3[%dma_wait3A_285, %dma_wait3A_286] : memref<10240x128xf32, #tpu.memory_space<hbm>> -> memref<10240x128xf32, #tpu.memory_space<hbm>>
      tpu.wait_indirect_dma semaphore(%arg22 : memref<!tpu.dma_semaphore, #tpu.memory_space<semaphore_mem>>) src(%dma_wait3A_287 : memref<10240x128xf32, #tpu.memory_space<hbm>>) dst(%arg18 : memref<64x128xf32, #tpu.memory_space<vmem>>)
      %dma_start3A_288 = arith.constant 0 : i32
      %dma_start3A_289 = arith.constant 0 : i32
      %dma_start3A_290 = tpu.memref_slice %arg6[%dma_start3A_288, %dma_start3A_289] : memref<10240x128xf32, #tpu.memory_space<vmem_shared>> -> memref<10240x128xf32, #tpu.memory_space<vmem_shared>>
      tpu.enqueue_indirect_dma source(%arg18 : memref<64x128xf32, #tpu.memory_space<vmem>>) target(%dma_start3A_290 : memref<10240x128xf32, #tpu.memory_space<vmem_shared>>) offsets(%arg14 : memref<64xi32, #tpu.memory_space<vmem>>) semaphore(%arg26 : memref<!tpu.dma_semaphore, #tpu.memory_space<semaphore_mem>>) {add = true}
      %ge3A_291 = arith.constant 1 : i32
      %ge3A_292 = arith.cmpi sge, %add3A_284, %ge3A_291 : i32
      %convert_element_type3A_293 = arith.extui %ge3A_292 : i1 to i32
      %cond3A_294 = arith.constant 0 : i32
      %cond3A_295 = arith.cmpi ne, %convert_element_type3A_293, %cond3A_294 : i32
      scf.if %cond3A_295 {
        %dma_wait3A_325 = arith.constant 0 : i32
        %dma_wait3A_326 = arith.constant 0 : i32
        %dma_wait3A_327 = tpu.memref_slice %arg6[%dma_wait3A_325, %dma_wait3A_326] : memref<10240x128xf32, #tpu.memory_space<vmem_shared>> -> memref<10240x128xf32, #tpu.memory_space<vmem_shared>>
        tpu.wait_indirect_dma semaphore(%arg25 : memref<!tpu.dma_semaphore, #tpu.memory_space<semaphore_mem>>) src(%arg17 : memref<64x128xf32, #tpu.memory_space<vmem>>) dst(%dma_wait3A_327 : memref<10240x128xf32, #tpu.memory_space<vmem_shared>>)
      } else {
      }
      %add3A_296 = arith.constant 3 : i32
      %add3A_297 = arith.addi %add3A_284, %add3A_296 : i32
      %lt3A_298 = arith.constant 160 : i32
      %lt3A_299 = arith.cmpi slt, %add3A_297, %lt3A_298 : i32
      %convert_element_type3A_300 = arith.extui %lt3A_299 : i1 to i32
      %cond3A_301 = arith.constant 0 : i32
      %cond3A_302 = arith.cmpi ne, %convert_element_type3A_300, %cond3A_301 : i32
      scf.if %cond3A_302 {
        %add3A_325 = arith.constant 3 : i32
        %add3A_326 = arith.addi %add3A_284, %add3A_325 : i32
        %get3A_327 = arith.index_cast %add3A_326 : i32 to index
        %get3A_328 = arith.constant 0 : index
        %get3A_329 = tpu.vector_load %arg7[%get3A_327, %get3A_328] {strides = array<i32>} : memref<160x64xi32, #tpu.memory_space<vmem>>, vector<1x16xi32>,
        %get3A_330 = vector.shape_cast %get3A_329 : vector<1x16xi32> to vector<16xi32>
        %shift_right_logical3A_331 = arith.constant 16 : i32
        %shift_right_logical3A_332 = vector.broadcast %shift_right_logical3A_331 : i32 to vector<16xi32>
        %shift_right_logical3A_333 = arith.shrui %get3A_330, %shift_right_logical3A_332 : vector<16xi32>
        %swap3A_334 = arith.constant 0 : index
        %swap3A_335 = tpu.vector_load %arg9[%swap3A_334] {strides = array<i32>} : memref<64xi32, #tpu.memory_space<vmem>>, vector<16xi32>,
        %swap3A_336 = vector.shape_cast %swap3A_335 : vector<16xi32> to vector<16xi32>
        %swap3A_337 = vector.shape_cast %shift_right_logical3A_333 : vector<16xi32> to vector<16xi32>
        tpu.vector_store %arg9[%swap3A_334], %swap3A_337 {strides = array<i32>} : memref<64xi32, #tpu.memory_space<vmem>>, vector<16xi32>,
        %and3A_338 = arith.constant 65535 : i32
        %and3A_339 = vector.broadcast %and3A_338 : i32 to vector<16xi32>
        %and3A_340 = arith.andi %get3A_330, %and3A_339 : vector<16xi32>
        %swap3A_341 = arith.constant 0 : index
        %swap3A_342 = tpu.vector_load %arg13[%swap3A_341] {strides = array<i32>} : memref<64xi32, #tpu.memory_space<vmem>>, vector<16xi32>,
        %swap3A_343 = vector.shape_cast %swap3A_342 : vector<16xi32> to vector<16xi32>
        %swap3A_344 = vector.shape_cast %and3A_340 : vector<16xi32> to vector<16xi32>
        tpu.vector_store %arg13[%swap3A_341], %swap3A_344 {strides = array<i32>} : memref<64xi32, #tpu.memory_space<vmem>>, vector<16xi32>,
        %get3A_345 = arith.index_cast %add3A_326 : i32 to index
        %get3A_346 = arith.constant 16 : index
        %get3A_347 = tpu.vector_load %arg7[%get3A_345, %get3A_346] {strides = array<i32>} : memref<160x64xi32, #tpu.memory_space<vmem>>, vector<1x16xi32>,
        %get3A_348 = vector.shape_cast %get3A_347 : vector<1x16xi32> to vector<16xi32>
        %shift_right_logical3A_349 = arith.constant 16 : i32
        %shift_right_logical3A_350 = vector.broadcast %shift_right_logical3A_349 : i32 to vector<16xi32>
        %shift_right_logical3A_351 = arith.shrui %get3A_348, %shift_right_logical3A_350 : vector<16xi32>
        %swap3A_352 = arith.constant 16 : index
        %swap3A_353 = tpu.vector_load %arg9[%swap3A_352] {strides = array<i32>} : memref<64xi32, #tpu.memory_space<vmem>>, vector<16xi32>,
        %swap3A_354 = vector.shape_cast %swap3A_353 : vector<16xi32> to vector<16xi32>
        %swap3A_355 = vector.shape_cast %shift_right_logical3A_351 : vector<16xi32> to vector<16xi32>
        tpu.vector_store %arg9[%swap3A_352], %swap3A_355 {strides = array<i32>} : memref<64xi32, #tpu.memory_space<vmem>>, vector<16xi32>,
        %and3A_356 = arith.constant 65535 : i32
        %and3A_357 = vector.broadcast %and3A_356 : i32 to vector<16xi32>
        %and3A_358 = arith.andi %get3A_348, %and3A_357 : vector<16xi32>
        %swap3A_359 = arith.constant 16 : index
        %swap3A_360 = tpu.vector_load %arg13[%swap3A_359] {strides = array<i32>} : memref<64xi32, #tpu.memory_space<vmem>>, vector<16xi32>,
        %swap3A_361 = vector.shape_cast %swap3A_360 : vector<16xi32> to vector<16xi32>
        %swap3A_362 = vector.shape_cast %and3A_358 : vector<16xi32> to vector<16xi32>
        tpu.vector_store %arg13[%swap3A_359], %swap3A_362 {strides = array<i32>} : memref<64xi32, #tpu.memory_space<vmem>>, vector<16xi32>,
        %get3A_363 = arith.index_cast %add3A_326 : i32 to index
        %get3A_364 = arith.constant 32 : index
        %get3A_365 = tpu.vector_load %arg7[%get3A_363, %get3A_364] {strides = array<i32>} : memref<160x64xi32, #tpu.memory_space<vmem>>, vector<1x16xi32>,
        %get3A_366 = vector.shape_cast %get3A_365 : vector<1x16xi32> to vector<16xi32>
        %shift_right_logical3A_367 = arith.constant 16 : i32
        %shift_right_logical3A_368 = vector.broadcast %shift_right_logical3A_367 : i32 to vector<16xi32>
        %shift_right_logical3A_369 = arith.shrui %get3A_366, %shift_right_logical3A_368 : vector<16xi32>
        %swap3A_370 = arith.constant 32 : index
        %swap3A_371 = tpu.vector_load %arg9[%swap3A_370] {strides = array<i32>} : memref<64xi32, #tpu.memory_space<vmem>>, vector<16xi32>,
        %swap3A_372 = vector.shape_cast %swap3A_371 : vector<16xi32> to vector<16xi32>
        %swap3A_373 = vector.shape_cast %shift_right_logical3A_369 : vector<16xi32> to vector<16xi32>
        tpu.vector_store %arg9[%swap3A_370], %swap3A_373 {strides = array<i32>} : memref<64xi32, #tpu.memory_space<vmem>>, vector<16xi32>,
        %and3A_374 = arith.constant 65535 : i32
        %and3A_375 = vector.broadcast %and3A_374 : i32 to vector<16xi32>
        %and3A_376 = arith.andi %get3A_366, %and3A_375 : vector<16xi32>
        %swap3A_377 = arith.constant 32 : index
        %swap3A_378 = tpu.vector_load %arg13[%swap3A_377] {strides = array<i32>} : memref<64xi32, #tpu.memory_space<vmem>>, vector<16xi32>,
        %swap3A_379 = vector.shape_cast %swap3A_378 : vector<16xi32> to vector<16xi32>
        %swap3A_380 = vector.shape_cast %and3A_376 : vector<16xi32> to vector<16xi32>
        tpu.vector_store %arg13[%swap3A_377], %swap3A_380 {strides = array<i32>} : memref<64xi32, #tpu.memory_space<vmem>>, vector<16xi32>,
        %get3A_381 = arith.index_cast %add3A_326 : i32 to index
        %get3A_382 = arith.constant 48 : index
        %get3A_383 = tpu.vector_load %arg7[%get3A_381, %get3A_382] {strides = array<i32>} : memref<160x64xi32, #tpu.memory_space<vmem>>, vector<1x16xi32>,
        %get3A_384 = vector.shape_cast %get3A_383 : vector<1x16xi32> to vector<16xi32>
        %shift_right_logical3A_385 = arith.constant 16 : i32
        %shift_right_logical3A_386 = vector.broadcast %shift_right_logical3A_385 : i32 to vector<16xi32>
        %shift_right_logical3A_387 = arith.shrui %get3A_384, %shift_right_logical3A_386 : vector<16xi32>
        %swap3A_388 = arith.constant 48 : index
        %swap3A_389 = tpu.vector_load %arg9[%swap3A_388] {strides = array<i32>} : memref<64xi32, #tpu.memory_space<vmem>>, vector<16xi32>,
        %swap3A_390 = vector.shape_cast %swap3A_389 : vector<16xi32> to vector<16xi32>
        %swap3A_391 = vector.shape_cast %shift_right_logical3A_387 : vector<16xi32> to vector<16xi32>
        tpu.vector_store %arg9[%swap3A_388], %swap3A_391 {strides = array<i32>} : memref<64xi32, #tpu.memory_space<vmem>>, vector<16xi32>,
        %and3A_392 = arith.constant 65535 : i32
        %and3A_393 = vector.broadcast %and3A_392 : i32 to vector<16xi32>
        %and3A_394 = arith.andi %get3A_384, %and3A_393 : vector<16xi32>
        %swap3A_395 = arith.constant 48 : index
        %swap3A_396 = tpu.vector_load %arg13[%swap3A_395] {strides = array<i32>} : memref<64xi32, #tpu.memory_space<vmem>>, vector<16xi32>,
        %swap3A_397 = vector.shape_cast %swap3A_396 : vector<16xi32> to vector<16xi32>
        %swap3A_398 = vector.shape_cast %and3A_394 : vector<16xi32> to vector<16xi32>
        tpu.vector_store %arg13[%swap3A_395], %swap3A_398 {strides = array<i32>} : memref<64xi32, #tpu.memory_space<vmem>>, vector<16xi32>,
        %dma_start3A_399 = arith.constant 0 : i32
        %dma_start3A_400 = arith.constant 0 : i32
        %dma_start3A_401 = tpu.memref_slice %arg3[%dma_start3A_399, %dma_start3A_400] : memref<10240x128xf32, #tpu.memory_space<hbm>> -> memref<10240x128xf32, #tpu.memory_space<hbm>>
        tpu.enqueue_indirect_dma source(%dma_start3A_401 : memref<10240x128xf32, #tpu.memory_space<hbm>>) target(%arg17 : memref<64x128xf32, #tpu.memory_space<vmem>>) offsets(%arg9 : memref<64xi32, #tpu.memory_space<vmem>>) semaphore(%arg21 : memref<!tpu.dma_semaphore, #tpu.memory_space<semaphore_mem>>)
      } else {
      }
      %mul3A_303 = arith.constant 4 : i32
      %mul3A_304 = arith.muli %scan3A_241, %mul3A_303 : i32
      %add3A_305 = arith.constant 3 : i32
      %add3A_306 = arith.addi %mul3A_304, %add3A_305 : i32
      %dma_wait3A_307 = arith.constant 0 : i32
      %dma_wait3A_308 = arith.constant 0 : i32
      %dma_wait3A_309 = tpu.memref_slice %arg3[%dma_wait3A_307, %dma_wait3A_308] : memref<10240x128xf32, #tpu.memory_space<hbm>> -> memref<10240x128xf32, #tpu.memory_space<hbm>>
      tpu.wait_indirect_dma semaphore(%arg23 : memref<!tpu.dma_semaphore, #tpu.memory_space<semaphore_mem>>) src(%dma_wait3A_309 : memref<10240x128xf32, #tpu.memory_space<hbm>>) dst(%arg19 : memref<64x128xf32, #tpu.memory_space<vmem>>)
      %dma_start3A_310 = arith.constant 0 : i32
      %dma_start3A_311 = arith.constant 0 : i32
      %dma_start3A_312 = tpu.memref_slice %arg6[%dma_start3A_310, %dma_start3A_311] : memref<10240x128xf32, #tpu.memory_space<vmem_shared>> -> memref<10240x128xf32, #tpu.memory_space<vmem_shared>>
      tpu.enqueue_indirect_dma source(%arg19 : memref<64x128xf32, #tpu.memory_space<vmem>>) target(%dma_start3A_312 : memref<10240x128xf32, #tpu.memory_space<vmem_shared>>) offsets(%arg15 : memref<64xi32, #tpu.memory_space<vmem>>) semaphore(%arg27 : memref<!tpu.dma_semaphore, #tpu.memory_space<semaphore_mem>>) {add = true}
      %ge3A_313 = arith.constant 1 : i32
      %ge3A_314 = arith.cmpi sge, %add3A_306, %ge3A_313 : i32
      %convert_element_type3A_315 = arith.extui %ge3A_314 : i1 to i32
      %cond3A_316 = arith.constant 0 : i32
      %cond3A_317 = arith.cmpi ne, %convert_element_type3A_315, %cond3A_316 : i32
      scf.if %cond3A_317 {
        %dma_wait3A_325 = arith.constant 0 : i32
        %dma_wait3A_326 = arith.constant 0 : i32
        %dma_wait3A_327 = tpu.memref_slice %arg6[%dma_wait3A_325, %dma_wait3A_326] : memref<10240x128xf32, #tpu.memory_space<vmem_shared>> -> memref<10240x128xf32, #tpu.memory_space<vmem_shared>>
        tpu.wait_indirect_dma semaphore(%arg26 : memref<!tpu.dma_semaphore, #tpu.memory_space<semaphore_mem>>) src(%arg18 : memref<64x128xf32, #tpu.memory_space<vmem>>) dst(%dma_wait3A_327 : memref<10240x128xf32, #tpu.memory_space<vmem_shared>>)
      } else {
      }
      %add3A_318 = arith.constant 3 : i32
      %add3A_319 = arith.addi %add3A_306, %add3A_318 : i32
      %lt3A_320 = arith.constant 160 : i32
      %lt3A_321 = arith.cmpi slt, %add3A_319, %lt3A_320 : i32
      %convert_element_type3A_322 = arith.extui %lt3A_321 : i1 to i32
      %cond3A_323 = arith.constant 0 : i32
      %cond3A_324 = arith.cmpi ne, %convert_element_type3A_322, %cond3A_323 : i32
      scf.if %cond3A_324 {
        %add3A_325 = arith.constant 3 : i32
        %add3A_326 = arith.addi %add3A_306, %add3A_325 : i32
        %get3A_327 = arith.index_cast %add3A_326 : i32 to index
        %get3A_328 = arith.constant 0 : index
        %get3A_329 = tpu.vector_load %arg7[%get3A_327, %get3A_328] {strides = array<i32>} : memref<160x64xi32, #tpu.memory_space<vmem>>, vector<1x16xi32>,
        %get3A_330 = vector.shape_cast %get3A_329 : vector<1x16xi32> to vector<16xi32>
        %shift_right_logical3A_331 = arith.constant 16 : i32
        %shift_right_logical3A_332 = vector.broadcast %shift_right_logical3A_331 : i32 to vector<16xi32>
        %shift_right_logical3A_333 = arith.shrui %get3A_330, %shift_right_logical3A_332 : vector<16xi32>
        %swap3A_334 = arith.constant 0 : index
        %swap3A_335 = tpu.vector_load %arg10[%swap3A_334] {strides = array<i32>} : memref<64xi32, #tpu.memory_space<vmem>>, vector<16xi32>,
        %swap3A_336 = vector.shape_cast %swap3A_335 : vector<16xi32> to vector<16xi32>
        %swap3A_337 = vector.shape_cast %shift_right_logical3A_333 : vector<16xi32> to vector<16xi32>
        tpu.vector_store %arg10[%swap3A_334], %swap3A_337 {strides = array<i32>} : memref<64xi32, #tpu.memory_space<vmem>>, vector<16xi32>,
        %and3A_338 = arith.constant 65535 : i32
        %and3A_339 = vector.broadcast %and3A_338 : i32 to vector<16xi32>
        %and3A_340 = arith.andi %get3A_330, %and3A_339 : vector<16xi32>
        %swap3A_341 = arith.constant 0 : index
        %swap3A_342 = tpu.vector_load %arg14[%swap3A_341] {strides = array<i32>} : memref<64xi32, #tpu.memory_space<vmem>>, vector<16xi32>,
        %swap3A_343 = vector.shape_cast %swap3A_342 : vector<16xi32> to vector<16xi32>
        %swap3A_344 = vector.shape_cast %and3A_340 : vector<16xi32> to vector<16xi32>
        tpu.vector_store %arg14[%swap3A_341], %swap3A_344 {strides = array<i32>} : memref<64xi32, #tpu.memory_space<vmem>>, vector<16xi32>,
        %get3A_345 = arith.index_cast %add3A_326 : i32 to index
        %get3A_346 = arith.constant 16 : index
        %get3A_347 = tpu.vector_load %arg7[%get3A_345, %get3A_346] {strides = array<i32>} : memref<160x64xi32, #tpu.memory_space<vmem>>, vector<1x16xi32>,
        %get3A_348 = vector.shape_cast %get3A_347 : vector<1x16xi32> to vector<16xi32>
        %shift_right_logical3A_349 = arith.constant 16 : i32
        %shift_right_logical3A_350 = vector.broadcast %shift_right_logical3A_349 : i32 to vector<16xi32>
        %shift_right_logical3A_351 = arith.shrui %get3A_348, %shift_right_logical3A_350 : vector<16xi32>
        %swap3A_352 = arith.constant 16 : index
        %swap3A_353 = tpu.vector_load %arg10[%swap3A_352] {strides = array<i32>} : memref<64xi32, #tpu.memory_space<vmem>>, vector<16xi32>,
        %swap3A_354 = vector.shape_cast %swap3A_353 : vector<16xi32> to vector<16xi32>
        %swap3A_355 = vector.shape_cast %shift_right_logical3A_351 : vector<16xi32> to vector<16xi32>
        tpu.vector_store %arg10[%swap3A_352], %swap3A_355 {strides = array<i32>} : memref<64xi32, #tpu.memory_space<vmem>>, vector<16xi32>,
        %and3A_356 = arith.constant 65535 : i32
        %and3A_357 = vector.broadcast %and3A_356 : i32 to vector<16xi32>
        %and3A_358 = arith.andi %get3A_348, %and3A_357 : vector<16xi32>
        %swap3A_359 = arith.constant 16 : index
        %swap3A_360 = tpu.vector_load %arg14[%swap3A_359] {strides = array<i32>} : memref<64xi32, #tpu.memory_space<vmem>>, vector<16xi32>,
        %swap3A_361 = vector.shape_cast %swap3A_360 : vector<16xi32> to vector<16xi32>
        %swap3A_362 = vector.shape_cast %and3A_358 : vector<16xi32> to vector<16xi32>
        tpu.vector_store %arg14[%swap3A_359], %swap3A_362 {strides = array<i32>} : memref<64xi32, #tpu.memory_space<vmem>>, vector<16xi32>,
        %get3A_363 = arith.index_cast %add3A_326 : i32 to index
        %get3A_364 = arith.constant 32 : index
        %get3A_365 = tpu.vector_load %arg7[%get3A_363, %get3A_364] {strides = array<i32>} : memref<160x64xi32, #tpu.memory_space<vmem>>, vector<1x16xi32>,
        %get3A_366 = vector.shape_cast %get3A_365 : vector<1x16xi32> to vector<16xi32>
        %shift_right_logical3A_367 = arith.constant 16 : i32
        %shift_right_logical3A_368 = vector.broadcast %shift_right_logical3A_367 : i32 to vector<16xi32>
        %shift_right_logical3A_369 = arith.shrui %get3A_366, %shift_right_logical3A_368 : vector<16xi32>
        %swap3A_370 = arith.constant 32 : index
        %swap3A_371 = tpu.vector_load %arg10[%swap3A_370] {strides = array<i32>} : memref<64xi32, #tpu.memory_space<vmem>>, vector<16xi32>,
        %swap3A_372 = vector.shape_cast %swap3A_371 : vector<16xi32> to vector<16xi32>
        %swap3A_373 = vector.shape_cast %shift_right_logical3A_369 : vector<16xi32> to vector<16xi32>
        tpu.vector_store %arg10[%swap3A_370], %swap3A_373 {strides = array<i32>} : memref<64xi32, #tpu.memory_space<vmem>>, vector<16xi32>,
        %and3A_374 = arith.constant 65535 : i32
        %and3A_375 = vector.broadcast %and3A_374 : i32 to vector<16xi32>
        %and3A_376 = arith.andi %get3A_366, %and3A_375 : vector<16xi32>
        %swap3A_377 = arith.constant 32 : index
        %swap3A_378 = tpu.vector_load %arg14[%swap3A_377] {strides = array<i32>} : memref<64xi32, #tpu.memory_space<vmem>>, vector<16xi32>,
        %swap3A_379 = vector.shape_cast %swap3A_378 : vector<16xi32> to vector<16xi32>
        %swap3A_380 = vector.shape_cast %and3A_376 : vector<16xi32> to vector<16xi32>
        tpu.vector_store %arg14[%swap3A_377], %swap3A_380 {strides = array<i32>} : memref<64xi32, #tpu.memory_space<vmem>>, vector<16xi32>,
        %get3A_381 = arith.index_cast %add3A_326 : i32 to index
        %get3A_382 = arith.constant 48 : index
        %get3A_383 = tpu.vector_load %arg7[%get3A_381, %get3A_382] {strides = array<i32>} : memref<160x64xi32, #tpu.memory_space<vmem>>, vector<1x16xi32>,
        %get3A_384 = vector.shape_cast %get3A_383 : vector<1x16xi32> to vector<16xi32>
        %shift_right_logical3A_385 = arith.constant 16 : i32
        %shift_right_logical3A_386 = vector.broadcast %shift_right_logical3A_385 : i32 to vector<16xi32>
        %shift_right_logical3A_387 = arith.shrui %get3A_384, %shift_right_logical3A_386 : vector<16xi32>
        %swap3A_388 = arith.constant 48 : index
        %swap3A_389 = tpu.vector_load %arg10[%swap3A_388] {strides = array<i32>} : memref<64xi32, #tpu.memory_space<vmem>>, vector<16xi32>,
        %swap3A_390 = vector.shape_cast %swap3A_389 : vector<16xi32> to vector<16xi32>
        %swap3A_391 = vector.shape_cast %shift_right_logical3A_387 : vector<16xi32> to vector<16xi32>
        tpu.vector_store %arg10[%swap3A_388], %swap3A_391 {strides = array<i32>} : memref<64xi32, #tpu.memory_space<vmem>>, vector<16xi32>,
        %and3A_392 = arith.constant 65535 : i32
        %and3A_393 = vector.broadcast %and3A_392 : i32 to vector<16xi32>
        %and3A_394 = arith.andi %get3A_384, %and3A_393 : vector<16xi32>
        %swap3A_395 = arith.constant 48 : index
        %swap3A_396 = tpu.vector_load %arg14[%swap3A_395] {strides = array<i32>} : memref<64xi32, #tpu.memory_space<vmem>>, vector<16xi32>,
        %swap3A_397 = vector.shape_cast %swap3A_396 : vector<16xi32> to vector<16xi32>
        %swap3A_398 = vector.shape_cast %and3A_394 : vector<16xi32> to vector<16xi32>
        tpu.vector_store %arg14[%swap3A_395], %swap3A_398 {strides = array<i32>} : memref<64xi32, #tpu.memory_space<vmem>>, vector<16xi32>,
        %dma_start3A_399 = arith.constant 0 : i32
        %dma_start3A_400 = arith.constant 0 : i32
        %dma_start3A_401 = tpu.memref_slice %arg3[%dma_start3A_399, %dma_start3A_400] : memref<10240x128xf32, #tpu.memory_space<hbm>> -> memref<10240x128xf32, #tpu.memory_space<hbm>>
        tpu.enqueue_indirect_dma source(%dma_start3A_401 : memref<10240x128xf32, #tpu.memory_space<hbm>>) target(%arg18 : memref<64x128xf32, #tpu.memory_space<vmem>>) offsets(%arg10 : memref<64xi32, #tpu.memory_space<vmem>>) semaphore(%arg22 : memref<!tpu.dma_semaphore, #tpu.memory_space<semaphore_mem>>)
      } else {
      }
    }
    %scan3A_237 = arith.constant 40 : i32
    %dma_wait3A = arith.constant 0 : i32
    %dma_wait3A_238 = arith.constant 0 : i32
    %dma_wait3A_239 = tpu.memref_slice %arg6[%dma_wait3A, %dma_wait3A_238] : memref<10240x128xf32, #tpu.memory_space<vmem_shared>> -> memref<10240x128xf32, #tpu.memory_space<vmem_shared>>
    tpu.wait_indirect_dma semaphore(%arg27 : memref<!tpu.dma_semaphore, #tpu.memory_space<semaphore_mem>>) src(%arg19 : memref<64x128xf32, #tpu.memory_space<vmem>>) dst(%dma_wait3A_239 : memref<10240x128xf32, #tpu.memory_space<vmem_shared>>)
    %barrier3A_240 = arith.constant 0 : index
    tpu.barrier barrier_id(%barrier3A_240)
    "tpu.region"() ({
      %run_scoped3A = tpu.sem_alloc : memref<!tpu.dma_semaphore, #tpu.memory_space<semaphore_mem>>
      %dma_start3A_241 = arith.constant 0 : i32
      %dma_start3A_242 = tpu.memref_slice %arg5[%arg0, %mul3A_0, %dma_start3A_241] : memref<2x10240x128xf32, #tpu.memory_space<hbm>> -> memref<1x640x128xf32, #tpu.memory_space<hbm>>
      %dma_start3A_243 = tpu.memref_squeeze %dma_start3A_242 : memref<1x640x128xf32, #tpu.memory_space<hbm>> -> memref<640x128xf32, #tpu.memory_space<hbm>>
      %dma_start3A_244 = arith.constant 0 : i32
      %dma_start3A_245 = tpu.memref_slice %arg6[%mul3A_0, %dma_start3A_244] : memref<10240x128xf32, #tpu.memory_space<vmem_shared>> -> memref<640x128xf32, #tpu.memory_space<vmem_shared>>
      tpu.enqueue_dma source(%dma_start3A_245 : memref<640x128xf32, #tpu.memory_space<vmem_shared>>) target(%dma_start3A_243 : memref<640x128xf32, #tpu.memory_space<hbm>>) target_semaphore(%run_scoped3A : memref<!tpu.dma_semaphore, #tpu.memory_space<semaphore_mem>>)
      %dma_wait3A_246 = arith.constant 0 : i32
      %dma_wait3A_247 = tpu.memref_slice %arg5[%arg0, %mul3A_0, %dma_wait3A_246] : memref<2x10240x128xf32, #tpu.memory_space<hbm>> -> memref<1x640x128xf32, #tpu.memory_space<hbm>>
      %dma_wait3A_248 = tpu.memref_squeeze %dma_wait3A_247 : memref<1x640x128xf32, #tpu.memory_space<hbm>> -> memref<640x128xf32, #tpu.memory_space<hbm>>
      %dma_wait3A_249 = arith.constant 0 : i32
      %dma_wait3A_250 = tpu.memref_slice %arg6[%mul3A_0, %dma_wait3A_249] : memref<10240x128xf32, #tpu.memory_space<vmem_shared>> -> memref<640x128xf32, #tpu.memory_space<vmem_shared>>
      tpu.wait_dma2 semaphore(%run_scoped3A : memref<!tpu.dma_semaphore, #tpu.memory_space<semaphore_mem>>) src(%dma_wait3A_250 : memref<640x128xf32, #tpu.memory_space<vmem_shared>>) dst(%dma_wait3A_248 : memref<640x128xf32, #tpu.memory_space<hbm>>)
      tpu.yield
    }) : () -> ()
    return
  }
}

#map = affine_map<(d0, d1) -> (0, 0, 0)>
#map1 = affine_map<(d0, d1) -> (0, 0)>
module attributes {stable_mosaic.version = 14 : i64} {
  func.func @deg_kernel(%arg0: i32, %arg1: i32, %arg2: memref<32x80x128xi32, #tpu.memory_space<hbm>>, %arg3: memref<128x16xf32, #tpu.memory_space<hbm>>, %arg4: memref<640x16xf32, #tpu.memory_space<hbm>>, %arg5: memref<2x10240x16xf32, #tpu.memory_space<hbm>>, %arg6: memref<10240x16xf32, #tpu.memory_space<vmem_shared>>, %arg7: memref<128x16xf32, #tpu.memory_space<vmem>>, %arg8: memref<80x128xi32, #tpu.memory_space<vmem>>) attributes {dimension_semantics = [#tpu.dimension_semantics<core_parallel>, #tpu.dimension_semantics<subcore_parallel>], iteration_bounds = array<i64: 2, 16>, scalar_prefetch = 0 : i64, scratch_operands = 3 : i64, tpu.core_type = #tpu.core_type<sc_vector_subcore>, window_params = [{transform_indices = #map}, {transform_indices = #map1}, {transform_indices = #map1}, {transform_indices = #map}]} {
    %mul3A = arith.constant 2 : i32
    %mul3A_0 = arith.muli %arg1, %mul3A : i32
    %add3A = arith.addi %mul3A_0, %arg0 : i32
    %mul3A_1 = arith.constant 640 : i32
    %mul3A_2 = arith.muli %arg1, %mul3A_1 : i32
    "tpu.region"() ({
      %run_scoped3A = tpu.sem_alloc : memref<!tpu.dma_semaphore, #tpu.memory_space<semaphore_mem>>
      %dma_start3A = arith.constant 0 : i32
      %dma_start3A_9 = tpu.memref_slice %arg6[%mul3A_2, %dma_start3A] : memref<10240x16xf32, #tpu.memory_space<vmem_shared>> -> memref<640x16xf32, #tpu.memory_space<vmem_shared>>
      tpu.enqueue_dma source(%arg4 : memref<640x16xf32, #tpu.memory_space<hbm>>) target(%dma_start3A_9 : memref<640x16xf32, #tpu.memory_space<vmem_shared>>) target_semaphore(%run_scoped3A : memref<!tpu.dma_semaphore, #tpu.memory_space<semaphore_mem>>)
      %dma_wait3A = arith.constant 0 : i32
      %dma_wait3A_10 = tpu.memref_slice %arg6[%mul3A_2, %dma_wait3A] : memref<10240x16xf32, #tpu.memory_space<vmem_shared>> -> memref<640x16xf32, #tpu.memory_space<vmem_shared>>
      tpu.wait_dma2 semaphore(%run_scoped3A : memref<!tpu.dma_semaphore, #tpu.memory_space<semaphore_mem>>) src(%arg4 : memref<640x16xf32, #tpu.memory_space<hbm>>) dst(%dma_wait3A_10 : memref<640x16xf32, #tpu.memory_space<vmem_shared>>)
      tpu.yield
    }) : () -> ()
    "tpu.region"() ({
      %run_scoped3A = tpu.sem_alloc : memref<!tpu.dma_semaphore, #tpu.memory_space<semaphore_mem>>
      tpu.enqueue_dma source(%arg3 : memref<128x16xf32, #tpu.memory_space<hbm>>) target(%arg7 : memref<128x16xf32, #tpu.memory_space<vmem>>) target_semaphore(%run_scoped3A : memref<!tpu.dma_semaphore, #tpu.memory_space<semaphore_mem>>)
      tpu.wait_dma2 semaphore(%run_scoped3A : memref<!tpu.dma_semaphore, #tpu.memory_space<semaphore_mem>>) src(%arg3 : memref<128x16xf32, #tpu.memory_space<hbm>>) dst(%arg7 : memref<128x16xf32, #tpu.memory_space<vmem>>)
      tpu.yield
    }) : () -> ()
    "tpu.region"() ({
      %run_scoped3A = tpu.sem_alloc : memref<!tpu.dma_semaphore, #tpu.memory_space<semaphore_mem>>
      %dma_start3A = arith.constant 0 : i32
      %dma_start3A_9 = arith.constant 0 : i32
      %dma_start3A_10 = tpu.memref_slice %arg2[%add3A, %dma_start3A, %dma_start3A_9] : memref<32x80x128xi32, #tpu.memory_space<hbm>> -> memref<1x80x128xi32, #tpu.memory_space<hbm>>
      %dma_start3A_11 = tpu.memref_squeeze %dma_start3A_10 : memref<1x80x128xi32, #tpu.memory_space<hbm>> -> memref<80x128xi32, #tpu.memory_space<hbm>>
      %dma_start3A_12 = arith.constant 0 : i32
      %dma_start3A_13 = arith.constant 0 : i32
      %dma_start3A_14 = tpu.memref_slice %arg2[%add3A, %dma_start3A_12, %dma_start3A_13] : memref<32x80x128xi32, #tpu.memory_space<hbm>> -> memref<1x80x128xi32, #tpu.memory_space<hbm>>
      %dma_start3A_15 = tpu.memref_squeeze %dma_start3A_14 : memref<1x80x128xi32, #tpu.memory_space<hbm>> -> memref<80x128xi32, #tpu.memory_space<hbm>>
      tpu.enqueue_dma source(%dma_start3A_15 : memref<80x128xi32, #tpu.memory_space<hbm>>) target(%arg8 : memref<80x128xi32, #tpu.memory_space<vmem>>) target_semaphore(%run_scoped3A : memref<!tpu.dma_semaphore, #tpu.memory_space<semaphore_mem>>)
      %dma_wait3A = arith.constant 0 : i32
      %dma_wait3A_16 = arith.constant 0 : i32
      %dma_wait3A_17 = tpu.memref_slice %arg2[%add3A, %dma_wait3A, %dma_wait3A_16] : memref<32x80x128xi32, #tpu.memory_space<hbm>> -> memref<1x80x128xi32, #tpu.memory_space<hbm>>
      %dma_wait3A_18 = tpu.memref_squeeze %dma_wait3A_17 : memref<1x80x128xi32, #tpu.memory_space<hbm>> -> memref<80x128xi32, #tpu.memory_space<hbm>>
      %dma_wait3A_19 = arith.constant 0 : i32
      %dma_wait3A_20 = arith.constant 0 : i32
      %dma_wait3A_21 = tpu.memref_slice %arg2[%add3A, %dma_wait3A_19, %dma_wait3A_20] : memref<32x80x128xi32, #tpu.memory_space<hbm>> -> memref<1x80x128xi32, #tpu.memory_space<hbm>>
      %dma_wait3A_22 = tpu.memref_squeeze %dma_wait3A_21 : memref<1x80x128xi32, #tpu.memory_space<hbm>> -> memref<80x128xi32, #tpu.memory_space<hbm>>
      tpu.wait_dma2 semaphore(%run_scoped3A : memref<!tpu.dma_semaphore, #tpu.memory_space<semaphore_mem>>) src(%dma_wait3A_22 : memref<80x128xi32, #tpu.memory_space<hbm>>) dst(%arg8 : memref<80x128xi32, #tpu.memory_space<vmem>>)
      tpu.yield
    }) : () -> ()
    %barrier3A = arith.constant 0 : index
    tpu.barrier barrier_id(%barrier3A)
    %scan3A = arith.constant 0 : i32
    %scan3A_3 = arith.constant 0 : i32
    %scan3A_4 = arith.constant 80 : i32
    %scan3A_5 = arith.addi %scan3A_3, %scan3A_4 : i32
    %scan3A_6 = arith.constant 1 : i32
    scf.for %scan3A_9 = %scan3A_3 to %scan3A_5 step %scan3A_6  : i32 {
      "tpu.region"() ({
        %run_scoped3A = tpu.sem_alloc : memref<!tpu.dma_semaphore, #tpu.memory_space<semaphore_mem>>
        %dma_start3A = arith.constant 0 : i32
        %dma_start3A_10 = tpu.memref_slice %arg8[%scan3A_9, %dma_start3A] : memref<80x128xi32, #tpu.memory_space<vmem>> -> memref<1x128xi32, #tpu.memory_space<vmem>>
        %dma_start3A_11 = tpu.memref_squeeze %dma_start3A_10 : memref<1x128xi32, #tpu.memory_space<vmem>> -> memref<128xi32, #tpu.memory_space<vmem>>
        %dma_start3A_12 = arith.constant 0 : i32
        %dma_start3A_13 = arith.constant 0 : i32
        %dma_start3A_14 = tpu.memref_slice %arg6[%dma_start3A_12, %dma_start3A_13] : memref<10240x16xf32, #tpu.memory_space<vmem_shared>> -> memref<10240x16xf32, #tpu.memory_space<vmem_shared>>
        tpu.enqueue_indirect_dma source(%arg7 : memref<128x16xf32, #tpu.memory_space<vmem>>) target(%dma_start3A_14 : memref<10240x16xf32, #tpu.memory_space<vmem_shared>>) offsets(%dma_start3A_11 : memref<128xi32, #tpu.memory_space<vmem>>) semaphore(%run_scoped3A : memref<!tpu.dma_semaphore, #tpu.memory_space<semaphore_mem>>) {add = true}
        %dma_wait3A = arith.constant 0 : i32
        %dma_wait3A_15 = tpu.memref_slice %arg8[%scan3A_9, %dma_wait3A] : memref<80x128xi32, #tpu.memory_space<vmem>> -> memref<1x128xi32, #tpu.memory_space<vmem>>
        %dma_wait3A_16 = tpu.memref_squeeze %dma_wait3A_15 : memref<1x128xi32, #tpu.memory_space<vmem>> -> memref<128xi32, #tpu.memory_space<vmem>>
        %dma_wait3A_17 = arith.constant 0 : i32
        %dma_wait3A_18 = arith.constant 0 : i32
        %dma_wait3A_19 = tpu.memref_slice %arg6[%dma_wait3A_17, %dma_wait3A_18] : memref<10240x16xf32, #tpu.memory_space<vmem_shared>> -> memref<10240x16xf32, #tpu.memory_space<vmem_shared>>
        tpu.wait_indirect_dma semaphore(%run_scoped3A : memref<!tpu.dma_semaphore, #tpu.memory_space<semaphore_mem>>) src(%arg7 : memref<128x16xf32, #tpu.memory_space<vmem>>) dst(%dma_wait3A_19 : memref<10240x16xf32, #tpu.memory_space<vmem_shared>>)
        tpu.yield
      }) : () -> ()
    }
    %scan3A_7 = arith.constant 80 : i32
    %barrier3A_8 = arith.constant 0 : index
    tpu.barrier barrier_id(%barrier3A_8)
    "tpu.region"() ({
      %run_scoped3A = tpu.sem_alloc : memref<!tpu.dma_semaphore, #tpu.memory_space<semaphore_mem>>
      %dma_start3A = arith.constant 0 : i32
      %dma_start3A_9 = tpu.memref_slice %arg5[%arg0, %mul3A_2, %dma_start3A] : memref<2x10240x16xf32, #tpu.memory_space<hbm>> -> memref<1x640x16xf32, #tpu.memory_space<hbm>>
      %dma_start3A_10 = tpu.memref_squeeze %dma_start3A_9 : memref<1x640x16xf32, #tpu.memory_space<hbm>> -> memref<640x16xf32, #tpu.memory_space<hbm>>
      %dma_start3A_11 = arith.constant 0 : i32
      %dma_start3A_12 = tpu.memref_slice %arg6[%mul3A_2, %dma_start3A_11] : memref<10240x16xf32, #tpu.memory_space<vmem_shared>> -> memref<640x16xf32, #tpu.memory_space<vmem_shared>>
      tpu.enqueue_dma source(%dma_start3A_12 : memref<640x16xf32, #tpu.memory_space<vmem_shared>>) target(%dma_start3A_10 : memref<640x16xf32, #tpu.memory_space<hbm>>) target_semaphore(%run_scoped3A : memref<!tpu.dma_semaphore, #tpu.memory_space<semaphore_mem>>)
      %dma_wait3A = arith.constant 0 : i32
      %dma_wait3A_13 = tpu.memref_slice %arg5[%arg0, %mul3A_2, %dma_wait3A] : memref<2x10240x16xf32, #tpu.memory_space<hbm>> -> memref<1x640x16xf32, #tpu.memory_space<hbm>>
      %dma_wait3A_14 = tpu.memref_squeeze %dma_wait3A_13 : memref<1x640x16xf32, #tpu.memory_space<hbm>> -> memref<640x16xf32, #tpu.memory_space<hbm>>
      %dma_wait3A_15 = arith.constant 0 : i32
      %dma_wait3A_16 = tpu.memref_slice %arg6[%mul3A_2, %dma_wait3A_15] : memref<10240x16xf32, #tpu.memory_space<vmem_shared>> -> memref<640x16xf32, #tpu.memory_space<vmem_shared>>
      tpu.wait_dma2 semaphore(%run_scoped3A : memref<!tpu.dma_semaphore, #tpu.memory_space<semaphore_mem>>) src(%dma_wait3A_16 : memref<640x16xf32, #tpu.memory_space<vmem_shared>>) dst(%dma_wait3A_14 : memref<640x16xf32, #tpu.memory_space<hbm>>)
      tpu.yield
    }) : () -> ()
    return
  }
}

#map = affine_map<(d0, d1) -> (0, 0, 0, 0)>
#map1 = affine_map<(d0, d1) -> (0, 0)>
#map2 = affine_map<(d0, d1) -> (0, 0, 0)>
module attributes {stable_mosaic.version = 14 : i64} {
  func.func @scat_kernel(%arg0: i32, %arg1: i32, %arg2: memref<2x16x80x128xi32, #tpu.memory_space<hbm>>, %arg3: memref<2x16x80x128xi32, #tpu.memory_space<hbm>>, %arg4: memref<10240x64xf32, #tpu.memory_space<hbm>>, %arg5: memref<640x64xf32, #tpu.memory_space<hbm>>, %arg6: memref<2x10240x64xf32, #tpu.memory_space<hbm>>, %arg7: memref<10240x64xf32, #tpu.memory_space<vmem_shared>>, %arg8: memref<80x128xi32, #tpu.memory_space<vmem>>, %arg9: memref<80x128xi32, #tpu.memory_space<vmem>>, %arg10: memref<128x64xf32, #tpu.memory_space<vmem>>, %arg11: memref<128x64xf32, #tpu.memory_space<vmem>>, %arg12: memref<128x64xf32, #tpu.memory_space<vmem>>, %arg13: memref<128x64xf32, #tpu.memory_space<vmem>>, %arg14: memref<128x64xf32, #tpu.memory_space<vmem>>, %arg15: memref<128x64xf32, #tpu.memory_space<vmem>>, %arg16: memref<!tpu.dma_semaphore, #tpu.memory_space<semaphore_mem>>, %arg17: memref<!tpu.dma_semaphore, #tpu.memory_space<semaphore_mem>>, %arg18: memref<!tpu.dma_semaphore, #tpu.memory_space<semaphore_mem>>, %arg19: memref<!tpu.dma_semaphore, #tpu.memory_space<semaphore_mem>>, %arg20: memref<!tpu.dma_semaphore, #tpu.memory_space<semaphore_mem>>, %arg21: memref<!tpu.dma_semaphore, #tpu.memory_space<semaphore_mem>>, %arg22: memref<!tpu.dma_semaphore, #tpu.memory_space<semaphore_mem>>, %arg23: memref<!tpu.dma_semaphore, #tpu.memory_space<semaphore_mem>>, %arg24: memref<!tpu.dma_semaphore, #tpu.memory_space<semaphore_mem>>, %arg25: memref<!tpu.dma_semaphore, #tpu.memory_space<semaphore_mem>>, %arg26: memref<!tpu.dma_semaphore, #tpu.memory_space<semaphore_mem>>, %arg27: memref<!tpu.dma_semaphore, #tpu.memory_space<semaphore_mem>>) attributes {dimension_semantics = [#tpu.dimension_semantics<core_parallel>, #tpu.dimension_semantics<subcore_parallel>], iteration_bounds = array<i64: 2, 16>, scalar_prefetch = 0 : i64, scratch_operands = 21 : i64, tpu.core_type = #tpu.core_type<sc_vector_subcore>, window_params = [{transform_indices = #map}, {transform_indices = #map}, {transform_indices = #map1}, {transform_indices = #map1}, {transform_indices = #map2}]} {
    %mul3A = arith.constant 640 : i32
    %mul3A_0 = arith.muli %arg1, %mul3A : i32
    "tpu.region"() ({
      %run_scoped3A = tpu.sem_alloc : memref<!tpu.dma_semaphore, #tpu.memory_space<semaphore_mem>>
      %dma_start3A_89 = arith.constant 0 : i32
      %dma_start3A_90 = tpu.memref_slice %arg7[%mul3A_0, %dma_start3A_89] : memref<10240x64xf32, #tpu.memory_space<vmem_shared>> -> memref<640x64xf32, #tpu.memory_space<vmem_shared>>
      tpu.enqueue_dma source(%arg5 : memref<640x64xf32, #tpu.memory_space<hbm>>) target(%dma_start3A_90 : memref<640x64xf32, #tpu.memory_space<vmem_shared>>) target_semaphore(%run_scoped3A : memref<!tpu.dma_semaphore, #tpu.memory_space<semaphore_mem>>)
      %dma_wait3A_91 = arith.constant 0 : i32
      %dma_wait3A_92 = tpu.memref_slice %arg7[%mul3A_0, %dma_wait3A_91] : memref<10240x64xf32, #tpu.memory_space<vmem_shared>> -> memref<640x64xf32, #tpu.memory_space<vmem_shared>>
      tpu.wait_dma2 semaphore(%run_scoped3A : memref<!tpu.dma_semaphore, #tpu.memory_space<semaphore_mem>>) src(%arg5 : memref<640x64xf32, #tpu.memory_space<hbm>>) dst(%dma_wait3A_92 : memref<640x64xf32, #tpu.memory_space<vmem_shared>>)
      tpu.yield
    }) : () -> ()
    "tpu.region"() ({
      %run_scoped3A = tpu.sem_alloc : memref<!tpu.dma_semaphore, #tpu.memory_space<semaphore_mem>>
      %dma_start3A_89 = arith.constant 0 : i32
      %dma_start3A_90 = arith.constant 0 : i32
      %dma_start3A_91 = tpu.memref_slice %arg2[%arg0, %arg1, %dma_start3A_89, %dma_start3A_90] : memref<2x16x80x128xi32, #tpu.memory_space<hbm>> -> memref<1x1x80x128xi32, #tpu.memory_space<hbm>>
      %dma_start3A_92 = tpu.memref_squeeze %dma_start3A_91 : memref<1x1x80x128xi32, #tpu.memory_space<hbm>> -> memref<80x128xi32, #tpu.memory_space<hbm>>
      %dma_start3A_93 = arith.constant 0 : i32
      %dma_start3A_94 = arith.constant 0 : i32
      %dma_start3A_95 = tpu.memref_slice %arg2[%arg0, %arg1, %dma_start3A_93, %dma_start3A_94] : memref<2x16x80x128xi32, #tpu.memory_space<hbm>> -> memref<1x1x80x128xi32, #tpu.memory_space<hbm>>
      %dma_start3A_96 = tpu.memref_squeeze %dma_start3A_95 : memref<1x1x80x128xi32, #tpu.memory_space<hbm>> -> memref<80x128xi32, #tpu.memory_space<hbm>>
      tpu.enqueue_dma source(%dma_start3A_96 : memref<80x128xi32, #tpu.memory_space<hbm>>) target(%arg8 : memref<80x128xi32, #tpu.memory_space<vmem>>) target_semaphore(%run_scoped3A : memref<!tpu.dma_semaphore, #tpu.memory_space<semaphore_mem>>)
      %dma_wait3A_97 = arith.constant 0 : i32
      %dma_wait3A_98 = arith.constant 0 : i32
      %dma_wait3A_99 = tpu.memref_slice %arg2[%arg0, %arg1, %dma_wait3A_97, %dma_wait3A_98] : memref<2x16x80x128xi32, #tpu.memory_space<hbm>> -> memref<1x1x80x128xi32, #tpu.memory_space<hbm>>
      %dma_wait3A_100 = tpu.memref_squeeze %dma_wait3A_99 : memref<1x1x80x128xi32, #tpu.memory_space<hbm>> -> memref<80x128xi32, #tpu.memory_space<hbm>>
      %dma_wait3A_101 = arith.constant 0 : i32
      %dma_wait3A_102 = arith.constant 0 : i32
      %dma_wait3A_103 = tpu.memref_slice %arg2[%arg0, %arg1, %dma_wait3A_101, %dma_wait3A_102] : memref<2x16x80x128xi32, #tpu.memory_space<hbm>> -> memref<1x1x80x128xi32, #tpu.memory_space<hbm>>
      %dma_wait3A_104 = tpu.memref_squeeze %dma_wait3A_103 : memref<1x1x80x128xi32, #tpu.memory_space<hbm>> -> memref<80x128xi32, #tpu.memory_space<hbm>>
      tpu.wait_dma2 semaphore(%run_scoped3A : memref<!tpu.dma_semaphore, #tpu.memory_space<semaphore_mem>>) src(%dma_wait3A_104 : memref<80x128xi32, #tpu.memory_space<hbm>>) dst(%arg8 : memref<80x128xi32, #tpu.memory_space<vmem>>)
      tpu.yield
    }) : () -> ()
    "tpu.region"() ({
      %run_scoped3A = tpu.sem_alloc : memref<!tpu.dma_semaphore, #tpu.memory_space<semaphore_mem>>
      %dma_start3A_89 = arith.constant 0 : i32
      %dma_start3A_90 = arith.constant 0 : i32
      %dma_start3A_91 = tpu.memref_slice %arg3[%arg0, %arg1, %dma_start3A_89, %dma_start3A_90] : memref<2x16x80x128xi32, #tpu.memory_space<hbm>> -> memref<1x1x80x128xi32, #tpu.memory_space<hbm>>
      %dma_start3A_92 = tpu.memref_squeeze %dma_start3A_91 : memref<1x1x80x128xi32, #tpu.memory_space<hbm>> -> memref<80x128xi32, #tpu.memory_space<hbm>>
      %dma_start3A_93 = arith.constant 0 : i32
      %dma_start3A_94 = arith.constant 0 : i32
      %dma_start3A_95 = tpu.memref_slice %arg3[%arg0, %arg1, %dma_start3A_93, %dma_start3A_94] : memref<2x16x80x128xi32, #tpu.memory_space<hbm>> -> memref<1x1x80x128xi32, #tpu.memory_space<hbm>>
      %dma_start3A_96 = tpu.memref_squeeze %dma_start3A_95 : memref<1x1x80x128xi32, #tpu.memory_space<hbm>> -> memref<80x128xi32, #tpu.memory_space<hbm>>
      tpu.enqueue_dma source(%dma_start3A_96 : memref<80x128xi32, #tpu.memory_space<hbm>>) target(%arg9 : memref<80x128xi32, #tpu.memory_space<vmem>>) target_semaphore(%run_scoped3A : memref<!tpu.dma_semaphore, #tpu.memory_space<semaphore_mem>>)
      %dma_wait3A_97 = arith.constant 0 : i32
      %dma_wait3A_98 = arith.constant 0 : i32
      %dma_wait3A_99 = tpu.memref_slice %arg3[%arg0, %arg1, %dma_wait3A_97, %dma_wait3A_98] : memref<2x16x80x128xi32, #tpu.memory_space<hbm>> -> memref<1x1x80x128xi32, #tpu.memory_space<hbm>>
      %dma_wait3A_100 = tpu.memref_squeeze %dma_wait3A_99 : memref<1x1x80x128xi32, #tpu.memory_space<hbm>> -> memref<80x128xi32, #tpu.memory_space<hbm>>
      %dma_wait3A_101 = arith.constant 0 : i32
      %dma_wait3A_102 = arith.constant 0 : i32
      %dma_wait3A_103 = tpu.memref_slice %arg3[%arg0, %arg1, %dma_wait3A_101, %dma_wait3A_102] : memref<2x16x80x128xi32, #tpu.memory_space<hbm>> -> memref<1x1x80x128xi32, #tpu.memory_space<hbm>>
      %dma_wait3A_104 = tpu.memref_squeeze %dma_wait3A_103 : memref<1x1x80x128xi32, #tpu.memory_space<hbm>> -> memref<80x128xi32, #tpu.memory_space<hbm>>
      tpu.wait_dma2 semaphore(%run_scoped3A : memref<!tpu.dma_semaphore, #tpu.memory_space<semaphore_mem>>) src(%dma_wait3A_104 : memref<80x128xi32, #tpu.memory_space<hbm>>) dst(%arg9 : memref<80x128xi32, #tpu.memory_space<vmem>>)
      tpu.yield
    }) : () -> ()
    %barrier3A = arith.constant 0 : index
    tpu.barrier barrier_id(%barrier3A)
    %dma_start3A = arith.constant 0 : i32
    %dma_start3A_1 = arith.constant 0 : i32
    %dma_start3A_2 = tpu.memref_slice %arg8[%dma_start3A, %dma_start3A_1] : memref<80x128xi32, #tpu.memory_space<vmem>> -> memref<1x128xi32, #tpu.memory_space<vmem>>
    %dma_start3A_3 = tpu.memref_squeeze %dma_start3A_2 : memref<1x128xi32, #tpu.memory_space<vmem>> -> memref<128xi32, #tpu.memory_space<vmem>>
    %dma_start3A_4 = arith.constant 0 : i32
    %dma_start3A_5 = arith.constant 0 : i32
    %dma_start3A_6 = tpu.memref_slice %arg4[%dma_start3A_4, %dma_start3A_5] : memref<10240x64xf32, #tpu.memory_space<hbm>> -> memref<10240x64xf32, #tpu.memory_space<hbm>>
    tpu.enqueue_indirect_dma source(%dma_start3A_6 : memref<10240x64xf32, #tpu.memory_space<hbm>>) target(%arg10 : memref<128x64xf32, #tpu.memory_space<vmem>>) offsets(%dma_start3A_3 : memref<128xi32, #tpu.memory_space<vmem>>) semaphore(%arg16 : memref<!tpu.dma_semaphore, #tpu.memory_space<semaphore_mem>>)
    %dma_start3A_7 = arith.constant 1 : i32
    %dma_start3A_8 = arith.constant 0 : i32
    %dma_start3A_9 = tpu.memref_slice %arg8[%dma_start3A_7, %dma_start3A_8] : memref<80x128xi32, #tpu.memory_space<vmem>> -> memref<1x128xi32, #tpu.memory_space<vmem>>
    %dma_start3A_10 = tpu.memref_squeeze %dma_start3A_9 : memref<1x128xi32, #tpu.memory_space<vmem>> -> memref<128xi32, #tpu.memory_space<vmem>>
    %dma_start3A_11 = arith.constant 0 : i32
    %dma_start3A_12 = arith.constant 0 : i32
    %dma_start3A_13 = tpu.memref_slice %arg4[%dma_start3A_11, %dma_start3A_12] : memref<10240x64xf32, #tpu.memory_space<hbm>> -> memref<10240x64xf32, #tpu.memory_space<hbm>>
    tpu.enqueue_indirect_dma source(%dma_start3A_13 : memref<10240x64xf32, #tpu.memory_space<hbm>>) target(%arg11 : memref<128x64xf32, #tpu.memory_space<vmem>>) offsets(%dma_start3A_10 : memref<128xi32, #tpu.memory_space<vmem>>) semaphore(%arg17 : memref<!tpu.dma_semaphore, #tpu.memory_space<semaphore_mem>>)
    %dma_start3A_14 = arith.constant 2 : i32
    %dma_start3A_15 = arith.constant 0 : i32
    %dma_start3A_16 = tpu.memref_slice %arg8[%dma_start3A_14, %dma_start3A_15] : memref<80x128xi32, #tpu.memory_space<vmem>> -> memref<1x128xi32, #tpu.memory_space<vmem>>
    %dma_start3A_17 = tpu.memref_squeeze %dma_start3A_16 : memref<1x128xi32, #tpu.memory_space<vmem>> -> memref<128xi32, #tpu.memory_space<vmem>>
    %dma_start3A_18 = arith.constant 0 : i32
    %dma_start3A_19 = arith.constant 0 : i32
    %dma_start3A_20 = tpu.memref_slice %arg4[%dma_start3A_18, %dma_start3A_19] : memref<10240x64xf32, #tpu.memory_space<hbm>> -> memref<10240x64xf32, #tpu.memory_space<hbm>>
    tpu.enqueue_indirect_dma source(%dma_start3A_20 : memref<10240x64xf32, #tpu.memory_space<hbm>>) target(%arg12 : memref<128x64xf32, #tpu.memory_space<vmem>>) offsets(%dma_start3A_17 : memref<128xi32, #tpu.memory_space<vmem>>) semaphore(%arg18 : memref<!tpu.dma_semaphore, #tpu.memory_space<semaphore_mem>>)
    %dma_start3A_21 = arith.constant 3 : i32
    %dma_start3A_22 = arith.constant 0 : i32
    %dma_start3A_23 = tpu.memref_slice %arg8[%dma_start3A_21, %dma_start3A_22] : memref<80x128xi32, #tpu.memory_space<vmem>> -> memref<1x128xi32, #tpu.memory_space<vmem>>
    %dma_start3A_24 = tpu.memref_squeeze %dma_start3A_23 : memref<1x128xi32, #tpu.memory_space<vmem>> -> memref<128xi32, #tpu.memory_space<vmem>>
    %dma_start3A_25 = arith.constant 0 : i32
    %dma_start3A_26 = arith.constant 0 : i32
    %dma_start3A_27 = tpu.memref_slice %arg4[%dma_start3A_25, %dma_start3A_26] : memref<10240x64xf32, #tpu.memory_space<hbm>> -> memref<10240x64xf32, #tpu.memory_space<hbm>>
    tpu.enqueue_indirect_dma source(%dma_start3A_27 : memref<10240x64xf32, #tpu.memory_space<hbm>>) target(%arg13 : memref<128x64xf32, #tpu.memory_space<vmem>>) offsets(%dma_start3A_24 : memref<128xi32, #tpu.memory_space<vmem>>) semaphore(%arg19 : memref<!tpu.dma_semaphore, #tpu.memory_space<semaphore_mem>>)
    %scan3A = arith.constant 0 : i32
    %scan3A_28 = arith.constant 0 : i32
    %scan3A_29 = arith.constant 13 : i32
    %scan3A_30 = arith.addi %scan3A_28, %scan3A_29 : i32
    %scan3A_31 = arith.constant 1 : i32
    scf.for %scan3A_89 = %scan3A_28 to %scan3A_30 step %scan3A_31  : i32 {
      %mul3A_90 = arith.constant 6 : i32
      %mul3A_91 = arith.muli %scan3A_89, %mul3A_90 : i32
      %add3A = arith.constant 0 : i32
      %add3A_92 = arith.addi %mul3A_91, %add3A : i32
      %dma_wait3A_93 = arith.constant 0 : i32
      %dma_wait3A_94 = tpu.memref_slice %arg8[%add3A_92, %dma_wait3A_93] : memref<80x128xi32, #tpu.memory_space<vmem>> -> memref<1x128xi32, #tpu.memory_space<vmem>>
      %dma_wait3A_95 = tpu.memref_squeeze %dma_wait3A_94 : memref<1x128xi32, #tpu.memory_space<vmem>> -> memref<128xi32, #tpu.memory_space<vmem>>
      %dma_wait3A_96 = arith.constant 0 : i32
      %dma_wait3A_97 = arith.constant 0 : i32
      %dma_wait3A_98 = tpu.memref_slice %arg4[%dma_wait3A_96, %dma_wait3A_97] : memref<10240x64xf32, #tpu.memory_space<hbm>> -> memref<10240x64xf32, #tpu.memory_space<hbm>>
      tpu.wait_indirect_dma semaphore(%arg16 : memref<!tpu.dma_semaphore, #tpu.memory_space<semaphore_mem>>) src(%dma_wait3A_98 : memref<10240x64xf32, #tpu.memory_space<hbm>>) dst(%arg10 : memref<128x64xf32, #tpu.memory_space<vmem>>)
      %dma_start3A_99 = arith.constant 0 : i32
      %dma_start3A_100 = tpu.memref_slice %arg9[%add3A_92, %dma_start3A_99] : memref<80x128xi32, #tpu.memory_space<vmem>> -> memref<1x128xi32, #tpu.memory_space<vmem>>
      %dma_start3A_101 = tpu.memref_squeeze %dma_start3A_100 : memref<1x128xi32, #tpu.memory_space<vmem>> -> memref<128xi32, #tpu.memory_space<vmem>>
      %dma_start3A_102 = arith.constant 0 : i32
      %dma_start3A_103 = arith.constant 0 : i32
      %dma_start3A_104 = tpu.memref_slice %arg7[%dma_start3A_102, %dma_start3A_103] : memref<10240x64xf32, #tpu.memory_space<vmem_shared>> -> memref<10240x64xf32, #tpu.memory_space<vmem_shared>>
      tpu.enqueue_indirect_dma source(%arg10 : memref<128x64xf32, #tpu.memory_space<vmem>>) target(%dma_start3A_104 : memref<10240x64xf32, #tpu.memory_space<vmem_shared>>) offsets(%dma_start3A_101 : memref<128xi32, #tpu.memory_space<vmem>>) semaphore(%arg22 : memref<!tpu.dma_semaphore, #tpu.memory_space<semaphore_mem>>) {add = true}
      %ge3A = arith.constant 2 : i32
      %ge3A_105 = arith.cmpi sge, %add3A_92, %ge3A : i32
      %convert_element_type3A = arith.extui %ge3A_105 : i1 to i32
      %cond3A = arith.constant 0 : i32
      %cond3A_106 = arith.cmpi ne, %convert_element_type3A, %cond3A : i32
      scf.if %cond3A_106 {
        %sub3A = arith.constant 2 : i32
        %sub3A_253 = arith.subi %add3A_92, %sub3A : i32
        %dma_wait3A_254 = arith.constant 0 : i32
        %dma_wait3A_255 = tpu.memref_slice %arg9[%sub3A_253, %dma_wait3A_254] : memref<80x128xi32, #tpu.memory_space<vmem>> -> memref<1x128xi32, #tpu.memory_space<vmem>>
        %dma_wait3A_256 = tpu.memref_squeeze %dma_wait3A_255 : memref<1x128xi32, #tpu.memory_space<vmem>> -> memref<128xi32, #tpu.memory_space<vmem>>
        %dma_wait3A_257 = arith.constant 0 : i32
        %dma_wait3A_258 = arith.constant 0 : i32
        %dma_wait3A_259 = tpu.memref_slice %arg7[%dma_wait3A_257, %dma_wait3A_258] : memref<10240x64xf32, #tpu.memory_space<vmem_shared>> -> memref<10240x64xf32, #tpu.memory_space<vmem_shared>>
        tpu.wait_indirect_dma semaphore(%arg26 : memref<!tpu.dma_semaphore, #tpu.memory_space<semaphore_mem>>) src(%arg14 : memref<128x64xf32, #tpu.memory_space<vmem>>) dst(%dma_wait3A_259 : memref<10240x64xf32, #tpu.memory_space<vmem_shared>>)
      } else {
      }
      %add3A_107 = arith.constant 4 : i32
      %add3A_108 = arith.addi %add3A_92, %add3A_107 : i32
      %lt3A = arith.constant 80 : i32
      %lt3A_109 = arith.cmpi slt, %add3A_108, %lt3A : i32
      %convert_element_type3A_110 = arith.extui %lt3A_109 : i1 to i32
      %cond3A_111 = arith.constant 0 : i32
      %cond3A_112 = arith.cmpi ne, %convert_element_type3A_110, %cond3A_111 : i32
      scf.if %cond3A_112 {
        %add3A_253 = arith.constant 4 : i32
        %add3A_254 = arith.addi %add3A_92, %add3A_253 : i32
        %dma_start3A_255 = arith.constant 0 : i32
        %dma_start3A_256 = tpu.memref_slice %arg8[%add3A_254, %dma_start3A_255] : memref<80x128xi32, #tpu.memory_space<vmem>> -> memref<1x128xi32, #tpu.memory_space<vmem>>
        %dma_start3A_257 = tpu.memref_squeeze %dma_start3A_256 : memref<1x128xi32, #tpu.memory_space<vmem>> -> memref<128xi32, #tpu.memory_space<vmem>>
        %dma_start3A_258 = arith.constant 0 : i32
        %dma_start3A_259 = arith.constant 0 : i32
        %dma_start3A_260 = tpu.memref_slice %arg4[%dma_start3A_258, %dma_start3A_259] : memref<10240x64xf32, #tpu.memory_space<hbm>> -> memref<10240x64xf32, #tpu.memory_space<hbm>>
        tpu.enqueue_indirect_dma source(%dma_start3A_260 : memref<10240x64xf32, #tpu.memory_space<hbm>>) target(%arg14 : memref<128x64xf32, #tpu.memory_space<vmem>>) offsets(%dma_start3A_257 : memref<128xi32, #tpu.memory_space<vmem>>) semaphore(%arg20 : memref<!tpu.dma_semaphore, #tpu.memory_space<semaphore_mem>>)
      } else {
      }
      %mul3A_113 = arith.constant 6 : i32
      %mul3A_114 = arith.muli %scan3A_89, %mul3A_113 : i32
      %add3A_115 = arith.constant 1 : i32
      %add3A_116 = arith.addi %mul3A_114, %add3A_115 : i32
      %dma_wait3A_117 = arith.constant 0 : i32
      %dma_wait3A_118 = tpu.memref_slice %arg8[%add3A_116, %dma_wait3A_117] : memref<80x128xi32, #tpu.memory_space<vmem>> -> memref<1x128xi32, #tpu.memory_space<vmem>>
      %dma_wait3A_119 = tpu.memref_squeeze %dma_wait3A_118 : memref<1x128xi32, #tpu.memory_space<vmem>> -> memref<128xi32, #tpu.memory_space<vmem>>
      %dma_wait3A_120 = arith.constant 0 : i32
      %dma_wait3A_121 = arith.constant 0 : i32
      %dma_wait3A_122 = tpu.memref_slice %arg4[%dma_wait3A_120, %dma_wait3A_121] : memref<10240x64xf32, #tpu.memory_space<hbm>> -> memref<10240x64xf32, #tpu.memory_space<hbm>>
      tpu.wait_indirect_dma semaphore(%arg17 : memref<!tpu.dma_semaphore, #tpu.memory_space<semaphore_mem>>) src(%dma_wait3A_122 : memref<10240x64xf32, #tpu.memory_space<hbm>>) dst(%arg11 : memref<128x64xf32, #tpu.memory_space<vmem>>)
      %dma_start3A_123 = arith.constant 0 : i32
      %dma_start3A_124 = tpu.memref_slice %arg9[%add3A_116, %dma_start3A_123] : memref<80x128xi32, #tpu.memory_space<vmem>> -> memref<1x128xi32, #tpu.memory_space<vmem>>
      %dma_start3A_125 = tpu.memref_squeeze %dma_start3A_124 : memref<1x128xi32, #tpu.memory_space<vmem>> -> memref<128xi32, #tpu.memory_space<vmem>>
      %dma_start3A_126 = arith.constant 0 : i32
      %dma_start3A_127 = arith.constant 0 : i32
      %dma_start3A_128 = tpu.memref_slice %arg7[%dma_start3A_126, %dma_start3A_127] : memref<10240x64xf32, #tpu.memory_space<vmem_shared>> -> memref<10240x64xf32, #tpu.memory_space<vmem_shared>>
      tpu.enqueue_indirect_dma source(%arg11 : memref<128x64xf32, #tpu.memory_space<vmem>>) target(%dma_start3A_128 : memref<10240x64xf32, #tpu.memory_space<vmem_shared>>) offsets(%dma_start3A_125 : memref<128xi32, #tpu.memory_space<vmem>>) semaphore(%arg23 : memref<!tpu.dma_semaphore, #tpu.memory_space<semaphore_mem>>) {add = true}
      %ge3A_129 = arith.constant 2 : i32
      %ge3A_130 = arith.cmpi sge, %add3A_116, %ge3A_129 : i32
      %convert_element_type3A_131 = arith.extui %ge3A_130 : i1 to i32
      %cond3A_132 = arith.constant 0 : i32
      %cond3A_133 = arith.cmpi ne, %convert_element_type3A_131, %cond3A_132 : i32
      scf.if %cond3A_133 {
        %sub3A = arith.constant 2 : i32
        %sub3A_253 = arith.subi %add3A_116, %sub3A : i32
        %dma_wait3A_254 = arith.constant 0 : i32
        %dma_wait3A_255 = tpu.memref_slice %arg9[%sub3A_253, %dma_wait3A_254] : memref<80x128xi32, #tpu.memory_space<vmem>> -> memref<1x128xi32, #tpu.memory_space<vmem>>
        %dma_wait3A_256 = tpu.memref_squeeze %dma_wait3A_255 : memref<1x128xi32, #tpu.memory_space<vmem>> -> memref<128xi32, #tpu.memory_space<vmem>>
        %dma_wait3A_257 = arith.constant 0 : i32
        %dma_wait3A_258 = arith.constant 0 : i32
        %dma_wait3A_259 = tpu.memref_slice %arg7[%dma_wait3A_257, %dma_wait3A_258] : memref<10240x64xf32, #tpu.memory_space<vmem_shared>> -> memref<10240x64xf32, #tpu.memory_space<vmem_shared>>
        tpu.wait_indirect_dma semaphore(%arg27 : memref<!tpu.dma_semaphore, #tpu.memory_space<semaphore_mem>>) src(%arg15 : memref<128x64xf32, #tpu.memory_space<vmem>>) dst(%dma_wait3A_259 : memref<10240x64xf32, #tpu.memory_space<vmem_shared>>)
      } else {
      }
      %add3A_134 = arith.constant 4 : i32
      %add3A_135 = arith.addi %add3A_116, %add3A_134 : i32
      %lt3A_136 = arith.constant 80 : i32
      %lt3A_137 = arith.cmpi slt, %add3A_135, %lt3A_136 : i32
      %convert_element_type3A_138 = arith.extui %lt3A_137 : i1 to i32
      %cond3A_139 = arith.constant 0 : i32
      %cond3A_140 = arith.cmpi ne, %convert_element_type3A_138, %cond3A_139 : i32
      scf.if %cond3A_140 {
        %add3A_253 = arith.constant 4 : i32
        %add3A_254 = arith.addi %add3A_116, %add3A_253 : i32
        %dma_start3A_255 = arith.constant 0 : i32
        %dma_start3A_256 = tpu.memref_slice %arg8[%add3A_254, %dma_start3A_255] : memref<80x128xi32, #tpu.memory_space<vmem>> -> memref<1x128xi32, #tpu.memory_space<vmem>>
        %dma_start3A_257 = tpu.memref_squeeze %dma_start3A_256 : memref<1x128xi32, #tpu.memory_space<vmem>> -> memref<128xi32, #tpu.memory_space<vmem>>
        %dma_start3A_258 = arith.constant 0 : i32
        %dma_start3A_259 = arith.constant 0 : i32
        %dma_start3A_260 = tpu.memref_slice %arg4[%dma_start3A_258, %dma_start3A_259] : memref<10240x64xf32, #tpu.memory_space<hbm>> -> memref<10240x64xf32, #tpu.memory_space<hbm>>
        tpu.enqueue_indirect_dma source(%dma_start3A_260 : memref<10240x64xf32, #tpu.memory_space<hbm>>) target(%arg15 : memref<128x64xf32, #tpu.memory_space<vmem>>) offsets(%dma_start3A_257 : memref<128xi32, #tpu.memory_space<vmem>>) semaphore(%arg21 : memref<!tpu.dma_semaphore, #tpu.memory_space<semaphore_mem>>)
      } else {
      }
      %mul3A_141 = arith.constant 6 : i32
      %mul3A_142 = arith.muli %scan3A_89, %mul3A_141 : i32
      %add3A_143 = arith.constant 2 : i32
      %add3A_144 = arith.addi %mul3A_142, %add3A_143 : i32
      %dma_wait3A_145 = arith.constant 0 : i32
      %dma_wait3A_146 = tpu.memref_slice %arg8[%add3A_144, %dma_wait3A_145] : memref<80x128xi32, #tpu.memory_space<vmem>> -> memref<1x128xi32, #tpu.memory_space<vmem>>
      %dma_wait3A_147 = tpu.memref_squeeze %dma_wait3A_146 : memref<1x128xi32, #tpu.memory_space<vmem>> -> memref<128xi32, #tpu.memory_space<vmem>>
      %dma_wait3A_148 = arith.constant 0 : i32
      %dma_wait3A_149 = arith.constant 0 : i32
      %dma_wait3A_150 = tpu.memref_slice %arg4[%dma_wait3A_148, %dma_wait3A_149] : memref<10240x64xf32, #tpu.memory_space<hbm>> -> memref<10240x64xf32, #tpu.memory_space<hbm>>
      tpu.wait_indirect_dma semaphore(%arg18 : memref<!tpu.dma_semaphore, #tpu.memory_space<semaphore_mem>>) src(%dma_wait3A_150 : memref<10240x64xf32, #tpu.memory_space<hbm>>) dst(%arg12 : memref<128x64xf32, #tpu.memory_space<vmem>>)
      %dma_start3A_151 = arith.constant 0 : i32
      %dma_start3A_152 = tpu.memref_slice %arg9[%add3A_144, %dma_start3A_151] : memref<80x128xi32, #tpu.memory_space<vmem>> -> memref<1x128xi32, #tpu.memory_space<vmem>>
      %dma_start3A_153 = tpu.memref_squeeze %dma_start3A_152 : memref<1x128xi32, #tpu.memory_space<vmem>> -> memref<128xi32, #tpu.memory_space<vmem>>
      %dma_start3A_154 = arith.constant 0 : i32
      %dma_start3A_155 = arith.constant 0 : i32
      %dma_start3A_156 = tpu.memref_slice %arg7[%dma_start3A_154, %dma_start3A_155] : memref<10240x64xf32, #tpu.memory_space<vmem_shared>> -> memref<10240x64xf32, #tpu.memory_space<vmem_shared>>
      tpu.enqueue_indirect_dma source(%arg12 : memref<128x64xf32, #tpu.memory_space<vmem>>) target(%dma_start3A_156 : memref<10240x64xf32, #tpu.memory_space<vmem_shared>>) offsets(%dma_start3A_153 : memref<128xi32, #tpu.memory_space<vmem>>) semaphore(%arg24 : memref<!tpu.dma_semaphore, #tpu.memory_space<semaphore_mem>>) {add = true}
      %ge3A_157 = arith.constant 2 : i32
      %ge3A_158 = arith.cmpi sge, %add3A_144, %ge3A_157 : i32
      %convert_element_type3A_159 = arith.extui %ge3A_158 : i1 to i32
      %cond3A_160 = arith.constant 0 : i32
      %cond3A_161 = arith.cmpi ne, %convert_element_type3A_159, %cond3A_160 : i32
      scf.if %cond3A_161 {
        %sub3A = arith.constant 2 : i32
        %sub3A_253 = arith.subi %add3A_144, %sub3A : i32
        %dma_wait3A_254 = arith.constant 0 : i32
        %dma_wait3A_255 = tpu.memref_slice %arg9[%sub3A_253, %dma_wait3A_254] : memref<80x128xi32, #tpu.memory_space<vmem>> -> memref<1x128xi32, #tpu.memory_space<vmem>>
        %dma_wait3A_256 = tpu.memref_squeeze %dma_wait3A_255 : memref<1x128xi32, #tpu.memory_space<vmem>> -> memref<128xi32, #tpu.memory_space<vmem>>
        %dma_wait3A_257 = arith.constant 0 : i32
        %dma_wait3A_258 = arith.constant 0 : i32
        %dma_wait3A_259 = tpu.memref_slice %arg7[%dma_wait3A_257, %dma_wait3A_258] : memref<10240x64xf32, #tpu.memory_space<vmem_shared>> -> memref<10240x64xf32, #tpu.memory_space<vmem_shared>>
        tpu.wait_indirect_dma semaphore(%arg22 : memref<!tpu.dma_semaphore, #tpu.memory_space<semaphore_mem>>) src(%arg10 : memref<128x64xf32, #tpu.memory_space<vmem>>) dst(%dma_wait3A_259 : memref<10240x64xf32, #tpu.memory_space<vmem_shared>>)
      } else {
      }
      %add3A_162 = arith.constant 4 : i32
      %add3A_163 = arith.addi %add3A_144, %add3A_162 : i32
      %lt3A_164 = arith.constant 80 : i32
      %lt3A_165 = arith.cmpi slt, %add3A_163, %lt3A_164 : i32
      %convert_element_type3A_166 = arith.extui %lt3A_165 : i1 to i32
      %cond3A_167 = arith.constant 0 : i32
      %cond3A_168 = arith.cmpi ne, %convert_element_type3A_166, %cond3A_167 : i32
      scf.if %cond3A_168 {
        %add3A_253 = arith.constant 4 : i32
        %add3A_254 = arith.addi %add3A_144, %add3A_253 : i32
        %dma_start3A_255 = arith.constant 0 : i32
        %dma_start3A_256 = tpu.memref_slice %arg8[%add3A_254, %dma_start3A_255] : memref<80x128xi32, #tpu.memory_space<vmem>> -> memref<1x128xi32, #tpu.memory_space<vmem>>
        %dma_start3A_257 = tpu.memref_squeeze %dma_start3A_256 : memref<1x128xi32, #tpu.memory_space<vmem>> -> memref<128xi32, #tpu.memory_space<vmem>>
        %dma_start3A_258 = arith.constant 0 : i32
        %dma_start3A_259 = arith.constant 0 : i32
        %dma_start3A_260 = tpu.memref_slice %arg4[%dma_start3A_258, %dma_start3A_259] : memref<10240x64xf32, #tpu.memory_space<hbm>> -> memref<10240x64xf32, #tpu.memory_space<hbm>>
        tpu.enqueue_indirect_dma source(%dma_start3A_260 : memref<10240x64xf32, #tpu.memory_space<hbm>>) target(%arg10 : memref<128x64xf32, #tpu.memory_space<vmem>>) offsets(%dma_start3A_257 : memref<128xi32, #tpu.memory_space<vmem>>) semaphore(%arg16 : memref<!tpu.dma_semaphore, #tpu.memory_space<semaphore_mem>>)
      } else {
      }
      %mul3A_169 = arith.constant 6 : i32
      %mul3A_170 = arith.muli %scan3A_89, %mul3A_169 : i32
      %add3A_171 = arith.constant 3 : i32
      %add3A_172 = arith.addi %mul3A_170, %add3A_171 : i32
      %dma_wait3A_173 = arith.constant 0 : i32
      %dma_wait3A_174 = tpu.memref_slice %arg8[%add3A_172, %dma_wait3A_173] : memref<80x128xi32, #tpu.memory_space<vmem>> -> memref<1x128xi32, #tpu.memory_space<vmem>>
      %dma_wait3A_175 = tpu.memref_squeeze %dma_wait3A_174 : memref<1x128xi32, #tpu.memory_space<vmem>> -> memref<128xi32, #tpu.memory_space<vmem>>
      %dma_wait3A_176 = arith.constant 0 : i32
      %dma_wait3A_177 = arith.constant 0 : i32
      %dma_wait3A_178 = tpu.memref_slice %arg4[%dma_wait3A_176, %dma_wait3A_177] : memref<10240x64xf32, #tpu.memory_space<hbm>> -> memref<10240x64xf32, #tpu.memory_space<hbm>>
      tpu.wait_indirect_dma semaphore(%arg19 : memref<!tpu.dma_semaphore, #tpu.memory_space<semaphore_mem>>) src(%dma_wait3A_178 : memref<10240x64xf32, #tpu.memory_space<hbm>>) dst(%arg13 : memref<128x64xf32, #tpu.memory_space<vmem>>)
      %dma_start3A_179 = arith.constant 0 : i32
      %dma_start3A_180 = tpu.memref_slice %arg9[%add3A_172, %dma_start3A_179] : memref<80x128xi32, #tpu.memory_space<vmem>> -> memref<1x128xi32, #tpu.memory_space<vmem>>
      %dma_start3A_181 = tpu.memref_squeeze %dma_start3A_180 : memref<1x128xi32, #tpu.memory_space<vmem>> -> memref<128xi32, #tpu.memory_space<vmem>>
      %dma_start3A_182 = arith.constant 0 : i32
      %dma_start3A_183 = arith.constant 0 : i32
      %dma_start3A_184 = tpu.memref_slice %arg7[%dma_start3A_182, %dma_start3A_183] : memref<10240x64xf32, #tpu.memory_space<vmem_shared>> -> memref<10240x64xf32, #tpu.memory_space<vmem_shared>>
      tpu.enqueue_indirect_dma source(%arg13 : memref<128x64xf32, #tpu.memory_space<vmem>>) target(%dma_start3A_184 : memref<10240x64xf32, #tpu.memory_space<vmem_shared>>) offsets(%dma_start3A_181 : memref<128xi32, #tpu.memory_space<vmem>>) semaphore(%arg25 : memref<!tpu.dma_semaphore, #tpu.memory_space<semaphore_mem>>) {add = true}
      %ge3A_185 = arith.constant 2 : i32
      %ge3A_186 = arith.cmpi sge, %add3A_172, %ge3A_185 : i32
      %convert_element_type3A_187 = arith.extui %ge3A_186 : i1 to i32
      %cond3A_188 = arith.constant 0 : i32
      %cond3A_189 = arith.cmpi ne, %convert_element_type3A_187, %cond3A_188 : i32
      scf.if %cond3A_189 {
        %sub3A = arith.constant 2 : i32
        %sub3A_253 = arith.subi %add3A_172, %sub3A : i32
        %dma_wait3A_254 = arith.constant 0 : i32
        %dma_wait3A_255 = tpu.memref_slice %arg9[%sub3A_253, %dma_wait3A_254] : memref<80x128xi32, #tpu.memory_space<vmem>> -> memref<1x128xi32, #tpu.memory_space<vmem>>
        %dma_wait3A_256 = tpu.memref_squeeze %dma_wait3A_255 : memref<1x128xi32, #tpu.memory_space<vmem>> -> memref<128xi32, #tpu.memory_space<vmem>>
        %dma_wait3A_257 = arith.constant 0 : i32
        %dma_wait3A_258 = arith.constant 0 : i32
        %dma_wait3A_259 = tpu.memref_slice %arg7[%dma_wait3A_257, %dma_wait3A_258] : memref<10240x64xf32, #tpu.memory_space<vmem_shared>> -> memref<10240x64xf32, #tpu.memory_space<vmem_shared>>
        tpu.wait_indirect_dma semaphore(%arg23 : memref<!tpu.dma_semaphore, #tpu.memory_space<semaphore_mem>>) src(%arg11 : memref<128x64xf32, #tpu.memory_space<vmem>>) dst(%dma_wait3A_259 : memref<10240x64xf32, #tpu.memory_space<vmem_shared>>)
      } else {
      }
      %add3A_190 = arith.constant 4 : i32
      %add3A_191 = arith.addi %add3A_172, %add3A_190 : i32
      %lt3A_192 = arith.constant 80 : i32
      %lt3A_193 = arith.cmpi slt, %add3A_191, %lt3A_192 : i32
      %convert_element_type3A_194 = arith.extui %lt3A_193 : i1 to i32
      %cond3A_195 = arith.constant 0 : i32
      %cond3A_196 = arith.cmpi ne, %convert_element_type3A_194, %cond3A_195 : i32
      scf.if %cond3A_196 {
        %add3A_253 = arith.constant 4 : i32
        %add3A_254 = arith.addi %add3A_172, %add3A_253 : i32
        %dma_start3A_255 = arith.constant 0 : i32
        %dma_start3A_256 = tpu.memref_slice %arg8[%add3A_254, %dma_start3A_255] : memref<80x128xi32, #tpu.memory_space<vmem>> -> memref<1x128xi32, #tpu.memory_space<vmem>>
        %dma_start3A_257 = tpu.memref_squeeze %dma_start3A_256 : memref<1x128xi32, #tpu.memory_space<vmem>> -> memref<128xi32, #tpu.memory_space<vmem>>
        %dma_start3A_258 = arith.constant 0 : i32
        %dma_start3A_259 = arith.constant 0 : i32
        %dma_start3A_260 = tpu.memref_slice %arg4[%dma_start3A_258, %dma_start3A_259] : memref<10240x64xf32, #tpu.memory_space<hbm>> -> memref<10240x64xf32, #tpu.memory_space<hbm>>
        tpu.enqueue_indirect_dma source(%dma_start3A_260 : memref<10240x64xf32, #tpu.memory_space<hbm>>) target(%arg11 : memref<128x64xf32, #tpu.memory_space<vmem>>) offsets(%dma_start3A_257 : memref<128xi32, #tpu.memory_space<vmem>>) semaphore(%arg17 : memref<!tpu.dma_semaphore, #tpu.memory_space<semaphore_mem>>)
      } else {
      }
      %mul3A_197 = arith.constant 6 : i32
      %mul3A_198 = arith.muli %scan3A_89, %mul3A_197 : i32
      %add3A_199 = arith.constant 4 : i32
      %add3A_200 = arith.addi %mul3A_198, %add3A_199 : i32
      %dma_wait3A_201 = arith.constant 0 : i32
      %dma_wait3A_202 = tpu.memref_slice %arg8[%add3A_200, %dma_wait3A_201] : memref<80x128xi32, #tpu.memory_space<vmem>> -> memref<1x128xi32, #tpu.memory_space<vmem>>
      %dma_wait3A_203 = tpu.memref_squeeze %dma_wait3A_202 : memref<1x128xi32, #tpu.memory_space<vmem>> -> memref<128xi32, #tpu.memory_space<vmem>>
      %dma_wait3A_204 = arith.constant 0 : i32
      %dma_wait3A_205 = arith.constant 0 : i32
      %dma_wait3A_206 = tpu.memref_slice %arg4[%dma_wait3A_204, %dma_wait3A_205] : memref<10240x64xf32, #tpu.memory_space<hbm>> -> memref<10240x64xf32, #tpu.memory_space<hbm>>
      tpu.wait_indirect_dma semaphore(%arg20 : memref<!tpu.dma_semaphore, #tpu.memory_space<semaphore_mem>>) src(%dma_wait3A_206 : memref<10240x64xf32, #tpu.memory_space<hbm>>) dst(%arg14 : memref<128x64xf32, #tpu.memory_space<vmem>>)
      %dma_start3A_207 = arith.constant 0 : i32
      %dma_start3A_208 = tpu.memref_slice %arg9[%add3A_200, %dma_start3A_207] : memref<80x128xi32, #tpu.memory_space<vmem>> -> memref<1x128xi32, #tpu.memory_space<vmem>>
      %dma_start3A_209 = tpu.memref_squeeze %dma_start3A_208 : memref<1x128xi32, #tpu.memory_space<vmem>> -> memref<128xi32, #tpu.memory_space<vmem>>
      %dma_start3A_210 = arith.constant 0 : i32
      %dma_start3A_211 = arith.constant 0 : i32
      %dma_start3A_212 = tpu.memref_slice %arg7[%dma_start3A_210, %dma_start3A_211] : memref<10240x64xf32, #tpu.memory_space<vmem_shared>> -> memref<10240x64xf32, #tpu.memory_space<vmem_shared>>
      tpu.enqueue_indirect_dma source(%arg14 : memref<128x64xf32, #tpu.memory_space<vmem>>) target(%dma_start3A_212 : memref<10240x64xf32, #tpu.memory_space<vmem_shared>>) offsets(%dma_start3A_209 : memref<128xi32, #tpu.memory_space<vmem>>) semaphore(%arg26 : memref<!tpu.dma_semaphore, #tpu.memory_space<semaphore_mem>>) {add = true}
      %ge3A_213 = arith.constant 2 : i32
      %ge3A_214 = arith.cmpi sge, %add3A_200, %ge3A_213 : i32
      %convert_element_type3A_215 = arith.extui %ge3A_214 : i1 to i32
      %cond3A_216 = arith.constant 0 : i32
      %cond3A_217 = arith.cmpi ne, %convert_element_type3A_215, %cond3A_216 : i32
      scf.if %cond3A_217 {
        %sub3A = arith.constant 2 : i32
        %sub3A_253 = arith.subi %add3A_200, %sub3A : i32
        %dma_wait3A_254 = arith.constant 0 : i32
        %dma_wait3A_255 = tpu.memref_slice %arg9[%sub3A_253, %dma_wait3A_254] : memref<80x128xi32, #tpu.memory_space<vmem>> -> memref<1x128xi32, #tpu.memory_space<vmem>>
        %dma_wait3A_256 = tpu.memref_squeeze %dma_wait3A_255 : memref<1x128xi32, #tpu.memory_space<vmem>> -> memref<128xi32, #tpu.memory_space<vmem>>
        %dma_wait3A_257 = arith.constant 0 : i32
        %dma_wait3A_258 = arith.constant 0 : i32
        %dma_wait3A_259 = tpu.memref_slice %arg7[%dma_wait3A_257, %dma_wait3A_258] : memref<10240x64xf32, #tpu.memory_space<vmem_shared>> -> memref<10240x64xf32, #tpu.memory_space<vmem_shared>>
        tpu.wait_indirect_dma semaphore(%arg24 : memref<!tpu.dma_semaphore, #tpu.memory_space<semaphore_mem>>) src(%arg12 : memref<128x64xf32, #tpu.memory_space<vmem>>) dst(%dma_wait3A_259 : memref<10240x64xf32, #tpu.memory_space<vmem_shared>>)
      } else {
      }
      %add3A_218 = arith.constant 4 : i32
      %add3A_219 = arith.addi %add3A_200, %add3A_218 : i32
      %lt3A_220 = arith.constant 80 : i32
      %lt3A_221 = arith.cmpi slt, %add3A_219, %lt3A_220 : i32
      %convert_element_type3A_222 = arith.extui %lt3A_221 : i1 to i32
      %cond3A_223 = arith.constant 0 : i32
      %cond3A_224 = arith.cmpi ne, %convert_element_type3A_222, %cond3A_223 : i32
      scf.if %cond3A_224 {
        %add3A_253 = arith.constant 4 : i32
        %add3A_254 = arith.addi %add3A_200, %add3A_253 : i32
        %dma_start3A_255 = arith.constant 0 : i32
        %dma_start3A_256 = tpu.memref_slice %arg8[%add3A_254, %dma_start3A_255] : memref<80x128xi32, #tpu.memory_space<vmem>> -> memref<1x128xi32, #tpu.memory_space<vmem>>
        %dma_start3A_257 = tpu.memref_squeeze %dma_start3A_256 : memref<1x128xi32, #tpu.memory_space<vmem>> -> memref<128xi32, #tpu.memory_space<vmem>>
        %dma_start3A_258 = arith.constant 0 : i32
        %dma_start3A_259 = arith.constant 0 : i32
        %dma_start3A_260 = tpu.memref_slice %arg4[%dma_start3A_258, %dma_start3A_259] : memref<10240x64xf32, #tpu.memory_space<hbm>> -> memref<10240x64xf32, #tpu.memory_space<hbm>>
        tpu.enqueue_indirect_dma source(%dma_start3A_260 : memref<10240x64xf32, #tpu.memory_space<hbm>>) target(%arg12 : memref<128x64xf32, #tpu.memory_space<vmem>>) offsets(%dma_start3A_257 : memref<128xi32, #tpu.memory_space<vmem>>) semaphore(%arg18 : memref<!tpu.dma_semaphore, #tpu.memory_space<semaphore_mem>>)
      } else {
      }
      %mul3A_225 = arith.constant 6 : i32
      %mul3A_226 = arith.muli %scan3A_89, %mul3A_225 : i32
      %add3A_227 = arith.constant 5 : i32
      %add3A_228 = arith.addi %mul3A_226, %add3A_227 : i32
      %dma_wait3A_229 = arith.constant 0 : i32
      %dma_wait3A_230 = tpu.memref_slice %arg8[%add3A_228, %dma_wait3A_229] : memref<80x128xi32, #tpu.memory_space<vmem>> -> memref<1x128xi32, #tpu.memory_space<vmem>>
      %dma_wait3A_231 = tpu.memref_squeeze %dma_wait3A_230 : memref<1x128xi32, #tpu.memory_space<vmem>> -> memref<128xi32, #tpu.memory_space<vmem>>
      %dma_wait3A_232 = arith.constant 0 : i32
      %dma_wait3A_233 = arith.constant 0 : i32
      %dma_wait3A_234 = tpu.memref_slice %arg4[%dma_wait3A_232, %dma_wait3A_233] : memref<10240x64xf32, #tpu.memory_space<hbm>> -> memref<10240x64xf32, #tpu.memory_space<hbm>>
      tpu.wait_indirect_dma semaphore(%arg21 : memref<!tpu.dma_semaphore, #tpu.memory_space<semaphore_mem>>) src(%dma_wait3A_234 : memref<10240x64xf32, #tpu.memory_space<hbm>>) dst(%arg15 : memref<128x64xf32, #tpu.memory_space<vmem>>)
      %dma_start3A_235 = arith.constant 0 : i32
      %dma_start3A_236 = tpu.memref_slice %arg9[%add3A_228, %dma_start3A_235] : memref<80x128xi32, #tpu.memory_space<vmem>> -> memref<1x128xi32, #tpu.memory_space<vmem>>
      %dma_start3A_237 = tpu.memref_squeeze %dma_start3A_236 : memref<1x128xi32, #tpu.memory_space<vmem>> -> memref<128xi32, #tpu.memory_space<vmem>>
      %dma_start3A_238 = arith.constant 0 : i32
      %dma_start3A_239 = arith.constant 0 : i32
      %dma_start3A_240 = tpu.memref_slice %arg7[%dma_start3A_238, %dma_start3A_239] : memref<10240x64xf32, #tpu.memory_space<vmem_shared>> -> memref<10240x64xf32, #tpu.memory_space<vmem_shared>>
      tpu.enqueue_indirect_dma source(%arg15 : memref<128x64xf32, #tpu.memory_space<vmem>>) target(%dma_start3A_240 : memref<10240x64xf32, #tpu.memory_space<vmem_shared>>) offsets(%dma_start3A_237 : memref<128xi32, #tpu.memory_space<vmem>>) semaphore(%arg27 : memref<!tpu.dma_semaphore, #tpu.memory_space<semaphore_mem>>) {add = true}
      %ge3A_241 = arith.constant 2 : i32
      %ge3A_242 = arith.cmpi sge, %add3A_228, %ge3A_241 : i32
      %convert_element_type3A_243 = arith.extui %ge3A_242 : i1 to i32
      %cond3A_244 = arith.constant 0 : i32
      %cond3A_245 = arith.cmpi ne, %convert_element_type3A_243, %cond3A_244 : i32
      scf.if %cond3A_245 {
        %sub3A = arith.constant 2 : i32
        %sub3A_253 = arith.subi %add3A_228, %sub3A : i32
        %dma_wait3A_254 = arith.constant 0 : i32
        %dma_wait3A_255 = tpu.memref_slice %arg9[%sub3A_253, %dma_wait3A_254] : memref<80x128xi32, #tpu.memory_space<vmem>> -> memref<1x128xi32, #tpu.memory_space<vmem>>
        %dma_wait3A_256 = tpu.memref_squeeze %dma_wait3A_255 : memref<1x128xi32, #tpu.memory_space<vmem>> -> memref<128xi32, #tpu.memory_space<vmem>>
        %dma_wait3A_257 = arith.constant 0 : i32
        %dma_wait3A_258 = arith.constant 0 : i32
        %dma_wait3A_259 = tpu.memref_slice %arg7[%dma_wait3A_257, %dma_wait3A_258] : memref<10240x64xf32, #tpu.memory_space<vmem_shared>> -> memref<10240x64xf32, #tpu.memory_space<vmem_shared>>
        tpu.wait_indirect_dma semaphore(%arg25 : memref<!tpu.dma_semaphore, #tpu.memory_space<semaphore_mem>>) src(%arg13 : memref<128x64xf32, #tpu.memory_space<vmem>>) dst(%dma_wait3A_259 : memref<10240x64xf32, #tpu.memory_space<vmem_shared>>)
      } else {
      }
      %add3A_246 = arith.constant 4 : i32
      %add3A_247 = arith.addi %add3A_228, %add3A_246 : i32
      %lt3A_248 = arith.constant 80 : i32
      %lt3A_249 = arith.cmpi slt, %add3A_247, %lt3A_248 : i32
      %convert_element_type3A_250 = arith.extui %lt3A_249 : i1 to i32
      %cond3A_251 = arith.constant 0 : i32
      %cond3A_252 = arith.cmpi ne, %convert_element_type3A_250, %cond3A_251 : i32
      scf.if %cond3A_252 {
        %add3A_253 = arith.constant 4 : i32
        %add3A_254 = arith.addi %add3A_228, %add3A_253 : i32
        %dma_start3A_255 = arith.constant 0 : i32
        %dma_start3A_256 = tpu.memref_slice %arg8[%add3A_254, %dma_start3A_255] : memref<80x128xi32, #tpu.memory_space<vmem>> -> memref<1x128xi32, #tpu.memory_space<vmem>>
        %dma_start3A_257 = tpu.memref_squeeze %dma_start3A_256 : memref<1x128xi32, #tpu.memory_space<vmem>> -> memref<128xi32, #tpu.memory_space<vmem>>
        %dma_start3A_258 = arith.constant 0 : i32
        %dma_start3A_259 = arith.constant 0 : i32
        %dma_start3A_260 = tpu.memref_slice %arg4[%dma_start3A_258, %dma_start3A_259] : memref<10240x64xf32, #tpu.memory_space<hbm>> -> memref<10240x64xf32, #tpu.memory_space<hbm>>
        tpu.enqueue_indirect_dma source(%dma_start3A_260 : memref<10240x64xf32, #tpu.memory_space<hbm>>) target(%arg13 : memref<128x64xf32, #tpu.memory_space<vmem>>) offsets(%dma_start3A_257 : memref<128xi32, #tpu.memory_space<vmem>>) semaphore(%arg19 : memref<!tpu.dma_semaphore, #tpu.memory_space<semaphore_mem>>)
      } else {
      }
    }
    %scan3A_32 = arith.constant 13 : i32
    %dma_wait3A = arith.constant 78 : i32
    %dma_wait3A_33 = arith.constant 0 : i32
    %dma_wait3A_34 = tpu.memref_slice %arg8[%dma_wait3A, %dma_wait3A_33] : memref<80x128xi32, #tpu.memory_space<vmem>> -> memref<1x128xi32, #tpu.memory_space<vmem>>
    %dma_wait3A_35 = tpu.memref_squeeze %dma_wait3A_34 : memref<1x128xi32, #tpu.memory_space<vmem>> -> memref<128xi32, #tpu.memory_space<vmem>>
    %dma_wait3A_36 = arith.constant 0 : i32
    %dma_wait3A_37 = arith.constant 0 : i32
    %dma_wait3A_38 = tpu.memref_slice %arg4[%dma_wait3A_36, %dma_wait3A_37] : memref<10240x64xf32, #tpu.memory_space<hbm>> -> memref<10240x64xf32, #tpu.memory_space<hbm>>
    tpu.wait_indirect_dma semaphore(%arg16 : memref<!tpu.dma_semaphore, #tpu.memory_space<semaphore_mem>>) src(%dma_wait3A_38 : memref<10240x64xf32, #tpu.memory_space<hbm>>) dst(%arg10 : memref<128x64xf32, #tpu.memory_space<vmem>>)
    %dma_start3A_39 = arith.constant 78 : i32
    %dma_start3A_40 = arith.constant 0 : i32
    %dma_start3A_41 = tpu.memref_slice %arg9[%dma_start3A_39, %dma_start3A_40] : memref<80x128xi32, #tpu.memory_space<vmem>> -> memref<1x128xi32, #tpu.memory_space<vmem>>
    %dma_start3A_42 = tpu.memref_squeeze %dma_start3A_41 : memref<1x128xi32, #tpu.memory_space<vmem>> -> memref<128xi32, #tpu.memory_space<vmem>>
    %dma_start3A_43 = arith.constant 0 : i32
    %dma_start3A_44 = arith.constant 0 : i32
    %dma_start3A_45 = tpu.memref_slice %arg7[%dma_start3A_43, %dma_start3A_44] : memref<10240x64xf32, #tpu.memory_space<vmem_shared>> -> memref<10240x64xf32, #tpu.memory_space<vmem_shared>>
    tpu.enqueue_indirect_dma source(%arg10 : memref<128x64xf32, #tpu.memory_space<vmem>>) target(%dma_start3A_45 : memref<10240x64xf32, #tpu.memory_space<vmem_shared>>) offsets(%dma_start3A_42 : memref<128xi32, #tpu.memory_space<vmem>>) semaphore(%arg22 : memref<!tpu.dma_semaphore, #tpu.memory_space<semaphore_mem>>) {add = true}
    %dma_wait3A_46 = arith.constant 79 : i32
    %dma_wait3A_47 = arith.constant 0 : i32
    %dma_wait3A_48 = tpu.memref_slice %arg8[%dma_wait3A_46, %dma_wait3A_47] : memref<80x128xi32, #tpu.memory_space<vmem>> -> memref<1x128xi32, #tpu.memory_space<vmem>>
    %dma_wait3A_49 = tpu.memref_squeeze %dma_wait3A_48 : memref<1x128xi32, #tpu.memory_space<vmem>> -> memref<128xi32, #tpu.memory_space<vmem>>
    %dma_wait3A_50 = arith.constant 0 : i32
    %dma_wait3A_51 = arith.constant 0 : i32
    %dma_wait3A_52 = tpu.memref_slice %arg4[%dma_wait3A_50, %dma_wait3A_51] : memref<10240x64xf32, #tpu.memory_space<hbm>> -> memref<10240x64xf32, #tpu.memory_space<hbm>>
    tpu.wait_indirect_dma semaphore(%arg17 : memref<!tpu.dma_semaphore, #tpu.memory_space<semaphore_mem>>) src(%dma_wait3A_52 : memref<10240x64xf32, #tpu.memory_space<hbm>>) dst(%arg11 : memref<128x64xf32, #tpu.memory_space<vmem>>)
    %dma_start3A_53 = arith.constant 79 : i32
    %dma_start3A_54 = arith.constant 0 : i32
    %dma_start3A_55 = tpu.memref_slice %arg9[%dma_start3A_53, %dma_start3A_54] : memref<80x128xi32, #tpu.memory_space<vmem>> -> memref<1x128xi32, #tpu.memory_space<vmem>>
    %dma_start3A_56 = tpu.memref_squeeze %dma_start3A_55 : memref<1x128xi32, #tpu.memory_space<vmem>> -> memref<128xi32, #tpu.memory_space<vmem>>
    %dma_start3A_57 = arith.constant 0 : i32
    %dma_start3A_58 = arith.constant 0 : i32
    %dma_start3A_59 = tpu.memref_slice %arg7[%dma_start3A_57, %dma_start3A_58] : memref<10240x64xf32, #tpu.memory_space<vmem_shared>> -> memref<10240x64xf32, #tpu.memory_space<vmem_shared>>
    tpu.enqueue_indirect_dma source(%arg11 : memref<128x64xf32, #tpu.memory_space<vmem>>) target(%dma_start3A_59 : memref<10240x64xf32, #tpu.memory_space<vmem_shared>>) offsets(%dma_start3A_56 : memref<128xi32, #tpu.memory_space<vmem>>) semaphore(%arg23 : memref<!tpu.dma_semaphore, #tpu.memory_space<semaphore_mem>>) {add = true}
    %dma_wait3A_60 = arith.constant 76 : i32
    %dma_wait3A_61 = arith.constant 0 : i32
    %dma_wait3A_62 = tpu.memref_slice %arg9[%dma_wait3A_60, %dma_wait3A_61] : memref<80x128xi32, #tpu.memory_space<vmem>> -> memref<1x128xi32, #tpu.memory_space<vmem>>
    %dma_wait3A_63 = tpu.memref_squeeze %dma_wait3A_62 : memref<1x128xi32, #tpu.memory_space<vmem>> -> memref<128xi32, #tpu.memory_space<vmem>>
    %dma_wait3A_64 = arith.constant 0 : i32
    %dma_wait3A_65 = arith.constant 0 : i32
    %dma_wait3A_66 = tpu.memref_slice %arg7[%dma_wait3A_64, %dma_wait3A_65] : memref<10240x64xf32, #tpu.memory_space<vmem_shared>> -> memref<10240x64xf32, #tpu.memory_space<vmem_shared>>
    tpu.wait_indirect_dma semaphore(%arg26 : memref<!tpu.dma_semaphore, #tpu.memory_space<semaphore_mem>>) src(%arg14 : memref<128x64xf32, #tpu.memory_space<vmem>>) dst(%dma_wait3A_66 : memref<10240x64xf32, #tpu.memory_space<vmem_shared>>)
    %dma_wait3A_67 = arith.constant 77 : i32
    %dma_wait3A_68 = arith.constant 0 : i32
    %dma_wait3A_69 = tpu.memref_slice %arg9[%dma_wait3A_67, %dma_wait3A_68] : memref<80x128xi32, #tpu.memory_space<vmem>> -> memref<1x128xi32, #tpu.memory_space<vmem>>
    %dma_wait3A_70 = tpu.memref_squeeze %dma_wait3A_69 : memref<1x128xi32, #tpu.memory_space<vmem>> -> memref<128xi32, #tpu.memory_space<vmem>>
    %dma_wait3A_71 = arith.constant 0 : i32
    %dma_wait3A_72 = arith.constant 0 : i32
    %dma_wait3A_73 = tpu.memref_slice %arg7[%dma_wait3A_71, %dma_wait3A_72] : memref<10240x64xf32, #tpu.memory_space<vmem_shared>> -> memref<10240x64xf32, #tpu.memory_space<vmem_shared>>
    tpu.wait_indirect_dma semaphore(%arg27 : memref<!tpu.dma_semaphore, #tpu.memory_space<semaphore_mem>>) src(%arg15 : memref<128x64xf32, #tpu.memory_space<vmem>>) dst(%dma_wait3A_73 : memref<10240x64xf32, #tpu.memory_space<vmem_shared>>)
    %dma_wait3A_74 = arith.constant 78 : i32
    %dma_wait3A_75 = arith.constant 0 : i32
    %dma_wait3A_76 = tpu.memref_slice %arg9[%dma_wait3A_74, %dma_wait3A_75] : memref<80x128xi32, #tpu.memory_space<vmem>> -> memref<1x128xi32, #tpu.memory_space<vmem>>
    %dma_wait3A_77 = tpu.memref_squeeze %dma_wait3A_76 : memref<1x128xi32, #tpu.memory_space<vmem>> -> memref<128xi32, #tpu.memory_space<vmem>>
    %dma_wait3A_78 = arith.constant 0 : i32
    %dma_wait3A_79 = arith.constant 0 : i32
    %dma_wait3A_80 = tpu.memref_slice %arg7[%dma_wait3A_78, %dma_wait3A_79] : memref<10240x64xf32, #tpu.memory_space<vmem_shared>> -> memref<10240x64xf32, #tpu.memory_space<vmem_shared>>
    tpu.wait_indirect_dma semaphore(%arg22 : memref<!tpu.dma_semaphore, #tpu.memory_space<semaphore_mem>>) src(%arg10 : memref<128x64xf32, #tpu.memory_space<vmem>>) dst(%dma_wait3A_80 : memref<10240x64xf32, #tpu.memory_space<vmem_shared>>)
    %dma_wait3A_81 = arith.constant 79 : i32
    %dma_wait3A_82 = arith.constant 0 : i32
    %dma_wait3A_83 = tpu.memref_slice %arg9[%dma_wait3A_81, %dma_wait3A_82] : memref<80x128xi32, #tpu.memory_space<vmem>> -> memref<1x128xi32, #tpu.memory_space<vmem>>
    %dma_wait3A_84 = tpu.memref_squeeze %dma_wait3A_83 : memref<1x128xi32, #tpu.memory_space<vmem>> -> memref<128xi32, #tpu.memory_space<vmem>>
    %dma_wait3A_85 = arith.constant 0 : i32
    %dma_wait3A_86 = arith.constant 0 : i32
    %dma_wait3A_87 = tpu.memref_slice %arg7[%dma_wait3A_85, %dma_wait3A_86] : memref<10240x64xf32, #tpu.memory_space<vmem_shared>> -> memref<10240x64xf32, #tpu.memory_space<vmem_shared>>
    tpu.wait_indirect_dma semaphore(%arg23 : memref<!tpu.dma_semaphore, #tpu.memory_space<semaphore_mem>>) src(%arg11 : memref<128x64xf32, #tpu.memory_space<vmem>>) dst(%dma_wait3A_87 : memref<10240x64xf32, #tpu.memory_space<vmem_shared>>)
    %barrier3A_88 = arith.constant 0 : index
    tpu.barrier barrier_id(%barrier3A_88)
    "tpu.region"() ({
      %run_scoped3A = tpu.sem_alloc : memref<!tpu.dma_semaphore, #tpu.memory_space<semaphore_mem>>
      %dma_start3A_89 = arith.constant 0 : i32
      %dma_start3A_90 = tpu.memref_slice %arg6[%arg0, %mul3A_0, %dma_start3A_89] : memref<2x10240x64xf32, #tpu.memory_space<hbm>> -> memref<1x640x64xf32, #tpu.memory_space<hbm>>
      %dma_start3A_91 = tpu.memref_squeeze %dma_start3A_90 : memref<1x640x64xf32, #tpu.memory_space<hbm>> -> memref<640x64xf32, #tpu.memory_space<hbm>>
      %dma_start3A_92 = arith.constant 0 : i32
      %dma_start3A_93 = tpu.memref_slice %arg7[%mul3A_0, %dma_start3A_92] : memref<10240x64xf32, #tpu.memory_space<vmem_shared>> -> memref<640x64xf32, #tpu.memory_space<vmem_shared>>
      tpu.enqueue_dma source(%dma_start3A_93 : memref<640x64xf32, #tpu.memory_space<vmem_shared>>) target(%dma_start3A_91 : memref<640x64xf32, #tpu.memory_space<hbm>>) target_semaphore(%run_scoped3A : memref<!tpu.dma_semaphore, #tpu.memory_space<semaphore_mem>>)
      %dma_wait3A_94 = arith.constant 0 : i32
      %dma_wait3A_95 = tpu.memref_slice %arg6[%arg0, %mul3A_0, %dma_wait3A_94] : memref<2x10240x64xf32, #tpu.memory_space<hbm>> -> memref<1x640x64xf32, #tpu.memory_space<hbm>>
      %dma_wait3A_96 = tpu.memref_squeeze %dma_wait3A_95 : memref<1x640x64xf32, #tpu.memory_space<hbm>> -> memref<640x64xf32, #tpu.memory_space<hbm>>
      %dma_wait3A_97 = arith.constant 0 : i32
      %dma_wait3A_98 = tpu.memref_slice %arg7[%mul3A_0, %dma_wait3A_97] : memref<10240x64xf32, #tpu.memory_space<vmem_shared>> -> memref<640x64xf32, #tpu.memory_space<vmem_shared>>
      tpu.wait_dma2 semaphore(%run_scoped3A : memref<!tpu.dma_semaphore, #tpu.memory_space<semaphore_mem>>) src(%dma_wait3A_98 : memref<640x64xf32, #tpu.memory_space<vmem_shared>>) dst(%dma_wait3A_96 : memref<640x64xf32, #tpu.memory_space<hbm>>)
      tpu.yield
    }) : () -> ()
    return
  }
}

module attributes {stable_mosaic.version = 14 : i64} {
  func.func @_tc_prep_body(%arg0: i32, %arg1: memref<2x1024x16xf32, #tpu.memory_space<vmem>>, %arg2: memref<1024x128xf32, #tpu.memory_space<vmem>>, %arg3: memref<1024x128xf32, #tpu.memory_space<vmem>>, %arg4: memref<1024x128xf32, #tpu.memory_space<vmem>>) attributes {dimension_semantics = [#tpu.dimension_semantics<arbitrary>], iteration_bounds = array<i64: 10>, scalar_prefetch = 0 : i64, scratch_operands = 0 : i64, tpu.core_type = #tpu.core_type<tc>, window_params = [{transform_indices = @transform_0, window_bounds = array<i64: 2, 1024, 16>}, {transform_indices = @transform_1, window_bounds = array<i64: 1024, 128>}, {transform_indices = @transform_2, window_bounds = array<i64: 1024, 128>}, {transform_indices = @transform_3, window_bounds = array<i64: 1024, 128>}]} {
    %get3A = arith.constant 0 : index
    %get3A_0 = arith.constant 0 : index
    %get3A_1 = arith.constant 0 : index
    %get3A_2 = vector.load %arg1[%get3A, %get3A_0, %get3A_1] : memref<2x1024x16xf32, #tpu.memory_space<vmem>>, vector<1x1024x1xf32>
    %get3A_3 = vector.shape_cast %get3A_2 : vector<1x1024x1xf32> to vector<1024x1xf32>
    %add3A = arith.constant 1.000000e+00 : f32
    %add3A_4 = vector.broadcast %add3A : f32 to vector<1024x1xf32>
    %add3A_5 = arith.addf %add3A_4, %get3A_3 : vector<1024x1xf32>
    %get3A_6 = arith.constant 1 : index
    %get3A_7 = arith.constant 0 : index
    %get3A_8 = arith.constant 0 : index
    %get3A_9 = vector.load %arg1[%get3A_6, %get3A_7, %get3A_8] : memref<2x1024x16xf32, #tpu.memory_space<vmem>>, vector<1x1024x1xf32>
    %get3A_10 = vector.shape_cast %get3A_9 : vector<1x1024x1xf32> to vector<1024x1xf32>
    %add3A_11 = arith.addf %add3A_5, %get3A_10 : vector<1024x1xf32>
    %rsqrt3A = math.rsqrt %add3A_11 : vector<1024x1xf32>
    %broadcast_in_dim3A = vector.shape_cast %rsqrt3A : vector<1024x1xf32> to vector<1024x1xf32>
    %broadcast_in_dim3A_12 = vector.broadcast %broadcast_in_dim3A : vector<1024x1xf32> to vector<1024x128xf32>
    %swap3A = arith.constant 0 : index
    %swap3A_13 = arith.constant 0 : index
    %swap3A_14 = vector.load %arg4[%swap3A, %swap3A_13] : memref<1024x128xf32, #tpu.memory_space<vmem>>, vector<1024x128xf32>
    tpu.vector_store %arg4[%swap3A, %swap3A_13], %broadcast_in_dim3A_12 {strides = array<i32>} : memref<1024x128xf32, #tpu.memory_space<vmem>>, vector<1024x128xf32>,
    %get3A_15 = arith.constant 0 : index
    %get3A_16 = arith.constant 0 : index
    %get3A_17 = vector.load %arg2[%get3A_15, %get3A_16] : memref<1024x128xf32, #tpu.memory_space<vmem>>, vector<1024x128xf32>
    %mul3A = arith.mulf %get3A_17, %broadcast_in_dim3A_12 : vector<1024x128xf32>
    %swap3A_18 = arith.constant 0 : index
    %swap3A_19 = arith.constant 0 : index
    %swap3A_20 = vector.load %arg3[%swap3A_18, %swap3A_19] : memref<1024x128xf32, #tpu.memory_space<vmem>>, vector<1024x128xf32>
    tpu.vector_store %arg3[%swap3A_18, %swap3A_19], %mul3A {strides = array<i32>} : memref<1024x128xf32, #tpu.memory_space<vmem>>, vector<1024x128xf32>,
    return
  }
  func.func @transform_0(%arg0: i32) -> (i32, i32, i32) {
    %c0_i32 = arith.constant 0 : i32
    %c0_i32_0 = arith.constant 0 : i32
    %c0_i32_1 = arith.constant 0 : i32
    return %c0_i32, %arg0, %c0_i32_0 : i32, i32, i32
  }
  func.func @transform_1(%arg0: i32) -> (i32, i32) {
    %c0_i32 = arith.constant 0 : i32
    %c0_i32_0 = arith.constant 0 : i32
    return %arg0, %c0_i32 : i32, i32
  }
  func.func @transform_2(%arg0: i32) -> (i32, i32) {
    %c0_i32 = arith.constant 0 : i32
    %c0_i32_0 = arith.constant 0 : i32
    return %arg0, %c0_i32 : i32, i32
  }
  func.func @transform_3(%arg0: i32) -> (i32, i32) {
    %c0_i32 = arith.constant 0 : i32
    %c0_i32_0 = arith.constant 0 : i32
    return %arg0, %c0_i32 : i32, i32
  }
}

module attributes {stable_mosaic.version = 14 : i64} {
  func.func @_tc_mid_body(%arg0: i32, %arg1: memref<2x1024x128xf32, #tpu.memory_space<vmem>>, %arg2: memref<1024x128xf32, #tpu.memory_space<vmem>>, %arg3: memref<1024x128xf32, #tpu.memory_space<vmem>>, %arg4: memref<128x128xf32, #tpu.memory_space<vmem>>, %arg5: memref<1x128xf32, #tpu.memory_space<vmem>>, %arg6: memref<128x64xf32, #tpu.memory_space<vmem>>, %arg7: memref<1024x64xf32, #tpu.memory_space<vmem>>) attributes {dimension_semantics = [#tpu.dimension_semantics<arbitrary>], iteration_bounds = array<i64: 10>, scalar_prefetch = 0 : i64, scratch_operands = 0 : i64, tpu.core_type = #tpu.core_type<tc>, window_params = [{transform_indices = @transform_0, window_bounds = array<i64: 2, 1024, 128>}, {transform_indices = @transform_1, window_bounds = array<i64: 1024, 128>}, {transform_indices = @transform_2, window_bounds = array<i64: 1024, 128>}, {pipeline_mode = #tpu.pipeline_mode<synchronous>, transform_indices = @transform_3, window_bounds = array<i64: 128, 128>}, {pipeline_mode = #tpu.pipeline_mode<synchronous>, transform_indices = @transform_4, window_bounds = array<i64: 1, 128>}, {pipeline_mode = #tpu.pipeline_mode<synchronous>, transform_indices = @transform_5, window_bounds = array<i64: 128, 64>}, {transform_indices = @transform_6, window_bounds = array<i64: 1024, 64>}]} {
    %get3A = arith.constant 0 : index
    %get3A_0 = arith.constant 0 : index
    %get3A_1 = vector.load %arg3[%get3A, %get3A_0] : memref<1024x128xf32, #tpu.memory_space<vmem>>, vector<1024x128xf32>
    %get3A_2 = arith.constant 0 : index
    %get3A_3 = arith.constant 0 : index
    %get3A_4 = arith.constant 0 : index
    %get3A_5 = vector.load %arg1[%get3A_2, %get3A_3, %get3A_4] : memref<2x1024x128xf32, #tpu.memory_space<vmem>>, vector<1x1024x128xf32>
    %get3A_6 = vector.shape_cast %get3A_5 : vector<1x1024x128xf32> to vector<1024x128xf32>
    %get3A_7 = arith.constant 1 : index
    %get3A_8 = arith.constant 0 : index
    %get3A_9 = arith.constant 0 : index
    %get3A_10 = vector.load %arg1[%get3A_7, %get3A_8, %get3A_9] : memref<2x1024x128xf32, #tpu.memory_space<vmem>>, vector<1x1024x128xf32>
    %get3A_11 = vector.shape_cast %get3A_10 : vector<1x1024x128xf32> to vector<1024x128xf32>
    %add3A = arith.addf %get3A_6, %get3A_11 : vector<1024x128xf32>
    %get3A_12 = arith.constant 0 : index
    %get3A_13 = arith.constant 0 : index
    %get3A_14 = vector.load %arg2[%get3A_12, %get3A_13] : memref<1024x128xf32, #tpu.memory_space<vmem>>, vector<1024x128xf32>
    %add3A_15 = arith.addf %add3A, %get3A_14 : vector<1024x128xf32>
    %mul3A = arith.mulf %get3A_1, %add3A_15 : vector<1024x128xf32>
    %get3A_16 = arith.constant 0 : index
    %get3A_17 = arith.constant 0 : index
    %get3A_18 = vector.load %arg4[%get3A_16, %get3A_17] : memref<128x128xf32, #tpu.memory_space<vmem>>, vector<128x128xf32>
    %dot_general3A = arith.constant dense<0.000000e+00> : vector<1024x128xf32>
    %dot_general3A_19 = tpu.matmul %mul3A, %get3A_18, %dot_general3A {dimension_numbers = #tpu.dot_dimension_numbers<[1], [0], [0], [1], [0, 0, 1, 1], [], []>, transpose_lhs_hint = false} : vector<1024x128xf32>, vector<128x128xf32>, vector<1024x128xf32> -> vector<1024x128xf32>
    %get3A_20 = arith.constant 0 : index
    %get3A_21 = arith.constant 0 : index
    %get3A_22 = vector.load %arg5[%get3A_20, %get3A_21] : memref<1x128xf32, #tpu.memory_space<vmem>>, vector<1x128xf32>
    %add3A_23 = vector.broadcast %get3A_22 : vector<1x128xf32> to vector<1024x128xf32>
    %add3A_24 = arith.addf %dot_general3A_19, %add3A_23 : vector<1024x128xf32>
    %max3A = arith.constant 0.000000e+00 : f32
    %max3A_25 = vector.broadcast %max3A : f32 to vector<1024x128xf32>
    %max3A_26 = arith.maximumf %add3A_24, %max3A_25 : vector<1024x128xf32>
    %mul3A_27 = arith.mulf %max3A_26, %get3A_1 : vector<1024x128xf32>
    %get3A_28 = arith.constant 0 : index
    %get3A_29 = arith.constant 0 : index
    %get3A_30 = vector.load %arg6[%get3A_28, %get3A_29] : memref<128x64xf32, #tpu.memory_space<vmem>>, vector<128x64xf32>
    %dot_general3A_31 = arith.constant dense<0.000000e+00> : vector<1024x64xf32>
    %dot_general3A_32 = tpu.matmul %mul3A_27, %get3A_30, %dot_general3A_31 {dimension_numbers = #tpu.dot_dimension_numbers<[1], [0], [0], [1], [0, 0, 1, 1], [], []>, transpose_lhs_hint = false} : vector<1024x128xf32>, vector<128x64xf32>, vector<1024x64xf32> -> vector<1024x64xf32>
    %swap3A = arith.constant 0 : index
    %swap3A_33 = arith.constant 0 : index
    %swap3A_34 = vector.load %arg7[%swap3A, %swap3A_33] : memref<1024x64xf32, #tpu.memory_space<vmem>>, vector<1024x64xf32>
    tpu.vector_store %arg7[%swap3A, %swap3A_33], %dot_general3A_32 {strides = array<i32>} : memref<1024x64xf32, #tpu.memory_space<vmem>>, vector<1024x64xf32>,
    return
  }
  func.func @transform_0(%arg0: i32) -> (i32, i32, i32) {
    %c0_i32 = arith.constant 0 : i32
    %c0_i32_0 = arith.constant 0 : i32
    %c0_i32_1 = arith.constant 0 : i32
    return %c0_i32, %arg0, %c0_i32_0 : i32, i32, i32
  }
  func.func @transform_1(%arg0: i32) -> (i32, i32) {
    %c0_i32 = arith.constant 0 : i32
    %c0_i32_0 = arith.constant 0 : i32
    return %arg0, %c0_i32 : i32, i32
  }
  func.func @transform_2(%arg0: i32) -> (i32, i32) {
    %c0_i32 = arith.constant 0 : i32
    %c0_i32_0 = arith.constant 0 : i32
    return %arg0, %c0_i32 : i32, i32
  }
  func.func @transform_3(%arg0: i32) -> (i32, i32) {
    %c0_i32 = arith.constant 0 : i32
    %c0_i32_0 = arith.constant 0 : i32
    %c0_i32_1 = arith.constant 0 : i32
    return %c0_i32, %c0_i32_0 : i32, i32
  }
  func.func @transform_4(%arg0: i32) -> (i32, i32) {
    %c0_i32 = arith.constant 0 : i32
    %c0_i32_0 = arith.constant 0 : i32
    %c0_i32_1 = arith.constant 0 : i32
    return %c0_i32, %c0_i32_0 : i32, i32
  }
  func.func @transform_5(%arg0: i32) -> (i32, i32) {
    %c0_i32 = arith.constant 0 : i32
    %c0_i32_0 = arith.constant 0 : i32
    %c0_i32_1 = arith.constant 0 : i32
    return %c0_i32, %c0_i32_0 : i32, i32
  }
  func.func @transform_6(%arg0: i32) -> (i32, i32) {
    %c0_i32 = arith.constant 0 : i32
    %c0_i32_0 = arith.constant 0 : i32
    return %arg0, %c0_i32 : i32, i32
  }
}

module attributes {stable_mosaic.version = 14 : i64} {
  func.func @_tc_out_body(%arg0: i32, %arg1: memref<2x1000x64xf32, #tpu.memory_space<vmem>>, %arg2: memref<1000x64xf32, #tpu.memory_space<vmem>>, %arg3: memref<1000x128xf32, #tpu.memory_space<vmem>>, %arg4: memref<1x64xf32, #tpu.memory_space<vmem>>, %arg5: memref<1000x64xf32, #tpu.memory_space<vmem>>) attributes {dimension_semantics = [#tpu.dimension_semantics<arbitrary>], iteration_bounds = array<i64: 10>, scalar_prefetch = 0 : i64, scratch_operands = 0 : i64, tpu.core_type = #tpu.core_type<tc>, window_params = [{transform_indices = @transform_0, window_bounds = array<i64: 2, 1000, 64>}, {transform_indices = @transform_1, window_bounds = array<i64: 1000, 64>}, {transform_indices = @transform_2, window_bounds = array<i64: 1000, 128>}, {pipeline_mode = #tpu.pipeline_mode<synchronous>, transform_indices = @transform_3, window_bounds = array<i64: 1, 64>}, {transform_indices = @transform_4, window_bounds = array<i64: 1000, 64>}]} {
    %get3A = arith.constant 0 : index
    %get3A_0 = arith.constant 0 : index
    %get3A_1 = arith.constant 0 : index
    %get3A_2 = vector.load %arg1[%get3A, %get3A_0, %get3A_1] : memref<2x1000x64xf32, #tpu.memory_space<vmem>>, vector<1x1000x64xf32>
    %get3A_3 = vector.shape_cast %get3A_2 : vector<1x1000x64xf32> to vector<1000x64xf32>
    %get3A_4 = arith.constant 1 : index
    %get3A_5 = arith.constant 0 : index
    %get3A_6 = arith.constant 0 : index
    %get3A_7 = vector.load %arg1[%get3A_4, %get3A_5, %get3A_6] : memref<2x1000x64xf32, #tpu.memory_space<vmem>>, vector<1x1000x64xf32>
    %get3A_8 = vector.shape_cast %get3A_7 : vector<1x1000x64xf32> to vector<1000x64xf32>
    %add3A = arith.addf %get3A_3, %get3A_8 : vector<1000x64xf32>
    %get3A_9 = arith.constant 0 : index
    %get3A_10 = arith.constant 0 : index
    %get3A_11 = vector.load %arg2[%get3A_9, %get3A_10] : memref<1000x64xf32, #tpu.memory_space<vmem>>, vector<1000x64xf32>
    %add3A_12 = arith.addf %add3A, %get3A_11 : vector<1000x64xf32>
    %get3A_13 = arith.constant 0 : index
    %get3A_14 = arith.constant 0 : index
    %get3A_15 = vector.load %arg3[%get3A_13, %get3A_14] : memref<1000x128xf32, #tpu.memory_space<vmem>>, vector<1000x128xf32>
    %slice3A = vector.extract_strided_slice %get3A_15 {offsets = [0, 0], sizes = [1000, 64], strides = [1, 1]} : vector<1000x128xf32> to vector<1000x64xf32>
    %mul3A = arith.mulf %slice3A, %add3A_12 : vector<1000x64xf32>
    %get3A_16 = arith.constant 0 : index
    %get3A_17 = arith.constant 0 : index
    %get3A_18 = vector.load %arg4[%get3A_16, %get3A_17] : memref<1x64xf32, #tpu.memory_space<vmem>>, vector<1x64xf32>
    %add3A_19 = vector.broadcast %get3A_18 : vector<1x64xf32> to vector<1000x64xf32>
    %add3A_20 = arith.addf %mul3A, %add3A_19 : vector<1000x64xf32>
    %swap3A = arith.constant 0 : index
    %swap3A_21 = arith.constant 0 : index
    %swap3A_22 = vector.load %arg5[%swap3A, %swap3A_21] : memref<1000x64xf32, #tpu.memory_space<vmem>>, vector<1000x64xf32>
    tpu.vector_store %arg5[%swap3A, %swap3A_21], %add3A_20 {strides = array<i32>} : memref<1000x64xf32, #tpu.memory_space<vmem>>, vector<1000x64xf32>,
    return
  }
  func.func @transform_0(%arg0: i32) -> (i32, i32, i32) {
    %c0_i32 = arith.constant 0 : i32
    %c0_i32_0 = arith.constant 0 : i32
    %c0_i32_1 = arith.constant 0 : i32
    return %c0_i32, %arg0, %c0_i32_0 : i32, i32, i32
  }
  func.func @transform_1(%arg0: i32) -> (i32, i32) {
    %c0_i32 = arith.constant 0 : i32
    %c0_i32_0 = arith.constant 0 : i32
    return %arg0, %c0_i32 : i32, i32
  }
  func.func @transform_2(%arg0: i32) -> (i32, i32) {
    %c0_i32 = arith.constant 0 : i32
    %c0_i32_0 = arith.constant 0 : i32
    return %arg0, %c0_i32 : i32, i32
  }
  func.func @transform_3(%arg0: i32) -> (i32, i32) {
    %c0_i32 = arith.constant 0 : i32
    %c0_i32_0 = arith.constant 0 : i32
    %c0_i32_1 = arith.constant 0 : i32
    return %c0_i32, %c0_i32_0 : i32, i32
  }
  func.func @transform_4(%arg0: i32) -> (i32, i32) {
    %c0_i32 = arith.constant 0 : i32
    %c0_i32_0 = arith.constant 0 : i32
    return %arg0, %c0_i32 : i32, i32
  }
}

</mosaic_0001>

<sc_bundles>
// kernel: kernel.11.cloned.1.call-start
scs
__scs_entry_jumppad:
0x0: {  	(pc) =	sbr.rel $0x88, $3  }
0x1: {  	(tag) =	ssettag $0x0;
	lr =	simm.s32 $0x1  }
0x2: {  	[smem:$0x3F9B] =	sst lr;
	_ =	strace $0xD0000000  }
0x3: {  	_ = 	snop  }
0x4: {  	_ = 	snop  }
0x5: {  	_ = 	snop  }
0x6: {  	_ = 	snop  }
0x7: {  	_ = 	snop  }
__scs_overlays_trampoline_lowered:
0x8: {  	[smem:$0x3FAA] =	sst s0  }
0x9: {  	[smem:$0x3FAB] =	sst s1  }
0xa: {  	[smem:$0x3FAC] =	sst s2  }
0xb: {  	[smem:$0x3FAD] =	sst s3  }
0xc: {  	[smem:$0x3FAE] =	sst s4  }
0xd: {  	[smem:$0x3FAF] =	sst s5  }
0xe: {  	[smem:$0x3FB0] =	sst s6  }
0xf: {  	[smem:$0x3FB1] =	sst s7  }
0x10: {  	[smem:$0x3FB2] =	sst s8  }
0x11: {  	[smem:$0x3FB3] =	sst s9;
	s0 =	simm.s32 @!p0 $0x0  }
0x12: {  	s1 =	sld [smem:$0x3F99];
	s0 =	simm.s32 @p0 $0x1  }
0x13: {  	[smem:$0x3FB4] =	sst s0;
	s0 =	simm.s32 @!p1 $0x0  }
0x14: {  	s2 =	sld [smem:$0x3F98];
	s0 =	simm.s32 @p1 $0x1  }
0x15: {  	[smem:$0x3FB5] =	sst s0;
	s0 =	simm.s32 @!p2 $0x0  }
0x16: {  	s3 =	sld [smem:$0x3FDB];
	s0 =	simm.s32 @p2 $0x1  }
0x17: {  	s4 =	simm.s32 $0x1BF5;
	[smem:$0x3FB7] =	sst s0  }
0x18: {  	s0 =	sld [smem:$0x3F9A];
	_ =	swait.ge [sflag:s4], $0x0  }
0x19: {  	s7 =	sld [smem:$0x3F9B]  }
0x1a: {  	s8 =	sadd.s32 $0xFFFFE003, lr  }
0x1b: {  	s9 =	sadd.s32 $0xFFFFFEF7, lr;
	s5 =	simm.s32 $0xFFFFFFFF;
	p2 =	slt.u32 s8, $0xFFFFF086  }
0x1c: {  	p1 =	slt.u32 s9, $0xF7A;
	s5 =	simm.s32 @!p2 $0x0  }
0x1d: {  	s5 =	simm.s32 @p1 $0x1;
	p0 =	seq.s32 s7, s2  }
0x1e: {  	s7 =	smul.u32 @!p0 $0xF7A, s2;
	p2 =	seq.s32 @!p0 s5, $0x0  }
0x1f: {  	s9 =	smul.u32 $0xF7A, s1;
	s8 =	simm.s32 @!p0 $0x1BF5;
	p2 =	por !p2, p0  }
0x20: {  	[sflag:s8] =	ssyncset.s32 @!p0 $0xFFFFF086;
	s6 =	sadd.s32 @!p0 s3, s7;
	s7 =	simm.s32 @!p0 $0x108  }
0x21: {  	s3 =	sadd.s32 s3, s9;
	s6 =	sadd.s32 @!p0 $0x88, s6;
	s7 =	simm.s32 @p2 $0x1082  }
0x22: {  	[simem:s7], [sflag:s8] =	dma.local @!p0 [hbm:s6], $0xF7A  }
0x23: {  	s9 =	sor.u32 $0xD0000000, s2;
	s6 =	simm.s32 $0x108;
	_ =	swait.ge @!p0 [sflag:s8], $0x0  }
0x24: {  	s3 =	sadd.s32 $0x88, s3;
	s6 =	simm.s32 @!p1 $0x1082;
	[sflag:s4] =	ssyncset.s32 $0xFFFFF086  }
0x25: {  	[simem:s6], [sflag:s4] =	dma.local [hbm:s3], $0xF7A  }
0x26: {  	[smem:$0x3F9B] =	sst s1;
	(tag) =	ssettag s2;
	_ =	strace s9  }
0x27: {  	s1 =	sld [smem:$0x3FAB]  }
0x28: {  	s2 =	sld [smem:$0x3FAC]  }
0x29: {  	s4 =	sld [smem:$0x3FAE]  }
0x2a: {  	p0 =	seq.s32 s5, $0x0;
	s5 =	sld [smem:$0x3FAF]  }
0x2b: {  	s6 =	sld [smem:$0x3FB0]  }
0x2c: {  	s7 =	sld [smem:$0x3FB1]  }
0x2d: {  	s3 =	simm.s32 $0x108;
	s8 =	sld [smem:$0x3FB2]  }
0x2e: {  	s3 =	simm.s32 @!p0 $0x1082;
	s9 =	sld [smem:$0x3FB3]  }
0x2f: {  	lr =	sadd.s32 s0, s3;
	s0 =	sld [smem:$0x3FAA]  }
0x30: {  	s3 =	sld [smem:$0x3FAD]  }
0x31: {  	[smem:$0x3FB6] =	sst s10  }
0x32: {  	s10 =	sld [smem:$0x3FB4];
	_ =	sdelay $0x3  }
0x33: {  	p0 =	seq.s32 s10, $0x1;
	s10 =	sld [smem:$0x3FB6];
	_ =	sdelay $0x3  }
0x34: {  	[smem:$0x3FB6] =	sst s10  }
0x35: {  	s10 =	sld [smem:$0x3FB5];
	_ =	sdelay $0x3  }
0x36: {  	p1 =	seq.s32 s10, $0x1;
	s10 =	sld [smem:$0x3FB6];
	_ =	sdelay $0x3  }
0x37: {  	[smem:$0x3FB6] =	sst s10  }
0x38: {  	s10 =	sld [smem:$0x3FB7]  }
0x39: {  	_ = 	snop;
	(pc) =	sbr.ind lr, $3  }
0x3a: {  	_ = 	snop  }
0x3b: {  	_ = 	snop  }
0x3c: {  	p2 =	seq.s32 s10, $0x1;
	s10 =	sld [smem:$0x3FB6]  }
0x3d: {  	_ =	shalt  }
0x3e: {  	_ =	shalt  }
0x3f: {  	_ =	shalt  }
0x40: {  	_ =	shalt  }
0x41: {  	_ =	shalt  }
0x42: {  	_ =	shalt  }
0x43: {  	_ =	shalt  }
0x44: {  	_ =	shalt  }
0x45: {  	_ =	shalt  }
0x46: {  	_ =	shalt  }
0x47: {  	_ =	shalt  }
0x48: {  	_ =	shalt  }
0x49: {  	_ =	shalt  }
0x4a: {  	_ =	shalt  }
0x4b: {  	_ =	shalt  }
0x4c: {  	_ =	shalt  }
0x4d: {  	_ =	shalt  }
0x4e: {  	_ =	shalt  }
0x4f: {  	_ =	shalt  }
0x50: {  	_ =	shalt  }
0x51: {  	_ =	shalt  }
0x52: {  	_ =	shalt  }
0x53: {  	_ =	shalt  }
0x54: {  	_ =	shalt  }
0x55: {  	_ =	shalt  }
0x56: {  	_ =	shalt  }
0x57: {  	_ =	shalt  }
0x58: {  	_ =	shalt  }
0x59: {  	_ =	shalt  }
0x5a: {  	_ =	shalt  }
0x5b: {  	_ =	shalt  }
0x5c: {  	_ =	shalt  }
0x5d: {  	_ =	shalt  }
0x5e: {  	_ =	shalt  }
0x5f: {  	_ =	shalt  }
0x60: {  	_ =	shalt  }
0x61: {  	_ =	shalt  }
0x62: {  	_ =	shalt  }
0x63: {  	_ =	shalt  }
0x64: {  	_ =	shalt  }
0x65: {  	_ =	shalt  }
0x66: {  	_ =	shalt  }
0x67: {  	_ =	shalt  }
0x68: {  	_ =	shalt  }
0x69: {  	_ =	shalt  }
0x6a: {  	_ =	shalt  }
0x6b: {  	_ =	shalt  }
0x6c: {  	_ =	shalt  }
0x6d: {  	_ =	shalt  }
0x6e: {  	_ =	shalt  }
0x6f: {  	_ =	shalt  }
0x70: {  	_ =	shalt  }
0x71: {  	_ =	shalt  }
0x72: {  	_ =	shalt  }
0x73: {  	_ =	shalt  }
0x74: {  	_ =	shalt  }
0x75: {  	_ =	shalt  }
0x76: {  	_ =	shalt  }
0x77: {  	_ =	shalt  }
0x78: {  	_ =	shalt  }
0x79: {  	_ =	shalt  }
0x7a: {  	_ =	shalt  }
0x7b: {  	_ =	shalt  }
0x7c: {  	_ =	shalt  }
0x7d: {  	_ =	shalt  }
0x7e: {  	_ =	shalt  }
0x7f: {  	_ =	shalt  }
0x80: {  	_ =	shalt  }
0x81: {  	_ =	shalt  }
0x82: {  	_ =	shalt  }
0x83: {  	_ =	shalt  }
0x84: {  	_ =	shalt  }
0x85: {  	_ =	shalt  }
0x86: {  	_ =	shalt  }
0x87: {  	_ =	shalt  }
.Lfunc_end0:
.L_simem_size_0:
called_computation.1_lowered:
.L_overlay_start_0:
0x88: {  	s2 =	sld [smem:$0x3FD9]  }
0x89: {  	s3 =	sld [smem:$0x3FFE];
	_ =	sdelay $0x1  }
0x8a: {  	s1 =	srdreg.scid  }
0x8b: {  	s0 =	sand.u32 $0x1, s1  }
0x8c: {  	s17 =	sshll.u32 s0, $0xA;
	s2 =	sadd.s32 s3, s2  }
0x8d: {  	s2 =	sadd.s32 s2, s17  }
0x8e: {  	[smem:$0x3FC2] =	sst s2  }
0x8f: {  	_ = 	snop  }
0x90: {  	s2 =	sld [smem:$0x3FD0];
	(tm) =	ssettm $0x1  }
0x91: {  	s18 =	sld [smem:$0x3FFB];
	_ =	sdelay $0x3  }
0x92: {  	_ =	strace s18  }
0x93: {  	s3 =	sld [smem:$0x3FFC];
	_ =	sdelay $0x3  }
0x94: {  	_ =	strace s3  }
0x95: {  	s3 =	sld [smem:$0x3FFD];
	_ =	sdelay $0x3  }
0x96: {  	_ =	strace s3  }
0x97: {  	_ =	strace $0x8FFFFFFF  }
0x98: {  	s19 =	sld [smem:$0x3FDB];
	_ =	sdelay $0x1  }
0x99: {  	s4 =	simm.s32 $_scs_section_size  }
0x9a: {  	s5 =	simm.s32 $_size__tile_overlayer_lowered;
	s6 =	simm.s32 $_tile_overlayer_lowered  }
0x9b: {  	s22 =	simm.s32 $0x1BFF;
	s21 =	sshll.u32 s6, $0x1;
	s3 =	sadd.s32 s4, s19  }
0x9c: {  	s7 =	simm.s32 $0x0;
	s20 =	sshll.u32 s5, $0x1;
	s5 =	sadd.s32 s21, s3  }
0x9d: {  	[timem:s7], [sflag:s22] =	dma.local [hbm:s5], s20  }
0x9e: {  	_ =	swait.ge [sflag:s22], s20  }
0x9f: {  	s4 =	ssub.s32 $0x0, s20;
	[sflag:s22] =	ssyncset.done $0x0  }
0xa0: {  	[sflag:s22] =	ssyncadd.s32 s4;
	_ =	sdelay $0x1  }
0xa1: {  	s23 =	simm.s32 $0x1B8B  }
0xa2: {  	_ =	swait.ge [sflag:s23], $0x1  }
0xa3: {  	[sflag:s23] =	ssyncset.done $0x0  }
0xa4: {  	s25 =	simm.s32 $0x1B8E;
	s24 =	sld [smem:$0x3FFE];
	[sflag:s23] =	ssyncadd.s32 $0xFFFFFFFF  }
0xa5: {  	s26 =	simm.s32 $execute0_lowered;
	[smem:$0x3FD2] =	sst s25  }
0xa6: {  	s5 =	sshll.u32 s26, $0x1;
	_ =	strace $0x80000049;
	[dreg:$0x1] =	wrdreg $0xFFFFFFFF  }
0xa7: {  	s28 =	simm.s32 $_size_execute0_lowered;
	s3 =	sadd.s32 s3, s5;
	[dreg:$0x0] =	wrdreg $0x0  }
0xa8: {  	s5 =	sshll.u32 s28, $0x1;
	[dreg:$0x2] =	wrdreg s3  }
0xa9: {  	[dreg:$0x3] =	wrdreg s5  }
0xaa: {  	[dreg:$0x4] =	wrdreg $0xC0  }
0xab: {  	_ =	task [dreg:s7], $0x5FFFF  }
0xac: {  	[dreg:$0x1] =	wrdreg $0xFFFFFFFF  }
0xad: {  	[dreg:$0x0] =	wrdreg $0x60  }
0xae: {  	[dreg:$0x2] =	wrdreg s2  }
0xaf: {  	[dreg:$0x3] =	wrdreg s24  }
0xb0: {  	[dreg:$0x4] =	wrdreg $0x0  }
0xb1: {  	[dreg:$0x5] =	wrdreg $0x9  }
0xb2: {  	_ =	task.clear_ibuf [dreg:s7], $0x6FFFF;
	_ =	strace $0x90000049  }
0xb3: {  	s29 =	simm.s32 $0x9;
	_ =	strace $0x8000004B  }
0xb4: {  	_ =	swait.ge [sflag:s29], $0x1  }
0xb5: {  	[sflag:s29] =	ssyncadd.s32 $0xFFFFFFFF  }
0xb6: {  	_ =	strace $0x9000004B  }
0xb7: {  	_ =	sfence  }
0xb8: {  	s30 =	sld [smem:$0x0];
	_ =	sdelay $0x2  }
0xb9: {  	s31 =	sshll.u32 s1, $0xD;
	s1 =	sshrl.u32 s1, $0x2  }
0xba: {  	s3 =	sand.u32 $0x4000, s31;
	s1 =	sadd.s32 s1, s30  }
0xbb: {  	s0 =	sor.u32 s3, s0;
	s1 =	sshll.u32 s1, $0x11  }
0xbc: {  	s0 =	sor.u32 s1, s0  }
0xbd: {  	s0 =	sadd.s32 $0x8F2B, s0  }
0xbe: {  	[sflag:s0] =	ssyncadd.remote.s32 $0x1  }
0xbf: {  	_ =	sfence.sel $0xFFFF  }
0xc0: {  	[dreg:$0x0] =	wrdreg $0xFFFFFFFF;
	(pc) =	sbr.abs _section_cstart, $3  }
0xc1: {  	[dreg:$0x1] =	wrdreg $0xFFFFFFFF  }
0xc2: {  	_ =	task.clear_ibuf [dreg:s7], $0x2FFFF;
	_ =	strace $0x9FFFFFFF  }
0xc3: {  	(tm) =	ssettm $0x7FFFFFFF  }
tec
execute0_lowered:
.L_overlay_start_1:
0x0: {  	(tag) =	ssettag $0x1  }
0x1: {  	s0 =	rddreg [dreg:$0x0]  }
0x2: {  	s1 =	rddreg [dreg:$0x1]  }
0x3: {  	s2 =	rddreg [dreg:$0x2]  }
0x4: {  	s3 =	srdreg.scid;
	s10 =	stileid.u32  }
0x5: {  	s4 =	simm.s32 $0x0;
	s11 =	simm.s32 $0x9;
	s13 =	simm.s32 $0x40  }
0x6: {  	s15 =	simm.s32 $0x16A00;
	s17 =	simm.s32 $0x18A00;
	s18 =	simm.s32 $0x16880  }
0x7: {  	s19 =	simm.s32 $0x1AA00;
	s20 =	simm.s32 $0x1;
	s21 =	simm.s32 $0x16900  }
0x8: {  	s22 =	simm.s32 $0x168C0;
	s28 =	simm.s32 $0x4;
	s29 =	simm.s32 $0x169C0  }
0x9: {  	s30 =	simm.s32 $0x7;
	s31 =	simm.s32 $0x8;
	s6 =	smul.u32 $0x14000, s10  }
0xa: {  	s3 =	sand.u32 $0x1, s3;
	[smem:$0x7FF] =	sst s4;
	s9 =	smul.u32 $0x2800, s10  }
0xb: {  	s4 =	sadd.s32 $0x15E00, s1;
	s23 =	sadd.s32 $0x3DE00, s1;
	s5 =	smul.u32 $0x140000, s3  }
0xc: {  	s25 =	sshll.u32 s10, $0x6;
	_ =	strace $0x8000004A;
	s7 =	smul.u32 $0x28000, s3  }
0xd: {  	[dreg:$0x4] =	wrdreg s23;
	s3 =	ssub.s32 $0x2, s3;
	s23 =	simm.s32 $0x1CA00  }
0xe: {  	s24 =	sshrl.u32 s3, $0x1;
	s26 =	sadd.s32 s6, s2;
	s8 =	sadd.s32 s6, s5  }
.Ltmp0:
0xf: {  	s7 =	sadd.s32 s9, s7;
	s3 =	ssub.s32 s3, s24;
	(pc) =	sbr.rel .LBB2_1-.Ltmp0, $4  }
0x10: {  	s6 =	sor.u32 $0x1C09, s25;
	s10 =	sshrl.u32 s26, $0x3;
	s24 =	simm.s32 $0x2  }
0x11: {  	s25 =	simm.s32 $0x16940;
	s26 =	simm.s32 $0x5;
	s8 =	sshrl.u32 s8, $0x3  }
0x12: {  	s7 =	sshrl.u32 s7, $0x3;
	s9 =	smax.u32 s3, $0x1;
	s1 =	sadd.s32 s8, s1  }
0x13: {  	s7 =	sadd.s32 s0, s7;
	s0 =	simm.s32 $0x0;
	s8 =	sadd.s32 $0x40600, s1  }
.LBB2_4:
0x14: {  	_ =	swait.ge [sflag:s31], $0x2000  }
0x15: {  	s0 =	sadd.s32 $0x1, s0;
	[sflag:s31] =	ssyncset.done $0x0  }
0x16: {  	p0 =	sne.s32 s0, s9;
	[sflag:s31] =	ssyncadd.s32 $0xFFFFE000  }
.Ltmp1:
0x17: {  	[bflag:$0x0] =	sbarrier.arrive $0xFFFF;
	(pc) =	sbr.rel @!p0 .LBB2_5-.Ltmp1, $4  }
0x18: {  	[hbm:s8], [sflag:s6] =	dma.local [spmem:s10], $0x2800  }
0x19: {  	_ =	swait.ge [sflag:s11], $0x2800  }
0x1a: {  	[sflag:s11] =	ssyncset.done $0x0  }
0x1b: {  	[sflag:s11] =	ssyncadd.s32 $0xFFFFD800  }
.LBB2_1:
0x1c: {  	s1 =	rddreg [dreg:$0x4]  }
0x1d: {  	[spmem:s10], [sflag:s6] =	dma.local [hbm:s1], $0x2800  }
0x1e: {  	_ =	swait.ge [sflag:s11], $0x2800  }
0x1f: {  	[sflag:s11] =	ssyncset.done $0x0  }
0x20: {  	s12 =	simm.s32 $0x0;
	s3 =	simm.s32 $0x14000;
	[sflag:s11] =	ssyncadd.s32 $0xFFFFD800  }
0x21: {  	[tilespmem:s3], [sflag:$0x9] =	stream.linear.gather [hbm4b:s7+s12], $0x2800, $0x38;
	[tilespmem:$0x1EA00] =	vst v63  }
0x22: {  	_ =	swait.ge [sflag:s11], $0x2800  }
0x23: {  	[sflag:s11] =	ssyncset.done $0x0  }
0x24: {  	[sflag:s11] =	ssyncadd.s32 $0xFFFFD800  }
0x25: {  	[bflag:$0x0] =	sbarrier.arrive $0xFFFF  }
0x26: {  	v0 =	vld [tilespmem:$0x14000];
	_ =	sdelay $0x1  }
0x27: {  	v1 =	vld [tilespmem:$0x14010];
	_ =	sdelay $0x1  }
0x28: {  	v2 =	vld [tilespmem:$0x14020]  }
0x29: {  	v3 =	vshrl.u32 v0, $0x10  }
0x2a: {  	v35 =	vld [tilespmem:$0x14030];
	v0 =	vand.u32 $0xFFFF, v0;
	[tilespmem:$0x16800] =	vst v3  }
0x2b: {  	v36 =	vshrl.u32 v1, $0x10;
	[tilespmem:$0x16900] =	vst v0  }
0x2c: {  	v37 =	vand.u32 $0xFFFF, v1;
	[tilespmem:$0x16810] =	vst v36  }
0x2d: {  	v38 =	vshrl.u32 v2, $0x10;
	[tilespmem:$0x16910] =	vst v37  }
0x2e: {  	v39 =	vand.u32 $0xFFFF, v2;
	[tilespmem:$0x16820] =	vst v38  }
0x2f: {  	v40 =	vshrl.u32 v35, $0x10;
	[tilespmem:$0x16920] =	vst v39  }
0x30: {  	v41 =	vand.u32 $0xFFFF, v35;
	[tilespmem:$0x16830] =	vst v40  }
0x31: {  	s14 =	simm.s32 $0x16800;
	[tilespmem:$0x16930] =	vst v41  }
0x32: {  	[tilespmem:s15], [sflag:$0x1] =	stream.indirect.gather [hbm4b:s4+s13], $0x80, s14, s13, $0xb8;
	[tilespmem:$0x1EA00] =	vst v63  }
0x33: {  	v42 =	vld [tilespmem:$0x14040];
	_ =	sdelay $0x1  }
0x34: {  	v43 =	vld [tilespmem:$0x14050];
	_ =	sdelay $0x1  }
0x35: {  	v44 =	vld [tilespmem:$0x14060]  }
0x36: {  	v45 =	vshrl.u32 v42, $0x10  }
0x37: {  	v46 =	vld [tilespmem:$0x14070];
	v0 =	vand.u32 $0xFFFF, v42;
	[tilespmem:$0x16840] =	vst v45  }
0x38: {  	v47 =	vshrl.u32 v43, $0x10;
	[tilespmem:$0x16940] =	vst v0  }
0x39: {  	v48 =	vand.u32 $0xFFFF, v43;
	[tilespmem:$0x16850] =	vst v47  }
0x3a: {  	v49 =	vshrl.u32 v44, $0x10;
	[tilespmem:$0x16950] =	vst v48  }
0x3b: {  	v50 =	vand.u32 $0xFFFF, v44;
	[tilespmem:$0x16860] =	vst v49  }
0x3c: {  	v51 =	vshrl.u32 v46, $0x10;
	[tilespmem:$0x16960] =	vst v50  }
0x3d: {  	v52 =	vand.u32 $0xFFFF, v46;
	[tilespmem:$0x16870] =	vst v51  }
0x3e: {  	s16 =	simm.s32 $0x16840;
	[tilespmem:$0x16970] =	vst v52  }
0x3f: {  	[tilespmem:s17], [sflag:$0x2] =	stream.indirect.gather [hbm4b:s4+s13], $0x80, s16, s13, $0xb8;
	[tilespmem:$0x1EA00] =	vst v63  }
0x40: {  	v53 =	vld [tilespmem:$0x14080];
	_ =	sdelay $0x1  }
0x41: {  	v54 =	vld [tilespmem:$0x14090];
	_ =	sdelay $0x1  }
0x42: {  	v55 =	vld [tilespmem:$0x140A0]  }
0x43: {  	v56 =	vshrl.u32 v53, $0x10  }
0x44: {  	v57 =	vld [tilespmem:$0x140B0];
	v0 =	vand.u32 $0xFFFF, v53;
	[tilespmem:$0x16880] =	vst v56  }
0x45: {  	v58 =	vshrl.u32 v54, $0x10;
	[tilespmem:$0x16980] =	vst v0  }
0x46: {  	v59 =	vand.u32 $0xFFFF, v54;
	[tilespmem:$0x16890] =	vst v58  }
0x47: {  	v60 =	vshrl.u32 v55, $0x10;
	[tilespmem:$0x16990] =	vst v59  }
0x48: {  	v61 =	vand.u32 $0xFFFF, v55;
	[tilespmem:$0x168A0] =	vst v60  }
0x49: {  	v62 =	vshrl.u32 v57, $0x10;
	[tilespmem:$0x169A0] =	vst v61  }
0x4a: {  	v63 =	vand.u32 $0xFFFF, v57;
	[tilespmem:$0x168B0] =	vst v62  }
0x4b: {  	s1 =	simm.s32 $0x0;
	[tilespmem:$0x169B0] =	vst v63  }
0x4c: {  	[tilespmem:s19], [sflag:$0x3] =	stream.indirect.gather [hbm4b:s4+s13], $0x80, s18, s13, $0xb8;
	[tilespmem:$0x1EA00] =	vst v63  }
.LBB2_2:
0x4d: {  	_ =	swait.ge [sflag:s20], $0x2000  }
0x4e: {  	p0 =	seq.s32 s1, $0x0;
	[sflag:s20] =	ssyncset.done $0x0  }
0x4f: {  	s3 =	simm.s32 @!p0 $0x8;
	[sflag:s20] =	ssyncadd.s32 $0xFFFFE000  }
0x50: {  	[spmem:s2] =	stream.indirect.scatter.add.f32 [tilespmem:s15], [sflag:$0x5], $0x80, s21, s13, $0xb8;
	[tilespmem:$0x1EA00] =	vst v63  }
0x51: {  	_ =	swait.ge @!p0 [sflag:s3], $0x2000  }
0x52: {  	[sflag:s3] =	ssyncset.done @!p0 $0x0  }
0x53: {  	[sflag:s3] =	ssyncadd.s32 @!p0 $0xFFFFE000;
	s3 =	sshra.s32 s1, $0x2  }
0x54: {  	v0 =	vld [tilespmem:s3+$0x140C0];
	_ =	sdelay $0x4  }
0x55: {  	v1 =	vshrl.u32 v0, $0x10  }
0x56: {  	v0 =	vand.u32 $0xFFFF, v0;
	[tilespmem:$0x168C0] =	vst v1  }
0x57: {  	[tilespmem:$0x169C0] =	vst v0  }
0x58: {  	v0 =	vld [tilespmem:s3+$0x140D0];
	_ =	sdelay $0x4  }
0x59: {  	v61 =	vshrl.u32 v0, $0x10  }
0x5a: {  	v0 =	vand.u32 $0xFFFF, v0;
	[tilespmem:$0x168D0] =	vst v61  }
0x5b: {  	[tilespmem:$0x169D0] =	vst v0  }
0x5c: {  	v0 =	vld [tilespmem:s3+$0x140E0];
	_ =	sdelay $0x4  }
0x5d: {  	v62 =	vshrl.u32 v0, $0x10  }
0x5e: {  	v0 =	vand.u32 $0xFFFF, v0;
	[tilespmem:$0x168E0] =	vst v62  }
0x5f: {  	[tilespmem:$0x169E0] =	vst v0  }
0x60: {  	v0 =	vld [tilespmem:s3+$0x140F0];
	_ =	sdelay $0x4  }
0x61: {  	v63 =	vshrl.u32 v0, $0x10  }
0x62: {  	v0 =	vand.u32 $0xFFFF, v0;
	[tilespmem:$0x168F0] =	vst v63  }
0x63: {  	[tilespmem:$0x169F0] =	vst v0  }
0x64: {  	[tilespmem:s23], [sflag:$0x4] =	stream.indirect.gather [hbm4b:s4+s13], $0x80, s22, s13, $0xb8;
	[tilespmem:$0x1EA00] =	vst v63  }
0x65: {  	_ =	swait.ge [sflag:s24], $0x2000  }
0x66: {  	[sflag:s24] =	ssyncset.done $0x0  }
0x67: {  	[sflag:s24] =	ssyncadd.s32 $0xFFFFE000  }
0x68: {  	[spmem:s2] =	stream.indirect.scatter.add.f32 [tilespmem:s17], [sflag:$0x6], $0x80, s25, s13, $0xb8;
	[tilespmem:$0x1EA00] =	vst v63  }
0x69: {  	_ =	swait.ge [sflag:s26], $0x2000  }
0x6a: {  	p0 =	seq.s32 s1, $0x9C00;
	[sflag:s26] =	ssyncset.done $0x0  }
0x6b: {  	s12 =	simm.s32 @p0 $0x3;
	[sflag:s26] =	ssyncadd.s32 $0xFFFFE000  }
0x6c: {  	_ =	swait.ge @p0 [sflag:s12], $0x2000  }
0x6d: {  	s14 =	simm.s32 @p0 $0x16980;
	[sflag:s12] =	ssyncset.done @p0 $0x0  }
0x6e: {  	s16 =	simm.s32 @p0 $0x1AA00;
	[sflag:s12] =	ssyncadd.s32 @p0 $0xFFFFE000;
	s12 =	simm.s32 @p0 $0x40  }
0x6f: {  	[spmem:s2] =	stream.indirect.scatter.add.f32 @p0 [tilespmem:s16], [sflag:$0x7], $0x80, s14, s12, $0xb8;
	[tilespmem:$0x1EA00] =	vst v63  }
0x70: {  	s12 =	simm.s32 @p0 $0x6  }
0x71: {  	_ =	swait.ge @p0 [sflag:s12], $0x2000  }
0x72: {  	[sflag:s12] =	ssyncset.done @p0 $0x0  }
0x73: {  	[sflag:s12] =	ssyncadd.s32 @p0 $0xFFFFE000;
	s12 =	sshra.s32 @!p0 s1, $0x2  }
0x74: {  	v0 =	vld @!p0 [tilespmem:s12+$0x14100];
	_ =	sdelay $0x4  }
0x75: {  	v1 =	vshrl.u32 @!p0 v0, $0x10  }
0x76: {  	v0 =	vand.u32 @!p0 $0xFFFF, v0;
	[tilespmem:$0x16800] =	vst @!p0 v1  }
0x77: {  	[tilespmem:$0x16900] =	vst @!p0 v0  }
0x78: {  	v0 =	vld @!p0 [tilespmem:s12+$0x14110];
	_ =	sdelay $0x4  }
0x79: {  	v1 =	vshrl.u32 @!p0 v0, $0x10  }
0x7a: {  	v0 =	vand.u32 @!p0 $0xFFFF, v0;
	[tilespmem:$0x16810] =	vst @!p0 v1  }
0x7b: {  	[tilespmem:$0x16910] =	vst @!p0 v0  }
0x7c: {  	v0 =	vld @!p0 [tilespmem:s12+$0x14120];
	_ =	sdelay $0x4  }
0x7d: {  	v1 =	vshrl.u32 @!p0 v0, $0x10  }
0x7e: {  	v0 =	vand.u32 @!p0 $0xFFFF, v0;
	[tilespmem:$0x16820] =	vst @!p0 v1  }
0x7f: {  	[tilespmem:$0x16920] =	vst @!p0 v0  }
0x80: {  	v0 =	vld @!p0 [tilespmem:s12+$0x14130];
	_ =	sdelay $0x4  }
0x81: {  	v1 =	vshrl.u32 @!p0 v0, $0x10  }
0x82: {  	v0 =	vand.u32 @!p0 $0xFFFF, v0;
	[tilespmem:$0x16830] =	vst @!p0 v1  }
0x83: {  	s5 =	simm.s32 @!p0 $0x16A00;
	s14 =	simm.s32 @!p0 $0x40;
	s16 =	simm.s32 @!p0 $0x16800;
	[tilespmem:$0x16930] =	vst @!p0 v0  }
0x84: {  	[tilespmem:s5], [sflag:$0x1] =	stream.indirect.gather @!p0 [hbm4b:s4+s14], $0x80, s16, s14, $0xb8;
	[tilespmem:$0x1EA00] =	vst v63  }
0x85: {  	s5 =	simm.s32 @!p0 $0x3  }
0x86: {  	_ =	swait.ge @!p0 [sflag:s5], $0x2000  }
0x87: {  	[sflag:s5] =	ssyncset.done @!p0 $0x0  }
0x88: {  	s16 =	simm.s32 @!p0 $0x1AA00;
	[sflag:s5] =	ssyncadd.s32 @!p0 $0xFFFFE000;
	s5 =	simm.s32 @!p0 $0x16980  }
0x89: {  	[spmem:s2] =	stream.indirect.scatter.add.f32 @!p0 [tilespmem:s16], [sflag:$0x7], $0x80, s5, s14, $0xb8;
	[tilespmem:$0x1EA00] =	vst v63  }
0x8a: {  	s5 =	simm.s32 @!p0 $0x6  }
0x8b: {  	_ =	swait.ge @!p0 [sflag:s5], $0x2000  }
0x8c: {  	[sflag:s5] =	ssyncset.done @!p0 $0x0  }
0x8d: {  	[sflag:s5] =	ssyncadd.s32 @!p0 $0xFFFFE000  }
0x8e: {  	v0 =	vld @!p0 [tilespmem:s12+$0x14140];
	_ =	sdelay $0x4  }
0x8f: {  	v1 =	vshrl.u32 @!p0 v0, $0x10  }
0x90: {  	v0 =	vand.u32 @!p0 $0xFFFF, v0;
	[tilespmem:$0x16840] =	vst @!p0 v1  }
0x91: {  	[tilespmem:$0x16940] =	vst @!p0 v0  }
0x92: {  	v0 =	vld @!p0 [tilespmem:s12+$0x14150];
	_ =	sdelay $0x4  }
0x93: {  	v1 =	vshrl.u32 @!p0 v0, $0x10  }
0x94: {  	v0 =	vand.u32 @!p0 $0xFFFF, v0;
	[tilespmem:$0x16850] =	vst @!p0 v1  }
0x95: {  	[tilespmem:$0x16950] =	vst @!p0 v0  }
0x96: {  	v0 =	vld @!p0 [tilespmem:s12+$0x14160];
	_ =	sdelay $0x4  }
0x97: {  	v1 =	vshrl.u32 @!p0 v0, $0x10  }
0x98: {  	v0 =	vand.u32 @!p0 $0xFFFF, v0;
	[tilespmem:$0x16860] =	vst @!p0 v1  }
0x99: {  	[tilespmem:$0x16960] =	vst @!p0 v0  }
0x9a: {  	v0 =	vld @!p0 [tilespmem:s12+$0x14170];
	_ =	sdelay $0x4  }
0x9b: {  	v1 =	vshrl.u32 @!p0 v0, $0x10  }
0x9c: {  	v0 =	vand.u32 @!p0 $0xFFFF, v0;
	[tilespmem:$0x16870] =	vst @!p0 v1  }
0x9d: {  	s5 =	simm.s32 @!p0 $0x16840;
	s12 =	simm.s32 @!p0 $0x18A00;
	[tilespmem:$0x16970] =	vst @!p0 v0  }
0x9e: {  	[tilespmem:s12], [sflag:$0x2] =	stream.indirect.gather @!p0 [hbm4b:s4+s14], $0x80, s5, s14, $0xb8;
	[tilespmem:$0x1EA00] =	vst v63  }
0x9f: {  	_ =	swait.ge [sflag:s28], $0x2000  }
0xa0: {  	[sflag:s28] =	ssyncset.done $0x0  }
.Ltmp2:
0xa1: {  	[sflag:s28] =	ssyncadd.s32 $0xFFFFE000;
	(pc) =	sbr.rel @p0 .LBB2_4-.Ltmp2, $4  }
0xa2: {  	[spmem:s2] =	stream.indirect.scatter.add.f32 [tilespmem:s23], [sflag:$0x8], $0x80, s29, s13, $0xb8;
	[tilespmem:$0x1EA00] =	vst v63  }
0xa3: {  	_ =	swait.ge [sflag:s30], $0x2000  }
0xa4: {  	[sflag:s30] =	ssyncset.done $0x0  }
0xa5: {  	[sflag:s30] =	ssyncadd.s32 $0xFFFFE000  }
0xa6: {  	v0 =	vld [tilespmem:s3+$0x14180];
	_ =	sdelay $0x4  }
0xa7: {  	v1 =	vshrl.u32 v0, $0x10  }
0xa8: {  	v0 =	vand.u32 $0xFFFF, v0;
	[tilespmem:$0x16880] =	vst v1  }
0xa9: {  	[tilespmem:$0x16980] =	vst v0  }
0xaa: {  	v0 =	vld [tilespmem:s3+$0x14190];
	_ =	sdelay $0x4  }
0xab: {  	v61 =	vshrl.u32 v0, $0x10  }
0xac: {  	v0 =	vand.u32 $0xFFFF, v0;
	[tilespmem:$0x16890] =	vst v61  }
0xad: {  	[tilespmem:$0x16990] =	vst v0  }
0xae: {  	v0 =	vld [tilespmem:s3+$0x141A0];
	_ =	sdelay $0x4  }
0xaf: {  	v62 =	vshrl.u32 v0, $0x10  }
0xb0: {  	v0 =	vand.u32 $0xFFFF, v0;
	[tilespmem:$0x168A0] =	vst v62  }
0xb1: {  	[tilespmem:$0x169A0] =	vst v0  }
0xb2: {  	v0 =	vld [tilespmem:s3+$0x141B0];
	_ =	sdelay $0x3  }
.Ltmp3:
0xb3: {  	_ = 	snop;
	(pc) =	sbr.rel .LBB2_2-.Ltmp3, $4  }
0xb4: {  	v63 =	vshrl.u32 v0, $0x10  }
0xb5: {  	v0 =	vand.u32 $0xFFFF, v0;
	[tilespmem:$0x168B0] =	vst v63  }
0xb6: {  	s1 =	sadd.s32 $0x400, s1;
	[tilespmem:$0x169B0] =	vst v0  }
0xb7: {  	[tilespmem:s19], [sflag:$0x3] =	stream.indirect.gather [hbm4b:s4+s13], $0x80, s18, s13, $0xb8;
	[tilespmem:$0x1EA00] =	vst v63  }
.LBB2_5:
0xb8: {  	_ =	sfence.sel $0x180000  }
0xb9: {  	[bflag:$0x0] =	sbarrier.arrive $0xFFFF  }
0xba: {  	_ =	strace $0x9000004A  }
0xbb: {  	s0 =	stileid.u32;
	[bflag:$0x2] =	sbarrier.arrive $0xFFFF  }
0xbc: {  	p0 =	sne.s32 s0, $0x0;
	s0 =	rddreg [dreg:$0x3]  }
0xbd: {  	s0 =	sadd.s32 @!p0 $0x100000, s0  }
0xbe: {  	[sflag:s0] =	ssyncadd.tile.s32 @!p0 $0x1;
	_ =	shalt  }
.Lfunc_end2:
_tile_overlayer_lowered:
.L_overlay_start_2:
0xbf: {  	(tag) =	ssettag $0x2  }
0xc0: {  	s0 =	rddreg [dreg:$0x0];
	s2 =	stileid.u32  }
0xc1: {  	s1 =	rddreg [dreg:$0x1];
	p0 =	sne.s32 s2, $0x0  }
0xc2: {  	s3 =	rddreg [dreg:$0x2];
	[bflag:$0x3] =	sbarrier.arrive $0xFFFF;
	s2 =	simm.s32 @!p0 $0x1C09  }
0xc3: {  	[timem:s3], [sflag:s2] =	dma.local @!p0 [hbm:s0], s1  }
0xc4: {  	s0 =	simm.s32 @!p0 $0x9  }
0xc5: {  	_ =	swait.ge @!p0 [sflag:s0], s1  }
0xc6: {  	s1 =	ssub.s32 @!p0 $0x0, s1;
	[sflag:s0] =	ssyncset.done @!p0 $0x0  }
0xc7: {  	[sflag:s0] =	ssyncadd.s32 @!p0 s1  }
0xc8: {  	[bflag:$0x3] =	sbarrier.arrive $0xFFFF  }
0xc9: {  	_ =	shalt  }

// kernel: kernel.14.cloned.1.call-start
scs
__scs_entry_jumppad:
0x0: {  	(pc) =	sbr.rel $0x88, $3  }
0x1: {  	(tag) =	ssettag $0x0;
	lr =	simm.s32 $0x1  }
0x2: {  	[smem:$0x3F9B] =	sst lr;
	_ =	strace $0xD0000000  }
0x3: {  	_ = 	snop  }
0x4: {  	_ = 	snop  }
0x5: {  	_ = 	snop  }
0x6: {  	_ = 	snop  }
0x7: {  	_ = 	snop  }
__scs_overlays_trampoline_lowered:
0x8: {  	[smem:$0x3FAA] =	sst s0  }
0x9: {  	[smem:$0x3FAB] =	sst s1  }
0xa: {  	[smem:$0x3FAC] =	sst s2  }
0xb: {  	[smem:$0x3FAD] =	sst s3  }
0xc: {  	[smem:$0x3FAE] =	sst s4  }
0xd: {  	[smem:$0x3FAF] =	sst s5  }
0xe: {  	[smem:$0x3FB0] =	sst s6  }
0xf: {  	[smem:$0x3FB1] =	sst s7  }
0x10: {  	[smem:$0x3FB2] =	sst s8  }
0x11: {  	[smem:$0x3FB3] =	sst s9;
	s0 =	simm.s32 @!p0 $0x0  }
0x12: {  	s1 =	sld [smem:$0x3F99];
	s0 =	simm.s32 @p0 $0x1  }
0x13: {  	[smem:$0x3FB4] =	sst s0;
	s0 =	simm.s32 @!p1 $0x0  }
0x14: {  	s2 =	sld [smem:$0x3F98];
	s0 =	simm.s32 @p1 $0x1  }
0x15: {  	[smem:$0x3FB5] =	sst s0;
	s0 =	simm.s32 @!p2 $0x0  }
0x16: {  	s3 =	sld [smem:$0x3FDB];
	s0 =	simm.s32 @p2 $0x1  }
0x17: {  	s4 =	simm.s32 $0x1BF5;
	[smem:$0x3FB7] =	sst s0  }
0x18: {  	s0 =	sld [smem:$0x3F9A];
	_ =	swait.ge [sflag:s4], $0x0  }
0x19: {  	s7 =	sld [smem:$0x3F9B]  }
0x1a: {  	s8 =	sadd.s32 $0xFFFFE003, lr  }
0x1b: {  	s9 =	sadd.s32 $0xFFFFFEF7, lr;
	s5 =	simm.s32 $0xFFFFFFFF;
	p2 =	slt.u32 s8, $0xFFFFF086  }
0x1c: {  	p1 =	slt.u32 s9, $0xF7A;
	s5 =	simm.s32 @!p2 $0x0  }
0x1d: {  	s5 =	simm.s32 @p1 $0x1;
	p0 =	seq.s32 s7, s2  }
0x1e: {  	s7 =	smul.u32 @!p0 $0xF7A, s2;
	p2 =	seq.s32 @!p0 s5, $0x0  }
0x1f: {  	s9 =	smul.u32 $0xF7A, s1;
	s8 =	simm.s32 @!p0 $0x1BF5;
	p2 =	por !p2, p0  }
0x20: {  	[sflag:s8] =	ssyncset.s32 @!p0 $0xFFFFF086;
	s6 =	sadd.s32 @!p0 s3, s7;
	s7 =	simm.s32 @!p0 $0x108  }
0x21: {  	s3 =	sadd.s32 s3, s9;
	s6 =	sadd.s32 @!p0 $0x88, s6;
	s7 =	simm.s32 @p2 $0x1082  }
0x22: {  	[simem:s7], [sflag:s8] =	dma.local @!p0 [hbm:s6], $0xF7A  }
0x23: {  	s9 =	sor.u32 $0xD0000000, s2;
	s6 =	simm.s32 $0x108;
	_ =	swait.ge @!p0 [sflag:s8], $0x0  }
0x24: {  	s3 =	sadd.s32 $0x88, s3;
	s6 =	simm.s32 @!p1 $0x1082;
	[sflag:s4] =	ssyncset.s32 $0xFFFFF086  }
0x25: {  	[simem:s6], [sflag:s4] =	dma.local [hbm:s3], $0xF7A  }
0x26: {  	[smem:$0x3F9B] =	sst s1;
	(tag) =	ssettag s2;
	_ =	strace s9  }
0x27: {  	s1 =	sld [smem:$0x3FAB]  }
0x28: {  	s2 =	sld [smem:$0x3FAC]  }
0x29: {  	s4 =	sld [smem:$0x3FAE]  }
0x2a: {  	p0 =	seq.s32 s5, $0x0;
	s5 =	sld [smem:$0x3FAF]  }
0x2b: {  	s6 =	sld [smem:$0x3FB0]  }
0x2c: {  	s7 =	sld [smem:$0x3FB1]  }
0x2d: {  	s3 =	simm.s32 $0x108;
	s8 =	sld [smem:$0x3FB2]  }
0x2e: {  	s3 =	simm.s32 @!p0 $0x1082;
	s9 =	sld [smem:$0x3FB3]  }
0x2f: {  	lr =	sadd.s32 s0, s3;
	s0 =	sld [smem:$0x3FAA]  }
0x30: {  	s3 =	sld [smem:$0x3FAD]  }
0x31: {  	[smem:$0x3FB6] =	sst s10  }
0x32: {  	s10 =	sld [smem:$0x3FB4];
	_ =	sdelay $0x3  }
0x33: {  	p0 =	seq.s32 s10, $0x1;
	s10 =	sld [smem:$0x3FB6];
	_ =	sdelay $0x3  }
0x34: {  	[smem:$0x3FB6] =	sst s10  }
0x35: {  	s10 =	sld [smem:$0x3FB5];
	_ =	sdelay $0x3  }
0x36: {  	p1 =	seq.s32 s10, $0x1;
	s10 =	sld [smem:$0x3FB6];
	_ =	sdelay $0x3  }
0x37: {  	[smem:$0x3FB6] =	sst s10  }
0x38: {  	s10 =	sld [smem:$0x3FB7]  }
0x39: {  	_ = 	snop;
	(pc) =	sbr.ind lr, $3  }
0x3a: {  	_ = 	snop  }
0x3b: {  	_ = 	snop  }
0x3c: {  	p2 =	seq.s32 s10, $0x1;
	s10 =	sld [smem:$0x3FB6]  }
0x3d: {  	_ =	shalt  }
0x3e: {  	_ =	shalt  }
0x3f: {  	_ =	shalt  }
0x40: {  	_ =	shalt  }
0x41: {  	_ =	shalt  }
0x42: {  	_ =	shalt  }
0x43: {  	_ =	shalt  }
0x44: {  	_ =	shalt  }
0x45: {  	_ =	shalt  }
0x46: {  	_ =	shalt  }
0x47: {  	_ =	shalt  }
0x48: {  	_ =	shalt  }
0x49: {  	_ =	shalt  }
0x4a: {  	_ =	shalt  }
0x4b: {  	_ =	shalt  }
0x4c: {  	_ =	shalt  }
0x4d: {  	_ =	shalt  }
0x4e: {  	_ =	shalt  }
0x4f: {  	_ =	shalt  }
0x50: {  	_ =	shalt  }
0x51: {  	_ =	shalt  }
0x52: {  	_ =	shalt  }
0x53: {  	_ =	shalt  }
0x54: {  	_ =	shalt  }
0x55: {  	_ =	shalt  }
0x56: {  	_ =	shalt  }
0x57: {  	_ =	shalt  }
0x58: {  	_ =	shalt  }
0x59: {  	_ =	shalt  }
0x5a: {  	_ =	shalt  }
0x5b: {  	_ =	shalt  }
0x5c: {  	_ =	shalt  }
0x5d: {  	_ =	shalt  }
0x5e: {  	_ =	shalt  }
0x5f: {  	_ =	shalt  }
0x60: {  	_ =	shalt  }
0x61: {  	_ =	shalt  }
0x62: {  	_ =	shalt  }
0x63: {  	_ =	shalt  }
0x64: {  	_ =	shalt  }
0x65: {  	_ =	shalt  }
0x66: {  	_ =	shalt  }
0x67: {  	_ =	shalt  }
0x68: {  	_ =	shalt  }
0x69: {  	_ =	shalt  }
0x6a: {  	_ =	shalt  }
0x6b: {  	_ =	shalt  }
0x6c: {  	_ =	shalt  }
0x6d: {  	_ =	shalt  }
0x6e: {  	_ =	shalt  }
0x6f: {  	_ =	shalt  }
0x70: {  	_ =	shalt  }
0x71: {  	_ =	shalt  }
0x72: {  	_ =	shalt  }
0x73: {  	_ =	shalt  }
0x74: {  	_ =	shalt  }
0x75: {  	_ =	shalt  }
0x76: {  	_ =	shalt  }
0x77: {  	_ =	shalt  }
0x78: {  	_ =	shalt  }
0x79: {  	_ =	shalt  }
0x7a: {  	_ =	shalt  }
0x7b: {  	_ =	shalt  }
0x7c: {  	_ =	shalt  }
0x7d: {  	_ =	shalt  }
0x7e: {  	_ =	shalt  }
0x7f: {  	_ =	shalt  }
0x80: {  	_ =	shalt  }
0x81: {  	_ =	shalt  }
0x82: {  	_ =	shalt  }
0x83: {  	_ =	shalt  }
0x84: {  	_ =	shalt  }
0x85: {  	_ =	shalt  }
0x86: {  	_ =	shalt  }
0x87: {  	_ =	shalt  }
.Lfunc_end0:
.L_simem_size_0:
called_computation.2_lowered:
.L_overlay_start_0:
0x88: {  	s2 =	sld [smem:$0x3FD9]  }
0x89: {  	s3 =	sld [smem:$0x3FFE];
	_ =	sdelay $0x1  }
0x8a: {  	s1 =	srdreg.scid  }
0x8b: {  	s0 =	sand.u32 $0x1, s1  }
0x8c: {  	s17 =	sshll.u32 s0, $0xA;
	s2 =	sadd.s32 s3, s2  }
0x8d: {  	s2 =	sadd.s32 s2, s17  }
0x8e: {  	[smem:$0x3FC2] =	sst s2  }
0x8f: {  	_ = 	snop  }
0x90: {  	s2 =	sld [smem:$0x3FD0];
	(tm) =	ssettm $0x1  }
0x91: {  	s18 =	sld [smem:$0x3FFB];
	_ =	sdelay $0x3  }
0x92: {  	_ =	strace s18  }
0x93: {  	s3 =	sld [smem:$0x3FFC];
	_ =	sdelay $0x3  }
0x94: {  	_ =	strace s3  }
0x95: {  	s3 =	sld [smem:$0x3FFD];
	_ =	sdelay $0x3  }
0x96: {  	_ =	strace s3  }
0x97: {  	_ =	strace $0x8FFFFFFF  }
0x98: {  	s19 =	sld [smem:$0x3FDB];
	_ =	sdelay $0x1  }
0x99: {  	s4 =	simm.s32 $_scs_section_size  }
0x9a: {  	s5 =	simm.s32 $_size__tile_overlayer_lowered;
	s6 =	simm.s32 $_tile_overlayer_lowered  }
0x9b: {  	s22 =	simm.s32 $0x1BFF;
	s21 =	sshll.u32 s6, $0x1;
	s3 =	sadd.s32 s4, s19  }
0x9c: {  	s7 =	simm.s32 $0x0;
	s20 =	sshll.u32 s5, $0x1;
	s5 =	sadd.s32 s21, s3  }
0x9d: {  	[timem:s7], [sflag:s22] =	dma.local [hbm:s5], s20  }
0x9e: {  	_ =	swait.ge [sflag:s22], s20  }
0x9f: {  	s4 =	ssub.s32 $0x0, s20;
	[sflag:s22] =	ssyncset.done $0x0  }
0xa0: {  	[sflag:s22] =	ssyncadd.s32 s4;
	_ =	sdelay $0x1  }
0xa1: {  	s23 =	simm.s32 $0x1B8B  }
0xa2: {  	_ =	swait.ge [sflag:s23], $0x1  }
0xa3: {  	[sflag:s23] =	ssyncset.done $0x0  }
0xa4: {  	s25 =	simm.s32 $0x1B8E;
	s24 =	sld [smem:$0x3FFE];
	[sflag:s23] =	ssyncadd.s32 $0xFFFFFFFF  }
0xa5: {  	s26 =	simm.s32 $execute0_lowered;
	[smem:$0x3FD2] =	sst s25  }
0xa6: {  	s5 =	sshll.u32 s26, $0x1;
	_ =	strace $0x8000004C;
	[dreg:$0x1] =	wrdreg $0xFFFFFFFF  }
0xa7: {  	s28 =	simm.s32 $_size_execute0_lowered;
	s3 =	sadd.s32 s3, s5;
	[dreg:$0x0] =	wrdreg $0x0  }
0xa8: {  	s5 =	sshll.u32 s28, $0x1;
	[dreg:$0x2] =	wrdreg s3  }
0xa9: {  	[dreg:$0x3] =	wrdreg s5  }
0xaa: {  	[dreg:$0x4] =	wrdreg $0xC0  }
0xab: {  	_ =	task [dreg:s7], $0x5FFFF  }
0xac: {  	[dreg:$0x1] =	wrdreg $0xFFFFFFFF  }
0xad: {  	[dreg:$0x0] =	wrdreg $0x60  }
0xae: {  	[dreg:$0x2] =	wrdreg s24  }
0xaf: {  	[dreg:$0x3] =	wrdreg s2  }
0xb0: {  	[dreg:$0x4] =	wrdreg $0x0  }
0xb1: {  	[dreg:$0x5] =	wrdreg $0x9  }
0xb2: {  	_ =	task.clear_ibuf [dreg:s7], $0x6FFFF;
	_ =	strace $0x9000004C  }
0xb3: {  	s29 =	simm.s32 $0x9;
	_ =	strace $0x8000004E  }
0xb4: {  	_ =	swait.ge [sflag:s29], $0x1  }
0xb5: {  	[sflag:s29] =	ssyncadd.s32 $0xFFFFFFFF  }
0xb6: {  	_ =	strace $0x9000004E  }
0xb7: {  	_ =	sfence  }
0xb8: {  	s30 =	sld [smem:$0x0];
	_ =	sdelay $0x2  }
0xb9: {  	s31 =	sshll.u32 s1, $0xD;
	s1 =	sshrl.u32 s1, $0x2  }
0xba: {  	s3 =	sand.u32 $0x4000, s31;
	s1 =	sadd.s32 s1, s30  }
0xbb: {  	s0 =	sor.u32 s3, s0;
	s1 =	sshll.u32 s1, $0x11  }
0xbc: {  	s0 =	sor.u32 s1, s0  }
0xbd: {  	s0 =	sadd.s32 $0x8F2B, s0  }
0xbe: {  	[sflag:s0] =	ssyncadd.remote.s32 $0x1  }
0xbf: {  	_ =	sfence.sel $0xFFFF  }
0xc0: {  	[dreg:$0x0] =	wrdreg $0xFFFFFFFF;
	(pc) =	sbr.abs _section_cstart, $3  }
0xc1: {  	[dreg:$0x1] =	wrdreg $0xFFFFFFFF  }
0xc2: {  	_ =	task.clear_ibuf [dreg:s7], $0x2FFFF;
	_ =	strace $0x9FFFFFFF  }
0xc3: {  	(tm) =	ssettm $0x7FFFFFFF  }
tec
execute0_lowered:
.L_overlay_start_1:
0x0: {  	(tag) =	ssettag $0x1  }
0x1: {  	s0 =	srdreg.scid;
	s1 =	rddreg [dreg:$0x0]  }
0x2: {  	s7 =	stileid.u32;
	s3 =	rddreg [dreg:$0x2];
	s8 =	simm.s32 $0x0  }
0x3: {  	s12 =	simm.s32 $0xD;
	s14 =	simm.s32 $0xC800;
	s15 =	simm.s32 $0x80  }
0x4: {  	s16 =	simm.s32 $0xF000;
	s18 =	simm.s32 $0x11000;
	s20 =	simm.s32 $0x13000  }
0x5: {  	s30 =	simm.s32 $0x19000;
	s31 =	simm.s32 $0x3;
	s17 =	simm.s32 $0x4  }
0x6: {  	s21 =	simm.s32 $0x8;
	s28 =	simm.s32 $0x5;
	s4 =	smul.u32 $0x2800, s7  }
0x7: {  	s19 =	simm.s32 $0x6;
	s0 =	sand.u32 $0x1, s0;
	s6 =	smul.u32 $0xA000, s7  }
0x8: {  	s29 =	simm.s32 $0xA;
	[smem:$0x7FF] =	sst s8;
	s2 =	smul.u32 $0x28000, s0  }
0x9: {  	s25 =	sshll.u32 s7, $0x6;
	s5 =	smul.u32 $0xA0000, s0;
	s0 =	ssub.s32 $0x2, s0  }
0xa: {  	_ =	strace $0x8000004D;
	s23 =	sshrl.u32 s0, $0x1;
	s24 =	sadd.s32 s6, s3  }
0xb: {  	s2 =	sadd.s32 s4, s2;
	s22 =	sadd.s32 s6, s5;
	s5 =	sadd.s32 $0x15E00, s1  }
0xc: {  	s0 =	ssub.s32 s0, s23;
	s6 =	sor.u32 $0x1C0D, s25;
	s11 =	sshrl.u32 s24, $0x3  }
0xd: {  	s23 =	simm.s32 $0x1;
	s25 =	simm.s32 $0x17000;
	s2 =	sshrl.u32 s2, $0x3  }
0xe: {  	s24 =	simm.s32 $0xB;
	s4 =	sshrl.u32 s22, $0x3;
	s2 =	sadd.s32 s2, s1  }
.Ltmp0:
0xf: {  	s10 =	smax.u32 s0, $0x1;
	s26 =	sadd.s32 $0xBE00, s2;
	(pc) =	sbr.rel .LBB2_1-.Ltmp0, $4  }
0x10: {  	s1 =	sadd.s32 s4, s1;
	s2 =	sadd.s32 $0x1E00, s2;
	[dreg:$0x4] =	wrdreg s26  }
0x11: {  	s22 =	simm.s32 $0x15000;
	s1 =	sadd.s32 $0x29E00, s1;
	[dreg:$0x5] =	wrdreg s2  }
0x12: {  	s0 =	simm.s32 $0x7;
	s4 =	simm.s32 $0x0;
	[dreg:$0x6] =	wrdreg s1  }
0x13: {  	s26 =	simm.s32 $0x2;
	s1 =	simm.s32 $0x9;
	s2 =	simm.s32 $0xC  }
.LBB2_4:
0x14: {  	_ =	swait.ge [sflag:s19], $0x2000  }
0x15: {  	[sflag:s19] =	ssyncset.done $0x0  }
0x16: {  	[sflag:s19] =	ssyncadd.s32 $0xFFFFE000  }
0x17: {  	[spmem:s3] =	stream.indirect.scatter.add.f32 [tilespmem:s30], [sflag:$0xC], $0x40, s9, s15, $0xb8;
	[tilespmem:$0x1B000] =	vst v63  }
0x18: {  	_ =	swait.ge [sflag:s29], $0x2000  }
0x19: {  	[sflag:s29] =	ssyncset.done $0x0  }
0x1a: {  	[sflag:s29] =	ssyncadd.s32 $0xFFFFE000  }
0x1b: {  	_ =	swait.ge [sflag:s23], $0x2000  }
0x1c: {  	[sflag:s23] =	ssyncset.done $0x0  }
0x1d: {  	s7 =	simm.s32 $0xEF00;
	[sflag:s23] =	ssyncadd.s32 $0xFFFFE000  }
0x1e: {  	[spmem:s3] =	stream.indirect.scatter.add.f32 [tilespmem:s16], [sflag:$0x7], $0x40, s7, s15, $0xb8;
	[tilespmem:$0x1B000] =	vst v63  }
0x1f: {  	_ =	swait.ge [sflag:s26], $0x2000  }
0x20: {  	[sflag:s26] =	ssyncset.done $0x0  }
0x21: {  	s9 =	simm.s32 $0xEF80;
	[sflag:s26] =	ssyncadd.s32 $0xFFFFE000  }
0x22: {  	[spmem:s3] =	stream.indirect.scatter.add.f32 [tilespmem:s18], [sflag:$0x8], $0x40, s9, s15, $0xb8;
	[tilespmem:$0x1B000] =	vst v63  }
0x23: {  	_ =	swait.ge [sflag:s24], $0x2000  }
0x24: {  	[sflag:s24] =	ssyncset.done $0x0  }
0x25: {  	[sflag:s24] =	ssyncadd.s32 $0xFFFFE000  }
0x26: {  	_ =	swait.ge [sflag:s2], $0x2000  }
0x27: {  	[sflag:s2] =	ssyncset.done $0x0  }
0x28: {  	[sflag:s2] =	ssyncadd.s32 $0xFFFFE000  }
0x29: {  	_ =	swait.ge [sflag:s0], $0x2000  }
0x2a: {  	[sflag:s0] =	ssyncset.done $0x0  }
0x2b: {  	[sflag:s0] =	ssyncadd.s32 $0xFFFFE000  }
0x2c: {  	_ =	swait.ge [sflag:s21], $0x2000  }
0x2d: {  	[sflag:s21] =	ssyncset.done $0x0  }
0x2e: {  	s4 =	sadd.s32 $0x1, s4;
	[sflag:s21] =	ssyncadd.s32 $0xFFFFE000  }
0x2f: {  	p0 =	sne.s32 s4, s10;
	[bflag:$0x0] =	sbarrier.arrive $0xFFFF  }
.Ltmp1:
0x30: {  	s13 =	rddreg [dreg:$0x6];
	(pc) =	sbr.rel @!p0 .LBB2_5-.Ltmp1, $4  }
0x31: {  	[hbm:s13], [sflag:s6] =	dma.local [spmem:s11], $0x1400  }
0x32: {  	_ =	swait.ge [sflag:s12], $0x1400  }
0x33: {  	[sflag:s12] =	ssyncset.done $0x0  }
0x34: {  	[sflag:s12] =	ssyncadd.s32 $0xFFFFEC00  }
.LBB2_1:
0x35: {  	s7 =	rddreg [dreg:$0x1]  }
0x36: {  	[spmem:s11], [sflag:s6] =	dma.local [hbm:s7], $0x1400  }
0x37: {  	_ =	swait.ge [sflag:s12], $0x1400  }
0x38: {  	s9 =	simm.s32 $0xA000;
	[sflag:s12] =	ssyncset.done $0x0  }
0x39: {  	s7 =	simm.s32 $0x0;
	s8 =	rddreg [dreg:$0x4];
	[sflag:s12] =	ssyncadd.s32 $0xFFFFEC00  }
0x3a: {  	[tilespmem:s9], [sflag:$0xD] =	stream.linear.gather [hbm4b:s8+s7], $0x2800, $0x38;
	[tilespmem:$0x1B000] =	vst v63  }
0x3b: {  	_ =	swait.ge [sflag:s12], $0x2800  }
0x3c: {  	[sflag:s12] =	ssyncset.done $0x0  }
0x3d: {  	s13 =	rddreg [dreg:$0x5];
	[sflag:s12] =	ssyncadd.s32 $0xFFFFD800  }
0x3e: {  	[tilespmem:s14], [sflag:$0xD] =	stream.linear.gather [hbm4b:s13+s7], $0x2800, $0x38;
	[tilespmem:$0x1B000] =	vst v63  }
0x3f: {  	_ =	swait.ge [sflag:s12], $0x2800  }
0x40: {  	[sflag:s12] =	ssyncset.done $0x0  }
0x41: {  	[sflag:s12] =	ssyncadd.s32 $0xFFFFD800  }
0x42: {  	[bflag:$0x0] =	sbarrier.arrive $0xFFFF  }
0x43: {  	[tilespmem:s16], [sflag:$0x1] =	stream.indirect.gather [hbm4b:s5+s15], $0x40, s9, s15, $0xb8;
	[tilespmem:$0x1B000] =	vst v63  }
0x44: {  	s9 =	simm.s32 $0xA080  }
0x45: {  	[tilespmem:s18], [sflag:$0x2] =	stream.indirect.gather [hbm4b:s5+s15], $0x40, s9, s15, $0xb8;
	[tilespmem:$0x1B000] =	vst v63  }
0x46: {  	s13 =	simm.s32 $0xA100  }
0x47: {  	[tilespmem:s20], [sflag:$0x3] =	stream.indirect.gather [hbm4b:s5+s15], $0x40, s13, s15, $0xb8;
	[tilespmem:$0x1B000] =	vst v63  }
0x48: {  	s8 =	simm.s32 $0xA180  }
0x49: {  	[tilespmem:s22], [sflag:$0x4] =	stream.indirect.gather [hbm4b:s5+s15], $0x40, s8, s15, $0xb8;
	[tilespmem:$0x1B000] =	vst v63  }
0x4a: {  	_ =	swait.ge [sflag:s23], $0x2000  }
0x4b: {  	[sflag:s23] =	ssyncset.done $0x0  }
0x4c: {  	[sflag:s23] =	ssyncadd.s32 $0xFFFFE000  }
0x4d: {  	[spmem:s3] =	stream.indirect.scatter.add.f32 [tilespmem:s16], [sflag:$0x7], $0x40, s14, s15, $0xb8;
	[tilespmem:$0x1B000] =	vst v63  }
0x4e: {  	s9 =	simm.s32 $0xA200  }
0x4f: {  	[tilespmem:s25], [sflag:$0x5] =	stream.indirect.gather [hbm4b:s5+s15], $0x40, s9, s15, $0xb8;
	[tilespmem:$0x1B000] =	vst v63  }
0x50: {  	_ =	swait.ge [sflag:s26], $0x2000  }
0x51: {  	[sflag:s26] =	ssyncset.done $0x0  }
0x52: {  	s13 =	simm.s32 $0xC880;
	[sflag:s26] =	ssyncadd.s32 $0xFFFFE000  }
0x53: {  	[spmem:s3] =	stream.indirect.scatter.add.f32 [tilespmem:s18], [sflag:$0x8], $0x40, s13, s15, $0xb8;
	[tilespmem:$0x1B000] =	vst v63  }
0x54: {  	s8 =	simm.s32 $0xA280  }
0x55: {  	[tilespmem:s30], [sflag:$0x6] =	stream.indirect.gather [hbm4b:s5+s15], $0x40, s8, s15, $0xb8;
	[tilespmem:$0x1B000] =	vst v63  }
0x56: {  	_ =	swait.ge [sflag:s31], $0x2000  }
0x57: {  	[sflag:s31] =	ssyncset.done $0x0  }
0x58: {  	s9 =	simm.s32 $0xC900;
	[sflag:s31] =	ssyncadd.s32 $0xFFFFE000  }
0x59: {  	[spmem:s3] =	stream.indirect.scatter.add.f32 [tilespmem:s20], [sflag:$0x9], $0x40, s9, s15, $0xb8;
	[tilespmem:$0x1B000] =	vst v63  }
0x5a: {  	_ =	swait.ge [sflag:s0], $0x2000  }
0x5b: {  	[sflag:s0] =	ssyncset.done $0x0  }
0x5c: {  	s13 =	simm.s32 $0xA300;
	[sflag:s0] =	ssyncadd.s32 $0xFFFFE000  }
0x5d: {  	[tilespmem:s16], [sflag:$0x1] =	stream.indirect.gather [hbm4b:s5+s15], $0x40, s13, s15, $0xb8;
	[tilespmem:$0x1B000] =	vst v63  }
0x5e: {  	_ =	swait.ge [sflag:s17], $0x2000  }
0x5f: {  	[sflag:s17] =	ssyncset.done $0x0  }
0x60: {  	s8 =	simm.s32 $0xC980;
	[sflag:s17] =	ssyncadd.s32 $0xFFFFE000  }
0x61: {  	[spmem:s3] =	stream.indirect.scatter.add.f32 [tilespmem:s22], [sflag:$0xA], $0x40, s8, s15, $0xb8;
	[tilespmem:$0x1B000] =	vst v63  }
0x62: {  	_ =	swait.ge [sflag:s21], $0x2000  }
0x63: {  	[sflag:s21] =	ssyncset.done $0x0  }
0x64: {  	s9 =	simm.s32 $0xA380;
	[sflag:s21] =	ssyncadd.s32 $0xFFFFE000  }
0x65: {  	[tilespmem:s18], [sflag:$0x2] =	stream.indirect.gather [hbm4b:s5+s15], $0x40, s9, s15, $0xb8;
	[tilespmem:$0x1B000] =	vst v63  }
0x66: {  	_ =	swait.ge [sflag:s28], $0x2000  }
0x67: {  	[sflag:s28] =	ssyncset.done $0x0  }
0x68: {  	s13 =	simm.s32 $0xCA00;
	[sflag:s28] =	ssyncadd.s32 $0xFFFFE000  }
0x69: {  	[spmem:s3] =	stream.indirect.scatter.add.f32 [tilespmem:s25], [sflag:$0xB], $0x40, s13, s15, $0xb8;
	[tilespmem:$0x1B000] =	vst v63  }
0x6a: {  	_ =	swait.ge [sflag:s1], $0x2000  }
0x6b: {  	[sflag:s1] =	ssyncset.done $0x0  }
0x6c: {  	s8 =	simm.s32 $0xA400;
	[sflag:s1] =	ssyncadd.s32 $0xFFFFE000  }
0x6d: {  	[tilespmem:s20], [sflag:$0x3] =	stream.indirect.gather [hbm4b:s5+s15], $0x40, s8, s15, $0xb8;
	[tilespmem:$0x1B000] =	vst v63  }
0x6e: {  	_ =	swait.ge [sflag:s19], $0x2000  }
0x6f: {  	[sflag:s19] =	ssyncset.done $0x0  }
0x70: {  	s9 =	simm.s32 $0xCA80;
	[sflag:s19] =	ssyncadd.s32 $0xFFFFE000  }
0x71: {  	[spmem:s3] =	stream.indirect.scatter.add.f32 [tilespmem:s30], [sflag:$0xC], $0x40, s9, s15, $0xb8;
	[tilespmem:$0x1B000] =	vst v63  }
0x72: {  	_ =	swait.ge [sflag:s29], $0x2000  }
0x73: {  	[sflag:s29] =	ssyncset.done $0x0  }
0x74: {  	s7 =	simm.s32 $0x0;
	s13 =	simm.s32 $0xA480;
	[sflag:s29] =	ssyncadd.s32 $0xFFFFE000  }
0x75: {  	[tilespmem:s22], [sflag:$0x4] =	stream.indirect.gather [hbm4b:s5+s15], $0x40, s13, s15, $0xb8;
	[tilespmem:$0x1B000] =	vst v63  }
.LBB2_2:
0x76: {  	_ =	swait.ge [sflag:s23], $0x2000  }
0x77: {  	s8 =	sshra.s32 s7, $0x2;
	[sflag:s23] =	ssyncset.done $0x0  }
0x78: {  	s9 =	sadd.s32 $0xCB00, s8;
	[sflag:s23] =	ssyncadd.s32 $0xFFFFE000  }
0x79: {  	[spmem:s3] =	stream.indirect.scatter.add.f32 [tilespmem:s16], [sflag:$0x7], $0x40, s9, s15, $0xb8;
	[tilespmem:$0x1B000] =	vst v63  }
0x7a: {  	_ =	swait.ge [sflag:s24], $0x2000  }
0x7b: {  	[sflag:s24] =	ssyncset.done $0x0  }
0x7c: {  	s13 =	sadd.s32 $0xA500, s8;
	[sflag:s24] =	ssyncadd.s32 $0xFFFFE000  }
0x7d: {  	[tilespmem:s25], [sflag:$0x5] =	stream.indirect.gather [hbm4b:s5+s15], $0x40, s13, s15, $0xb8;
	[tilespmem:$0x1B000] =	vst v63  }
0x7e: {  	_ =	swait.ge [sflag:s26], $0x2000  }
0x7f: {  	[sflag:s26] =	ssyncset.done $0x0  }
0x80: {  	s13 =	sadd.s32 $0xCB80, s8;
	[sflag:s26] =	ssyncadd.s32 $0xFFFFE000  }
0x81: {  	[spmem:s3] =	stream.indirect.scatter.add.f32 [tilespmem:s18], [sflag:$0x8], $0x40, s13, s15, $0xb8;
	[tilespmem:$0x1B000] =	vst v63  }
0x82: {  	_ =	swait.ge [sflag:s2], $0x2000  }
0x83: {  	[sflag:s2] =	ssyncset.done $0x0  }
0x84: {  	s13 =	sadd.s32 $0xA580, s8;
	[sflag:s2] =	ssyncadd.s32 $0xFFFFE000  }
0x85: {  	[tilespmem:s30], [sflag:$0x6] =	stream.indirect.gather [hbm4b:s5+s15], $0x40, s13, s15, $0xb8;
	[tilespmem:$0x1B000] =	vst v63  }
0x86: {  	_ =	swait.ge [sflag:s31], $0x2000  }
0x87: {  	[sflag:s31] =	ssyncset.done $0x0  }
0x88: {  	s13 =	sadd.s32 $0xCC00, s8;
	[sflag:s31] =	ssyncadd.s32 $0xFFFFE000  }
0x89: {  	[spmem:s3] =	stream.indirect.scatter.add.f32 [tilespmem:s20], [sflag:$0x9], $0x40, s13, s15, $0xb8;
	[tilespmem:$0x1B000] =	vst v63  }
0x8a: {  	_ =	swait.ge [sflag:s0], $0x2000  }
0x8b: {  	[sflag:s0] =	ssyncset.done $0x0  }
0x8c: {  	s13 =	sadd.s32 $0xA600, s8;
	[sflag:s0] =	ssyncadd.s32 $0xFFFFE000  }
0x8d: {  	[tilespmem:s16], [sflag:$0x1] =	stream.indirect.gather [hbm4b:s5+s15], $0x40, s13, s15, $0xb8;
	[tilespmem:$0x1B000] =	vst v63  }
0x8e: {  	_ =	swait.ge [sflag:s17], $0x2000  }
0x8f: {  	[sflag:s17] =	ssyncset.done $0x0  }
0x90: {  	s13 =	sadd.s32 $0xCC80, s8;
	[sflag:s17] =	ssyncadd.s32 $0xFFFFE000  }
0x91: {  	[spmem:s3] =	stream.indirect.scatter.add.f32 [tilespmem:s22], [sflag:$0xA], $0x40, s13, s15, $0xb8;
	[tilespmem:$0x1B000] =	vst v63  }
0x92: {  	_ =	swait.ge [sflag:s21], $0x2000  }
0x93: {  	[sflag:s21] =	ssyncset.done $0x0  }
0x94: {  	s13 =	sadd.s32 $0xA680, s8;
	[sflag:s21] =	ssyncadd.s32 $0xFFFFE000  }
0x95: {  	[tilespmem:s18], [sflag:$0x2] =	stream.indirect.gather [hbm4b:s5+s15], $0x40, s13, s15, $0xb8;
	[tilespmem:$0x1B000] =	vst v63  }
0x96: {  	_ =	swait.ge [sflag:s28], $0x2000  }
0x97: {  	p0 =	seq.s32 s7, $0x8400;
	[sflag:s28] =	ssyncset.done $0x0  }
.Ltmp2:
0x98: {  	s13 =	sadd.s32 $0xCD00, s8;
	[sflag:s28] =	ssyncadd.s32 $0xFFFFE000;
	(pc) =	sbr.rel @p0 .LBB2_4-.Ltmp2, $4  }
0x99: {  	[spmem:s3] =	stream.indirect.scatter.add.f32 [tilespmem:s25], [sflag:$0xB], $0x40, s13, s15, $0xb8;
	[tilespmem:$0x1B000] =	vst v63  }
0x9a: {  	_ =	swait.ge [sflag:s1], $0x2000  }
0x9b: {  	[sflag:s1] =	ssyncset.done $0x0  }
0x9c: {  	s9 =	sadd.s32 $0xCD80, s8;
	[sflag:s1] =	ssyncadd.s32 $0xFFFFE000  }
0x9d: {  	s13 =	sadd.s32 $0xA700, s8  }
0x9e: {  	[tilespmem:s20], [sflag:$0x3] =	stream.indirect.gather [hbm4b:s5+s15], $0x40, s13, s15, $0xb8;
	[tilespmem:$0x1B000] =	vst v63  }
0x9f: {  	_ =	swait.ge [sflag:s19], $0x2000  }
0xa0: {  	[sflag:s19] =	ssyncset.done $0x0  }
0xa1: {  	[sflag:s19] =	ssyncadd.s32 $0xFFFFE000  }
0xa2: {  	[spmem:s3] =	stream.indirect.scatter.add.f32 [tilespmem:s30], [sflag:$0xC], $0x40, s9, s15, $0xb8;
	[tilespmem:$0x1B000] =	vst v63  }
.Ltmp3:
0xa3: {  	_ = 	snop;
	(pc) =	sbr.rel .LBB2_2-.Ltmp3, $4  }
0xa4: {  	_ =	swait.ge [sflag:s29], $0x2000  }
0xa5: {  	[sflag:s29] =	ssyncset.done $0x0  }
0xa6: {  	s7 =	sadd.s32 $0xC00, s7;
	s13 =	sadd.s32 $0xA780, s8;
	[sflag:s29] =	ssyncadd.s32 $0xFFFFE000  }
0xa7: {  	[tilespmem:s22], [sflag:$0x4] =	stream.indirect.gather [hbm4b:s5+s15], $0x40, s13, s15, $0xb8;
	[tilespmem:$0x1B000] =	vst v63  }
.LBB2_5:
0xa8: {  	_ =	sfence.sel $0x180000  }
0xa9: {  	[bflag:$0x0] =	sbarrier.arrive $0xFFFF  }
0xaa: {  	_ =	strace $0x9000004D  }
0xab: {  	s0 =	stileid.u32;
	[bflag:$0x2] =	sbarrier.arrive $0xFFFF  }
0xac: {  	p0 =	sne.s32 s0, $0x0;
	s0 =	rddreg [dreg:$0x3]  }
0xad: {  	s0 =	sadd.s32 @!p0 $0x100000, s0  }
0xae: {  	[sflag:s0] =	ssyncadd.tile.s32 @!p0 $0x1;
	_ =	shalt  }
.Lfunc_end2:
_tile_overlayer_lowered:
.L_overlay_start_2:
0xaf: {  	(tag) =	ssettag $0x2  }
0xb0: {  	s0 =	rddreg [dreg:$0x0];
	s2 =	stileid.u32  }
0xb1: {  	s1 =	rddreg [dreg:$0x1];
	p0 =	sne.s32 s2, $0x0  }
0xb2: {  	s3 =	rddreg [dreg:$0x2];
	[bflag:$0x3] =	sbarrier.arrive $0xFFFF;
	s2 =	simm.s32 @!p0 $0x1C0D  }
0xb3: {  	[timem:s3], [sflag:s2] =	dma.local @!p0 [hbm:s0], s1  }
0xb4: {  	s0 =	simm.s32 @!p0 $0xD  }
0xb5: {  	_ =	swait.ge @!p0 [sflag:s0], s1  }
0xb6: {  	s1 =	ssub.s32 @!p0 $0x0, s1;
	[sflag:s0] =	ssyncset.done @!p0 $0x0  }
0xb7: {  	[sflag:s0] =	ssyncadd.s32 @!p0 s1  }
0xb8: {  	[bflag:$0x3] =	sbarrier.arrive $0xFFFF  }
0xb9: {  	_ =	shalt  }

// kernel: kernel.8.cloned.1.call-start
scs
__scs_entry_jumppad:
0x0: {  	(pc) =	sbr.rel $0x88, $3  }
0x1: {  	(tag) =	ssettag $0x0;
	lr =	simm.s32 $0x1  }
0x2: {  	[smem:$0x3F9B] =	sst lr;
	_ =	strace $0xD0000000  }
0x3: {  	_ = 	snop  }
0x4: {  	_ = 	snop  }
0x5: {  	_ = 	snop  }
0x6: {  	_ = 	snop  }
0x7: {  	_ = 	snop  }
__scs_overlays_trampoline_lowered:
0x8: {  	[smem:$0x3FAA] =	sst s0  }
0x9: {  	[smem:$0x3FAB] =	sst s1  }
0xa: {  	[smem:$0x3FAC] =	sst s2  }
0xb: {  	[smem:$0x3FAD] =	sst s3  }
0xc: {  	[smem:$0x3FAE] =	sst s4  }
0xd: {  	[smem:$0x3FAF] =	sst s5  }
0xe: {  	[smem:$0x3FB0] =	sst s6  }
0xf: {  	[smem:$0x3FB1] =	sst s7  }
0x10: {  	[smem:$0x3FB2] =	sst s8  }
0x11: {  	[smem:$0x3FB3] =	sst s9;
	s0 =	simm.s32 @!p0 $0x0  }
0x12: {  	s1 =	sld [smem:$0x3F99];
	s0 =	simm.s32 @p0 $0x1  }
0x13: {  	[smem:$0x3FB4] =	sst s0;
	s0 =	simm.s32 @!p1 $0x0  }
0x14: {  	s2 =	sld [smem:$0x3F98];
	s0 =	simm.s32 @p1 $0x1  }
0x15: {  	[smem:$0x3FB5] =	sst s0;
	s0 =	simm.s32 @!p2 $0x0  }
0x16: {  	s3 =	sld [smem:$0x3FDB];
	s0 =	simm.s32 @p2 $0x1  }
0x17: {  	s4 =	simm.s32 $0x1BF5;
	[smem:$0x3FB7] =	sst s0  }
0x18: {  	s0 =	sld [smem:$0x3F9A];
	_ =	swait.ge [sflag:s4], $0x0  }
0x19: {  	s7 =	sld [smem:$0x3F9B]  }
0x1a: {  	s8 =	sadd.s32 $0xFFFFE003, lr  }
0x1b: {  	s9 =	sadd.s32 $0xFFFFFEF7, lr;
	s5 =	simm.s32 $0xFFFFFFFF;
	p2 =	slt.u32 s8, $0xFFFFF086  }
0x1c: {  	p1 =	slt.u32 s9, $0xF7A;
	s5 =	simm.s32 @!p2 $0x0  }
0x1d: {  	s5 =	simm.s32 @p1 $0x1;
	p0 =	seq.s32 s7, s2  }
0x1e: {  	s7 =	smul.u32 @!p0 $0xF7A, s2;
	p2 =	seq.s32 @!p0 s5, $0x0  }
0x1f: {  	s9 =	smul.u32 $0xF7A, s1;
	s8 =	simm.s32 @!p0 $0x1BF5;
	p2 =	por !p2, p0  }
0x20: {  	[sflag:s8] =	ssyncset.s32 @!p0 $0xFFFFF086;
	s6 =	sadd.s32 @!p0 s3, s7;
	s7 =	simm.s32 @!p0 $0x108  }
0x21: {  	s3 =	sadd.s32 s3, s9;
	s6 =	sadd.s32 @!p0 $0x88, s6;
	s7 =	simm.s32 @p2 $0x1082  }
0x22: {  	[simem:s7], [sflag:s8] =	dma.local @!p0 [hbm:s6], $0xF7A  }
0x23: {  	s9 =	sor.u32 $0xD0000000, s2;
	s6 =	simm.s32 $0x108;
	_ =	swait.ge @!p0 [sflag:s8], $0x0  }
0x24: {  	s3 =	sadd.s32 $0x88, s3;
	s6 =	simm.s32 @!p1 $0x1082;
	[sflag:s4] =	ssyncset.s32 $0xFFFFF086  }
0x25: {  	[simem:s6], [sflag:s4] =	dma.local [hbm:s3], $0xF7A  }
0x26: {  	[smem:$0x3F9B] =	sst s1;
	(tag) =	ssettag s2;
	_ =	strace s9  }
0x27: {  	s1 =	sld [smem:$0x3FAB]  }
0x28: {  	s2 =	sld [smem:$0x3FAC]  }
0x29: {  	s4 =	sld [smem:$0x3FAE]  }
0x2a: {  	p0 =	seq.s32 s5, $0x0;
	s5 =	sld [smem:$0x3FAF]  }
0x2b: {  	s6 =	sld [smem:$0x3FB0]  }
0x2c: {  	s7 =	sld [smem:$0x3FB1]  }
0x2d: {  	s3 =	simm.s32 $0x108;
	s8 =	sld [smem:$0x3FB2]  }
0x2e: {  	s3 =	simm.s32 @!p0 $0x1082;
	s9 =	sld [smem:$0x3FB3]  }
0x2f: {  	lr =	sadd.s32 s0, s3;
	s0 =	sld [smem:$0x3FAA]  }
0x30: {  	s3 =	sld [smem:$0x3FAD]  }
0x31: {  	[smem:$0x3FB6] =	sst s10  }
0x32: {  	s10 =	sld [smem:$0x3FB4];
	_ =	sdelay $0x3  }
0x33: {  	p0 =	seq.s32 s10, $0x1;
	s10 =	sld [smem:$0x3FB6];
	_ =	sdelay $0x3  }
0x34: {  	[smem:$0x3FB6] =	sst s10  }
0x35: {  	s10 =	sld [smem:$0x3FB5];
	_ =	sdelay $0x3  }
0x36: {  	p1 =	seq.s32 s10, $0x1;
	s10 =	sld [smem:$0x3FB6];
	_ =	sdelay $0x3  }
0x37: {  	[smem:$0x3FB6] =	sst s10  }
0x38: {  	s10 =	sld [smem:$0x3FB7]  }
0x39: {  	_ = 	snop;
	(pc) =	sbr.ind lr, $3  }
0x3a: {  	_ = 	snop  }
0x3b: {  	_ = 	snop  }
0x3c: {  	p2 =	seq.s32 s10, $0x1;
	s10 =	sld [smem:$0x3FB6]  }
0x3d: {  	_ =	shalt  }
0x3e: {  	_ =	shalt  }
0x3f: {  	_ =	shalt  }
0x40: {  	_ =	shalt  }
0x41: {  	_ =	shalt  }
0x42: {  	_ =	shalt  }
0x43: {  	_ =	shalt  }
0x44: {  	_ =	shalt  }
0x45: {  	_ =	shalt  }
0x46: {  	_ =	shalt  }
0x47: {  	_ =	shalt  }
0x48: {  	_ =	shalt  }
0x49: {  	_ =	shalt  }
0x4a: {  	_ =	shalt  }
0x4b: {  	_ =	shalt  }
0x4c: {  	_ =	shalt  }
0x4d: {  	_ =	shalt  }
0x4e: {  	_ =	shalt  }
0x4f: {  	_ =	shalt  }
0x50: {  	_ =	shalt  }
0x51: {  	_ =	shalt  }
0x52: {  	_ =	shalt  }
0x53: {  	_ =	shalt  }
0x54: {  	_ =	shalt  }
0x55: {  	_ =	shalt  }
0x56: {  	_ =	shalt  }
0x57: {  	_ =	shalt  }
0x58: {  	_ =	shalt  }
0x59: {  	_ =	shalt  }
0x5a: {  	_ =	shalt  }
0x5b: {  	_ =	shalt  }
0x5c: {  	_ =	shalt  }
0x5d: {  	_ =	shalt  }
0x5e: {  	_ =	shalt  }
0x5f: {  	_ =	shalt  }
0x60: {  	_ =	shalt  }
0x61: {  	_ =	shalt  }
0x62: {  	_ =	shalt  }
0x63: {  	_ =	shalt  }
0x64: {  	_ =	shalt  }
0x65: {  	_ =	shalt  }
0x66: {  	_ =	shalt  }
0x67: {  	_ =	shalt  }
0x68: {  	_ =	shalt  }
0x69: {  	_ =	shalt  }
0x6a: {  	_ =	shalt  }
0x6b: {  	_ =	shalt  }
0x6c: {  	_ =	shalt  }
0x6d: {  	_ =	shalt  }
0x6e: {  	_ =	shalt  }
0x6f: {  	_ =	shalt  }
0x70: {  	_ =	shalt  }
0x71: {  	_ =	shalt  }
0x72: {  	_ =	shalt  }
0x73: {  	_ =	shalt  }
0x74: {  	_ =	shalt  }
0x75: {  	_ =	shalt  }
0x76: {  	_ =	shalt  }
0x77: {  	_ =	shalt  }
0x78: {  	_ =	shalt  }
0x79: {  	_ =	shalt  }
0x7a: {  	_ =	shalt  }
0x7b: {  	_ =	shalt  }
0x7c: {  	_ =	shalt  }
0x7d: {  	_ =	shalt  }
0x7e: {  	_ =	shalt  }
0x7f: {  	_ =	shalt  }
0x80: {  	_ =	shalt  }
0x81: {  	_ =	shalt  }
0x82: {  	_ =	shalt  }
0x83: {  	_ =	shalt  }
0x84: {  	_ =	shalt  }
0x85: {  	_ =	shalt  }
0x86: {  	_ =	shalt  }
0x87: {  	_ =	shalt  }
.Lfunc_end0:
.L_simem_size_0:
called_computation_lowered:
.L_overlay_start_0:
0x88: {  	s2 =	sld [smem:$0x3FD9]  }
0x89: {  	s3 =	sld [smem:$0x3FFE];
	_ =	sdelay $0x1  }
0x8a: {  	s1 =	srdreg.scid  }
0x8b: {  	s0 =	sand.u32 $0x1, s1  }
0x8c: {  	s16 =	sshll.u32 s0, $0xA;
	s2 =	sadd.s32 s3, s2  }
0x8d: {  	s2 =	sadd.s32 s2, s16  }
0x8e: {  	[smem:$0x3FC2] =	sst s2  }
0x8f: {  	_ = 	snop  }
0x90: {  	(tm) =	ssettm $0x1  }
0x91: {  	s17 =	sld [smem:$0x3FFB];
	_ =	sdelay $0x3  }
0x92: {  	_ =	strace s17  }
0x93: {  	s2 =	sld [smem:$0x3FFC];
	_ =	sdelay $0x3  }
0x94: {  	_ =	strace s2  }
0x95: {  	s2 =	sld [smem:$0x3FFD];
	_ =	sdelay $0x3  }
0x96: {  	_ =	strace s2  }
0x97: {  	_ =	strace $0x8FFFFFFF  }
0x98: {  	s18 =	sld [smem:$0x3FDB];
	_ =	sdelay $0x1  }
0x99: {  	s19 =	simm.s32 $_scs_section_size  }
0x9a: {  	s4 =	simm.s32 $_size__tile_overlayer_lowered;
	s5 =	simm.s32 $_tile_overlayer_lowered  }
0x9b: {  	s22 =	simm.s32 $0x1BFF;
	s21 =	sshll.u32 s5, $0x1;
	s2 =	sadd.s32 s19, s18  }
0x9c: {  	s6 =	simm.s32 $0x0;
	s20 =	sshll.u32 s4, $0x1;
	s4 =	sadd.s32 s21, s2  }
0x9d: {  	[timem:s6], [sflag:s22] =	dma.local [hbm:s4], s20  }
0x9e: {  	_ =	swait.ge [sflag:s22], s20  }
0x9f: {  	s3 =	ssub.s32 $0x0, s20;
	[sflag:s22] =	ssyncset.done $0x0  }
0xa0: {  	[sflag:s22] =	ssyncadd.s32 s3;
	_ =	sdelay $0x1  }
0xa1: {  	s23 =	simm.s32 $0x1B8B  }
0xa2: {  	_ =	swait.ge [sflag:s23], $0x1  }
0xa3: {  	[sflag:s23] =	ssyncset.done $0x0  }
0xa4: {  	s25 =	simm.s32 $0x1B8E;
	s24 =	sld [smem:$0x3FFE];
	[sflag:s23] =	ssyncadd.s32 $0xFFFFFFFF  }
0xa5: {  	s26 =	simm.s32 $execute0_lowered;
	[smem:$0x3FD2] =	sst s25  }
0xa6: {  	s4 =	sshll.u32 s26, $0x1;
	_ =	strace $0x80000046;
	[dreg:$0x1] =	wrdreg $0xFFFFFFFF  }
0xa7: {  	s28 =	simm.s32 $_size_execute0_lowered;
	s2 =	sadd.s32 s2, s4;
	[dreg:$0x0] =	wrdreg $0x0  }
0xa8: {  	s4 =	sshll.u32 s28, $0x1;
	[dreg:$0x2] =	wrdreg s2  }
0xa9: {  	[dreg:$0x3] =	wrdreg s4  }
0xaa: {  	[dreg:$0x4] =	wrdreg $0xC0  }
0xab: {  	_ =	task [dreg:s6], $0x5FFFF  }
0xac: {  	[dreg:$0x1] =	wrdreg $0xFFFFFFFF  }
0xad: {  	[dreg:$0x0] =	wrdreg $0x60  }
0xae: {  	[dreg:$0x2] =	wrdreg s24  }
0xaf: {  	[dreg:$0x3] =	wrdreg $0x0  }
0xb0: {  	[dreg:$0x4] =	wrdreg $0x9  }
0xb1: {  	_ =	task.clear_ibuf [dreg:s6], $0x5FFFF;
	_ =	strace $0x90000046  }
0xb2: {  	s29 =	simm.s32 $0x9;
	_ =	strace $0x80000048  }
0xb3: {  	_ =	swait.ge [sflag:s29], $0x1  }
0xb4: {  	[sflag:s29] =	ssyncadd.s32 $0xFFFFFFFF  }
0xb5: {  	_ =	strace $0x90000048  }
0xb6: {  	_ =	sfence  }
0xb7: {  	s30 =	sld [smem:$0x0];
	_ =	sdelay $0x2  }
0xb8: {  	s31 =	sshll.u32 s1, $0xD;
	s1 =	sshrl.u32 s1, $0x2  }
0xb9: {  	s3 =	sand.u32 $0x4000, s31;
	s1 =	sadd.s32 s1, s30  }
0xba: {  	s0 =	sor.u32 s3, s0;
	s1 =	sshll.u32 s1, $0x11  }
0xbb: {  	s0 =	sor.u32 s1, s0  }
0xbc: {  	s0 =	sadd.s32 $0x8F2B, s0  }
0xbd: {  	[sflag:s0] =	ssyncadd.remote.s32 $0x1  }
0xbe: {  	_ =	sfence.sel $0xFFFF  }
0xbf: {  	[dreg:$0x0] =	wrdreg $0xFFFFFFFF;
	(pc) =	sbr.abs _section_cstart, $3  }
0xc0: {  	[dreg:$0x1] =	wrdreg $0xFFFFFFFF  }
0xc1: {  	_ =	task.clear_ibuf [dreg:s6], $0x2FFFF;
	_ =	strace $0x9FFFFFFF  }
0xc2: {  	(tm) =	ssettm $0x7FFFFFFF  }
0xc3: {  	_ =	shalt  }
tec
execute0_lowered:
.L_overlay_start_1:
0x0: {  	(tag) =	ssettag $0x1  }
0x1: {  	s1 =	srdreg.scid;
	s7 =	rddreg [dreg:$0x0]  }
0x2: {  	s0 =	stileid.u32;
	s2 =	rddreg [dreg:$0x1];
	s3 =	simm.s32 $0x0  }
0x3: {  	s14 =	simm.s32 $0x80;
	s15 =	simm.s32 $0x0;
	s6 =	sand.u32 $0x1, s1  }
0x4: {  	s30 =	sshll.u32 s0, $0x1;
	s8 =	smul.u32 $0x2800, s0;
	[smem:$0x7FF] =	sst s3  }
0x5: {  	s11 =	sshll.u32 s0, $0x6;
	s1 =	sor.u32 s6, s30;
	s5 =	smul.u32 $0x28000, s6  }
0x6: {  	s6 =	ssub.s32 $0x2, s6;
	s4 =	smul.u32 $0x500, s1;
	s1 =	rddreg [dreg:$0x2]  }
0x7: {  	_ =	strace $0x80000047;
	s31 =	sshrl.u32 s6, $0x1;
	s13 =	sadd.s32 s8, s2  }
0x8: {  	s10 =	sadd.s32 s8, s5;
	s5 =	sadd.s32 $0x15E00, s7;
	s12 =	ssub.s32 s6, s31  }
0x9: {  	s6 =	sor.u32 $0x1C01, s11;
	s11 =	simm.s32 $0x1;
	s10 =	sshrl.u32 s10, $0x3  }
0xa: {  	s9 =	sadd.s32 s4, s7;
	s4 =	sadd.s32 $0x1C00, s7;
	s10 =	sadd.s32 s10, s7  }
0xb: {  	s7 =	sadd.s32 $0x1E00, s9;
	s9 =	smax.u32 s12, $0x1;
	s12 =	simm.s32 $0x2800  }
0xc: {  	s8 =	sadd.s32 $0x16400, s10;
	s10 =	sshrl.u32 s13, $0x3;
	s13 =	simm.s32 $0x3000  }
.LBB2_1:
0xd: {  	[spmem:s10], [sflag:s6] =	dma.local [hbm:s5], $0x500  }
0xe: {  	_ =	swait.ge [sflag:s11], $0x500  }
0xf: {  	[sflag:s11] =	ssyncset.done $0x0  }
0x10: {  	[sflag:s11] =	ssyncadd.s32 $0xFFFFFB00  }
0x11: {  	[tilespmem:s12], [sflag:$0x1] =	stream.linear.gather [hbm4b:s4+s3], $0x800, $0x38;
	[tilespmem:$0x5800] =	vst v63  }
0x12: {  	_ =	swait.ge [sflag:s11], $0x800  }
0x13: {  	[sflag:s11] =	ssyncset.done $0x0  }
0x14: {  	[sflag:s11] =	ssyncadd.s32 $0xFFFFF800  }
0x15: {  	[tilespmem:s13], [sflag:$0x1] =	stream.linear.gather [hbm4b:s7+s3], $0x2800, $0x38;
	[tilespmem:$0x5800] =	vst v63  }
0x16: {  	_ =	swait.ge [sflag:s11], $0x2800  }
0x17: {  	[sflag:s11] =	ssyncset.done $0x0  }
0x18: {  	[sflag:s11] =	ssyncadd.s32 $0xFFFFD800  }
0x19: {  	s16 =	simm.s32 $0x3000;
	[bflag:$0x0] =	sbarrier.arrive $0xFFFF  }
0x1a: {  	[spmem:s2] =	stream.indirect.scatter.add.f32 [tilespmem:s12], [sflag:$0x1], $0x10, s16, s14, $0xb8;
	[tilespmem:$0x5800] =	vst v63  }
0x1b: {  	s16 =	simm.s32 $0x200;
	_ =	swait.ge [sflag:s11], $0x800  }
.LBB2_2:
0x1c: {  	s17 =	sshra.s32 s16, $0x2;
	[sflag:s11] =	ssyncset.done $0x0;
	p0 =	sne.s32 s16, $0x9E00  }
.Ltmp0:
0x1d: {  	s17 =	sadd.s32 $0x3000, s17;
	[sflag:s11] =	ssyncadd.s32 $0xFFFFF800;
	(pc) =	sbr.rel @p0 .LBB2_2-.Ltmp0, $3  }
0x1e: {  	[spmem:s2] =	stream.indirect.scatter.add.f32 [tilespmem:s12], [sflag:$0x1], $0x10, s17, s14, $0xb8;
	[tilespmem:$0x5800] =	vst v63  }
0x1f: {  	s16 =	sadd.s32 $0x200, s16;
	_ =	sdelay $0x1  }
0x20: {  	_ =	swait.ge [sflag:s11], $0x800  }
0x21: {  	[sflag:s11] =	ssyncset.done $0x0;
	s15 =	sadd.s32 $0x1, s15  }
0x22: {  	[sflag:s11] =	ssyncadd.s32 $0xFFFFF800;
	p0 =	sne.s32 s15, s9  }
.Ltmp1:
0x23: {  	[bflag:$0x0] =	sbarrier.arrive $0xFFFF;
	(pc) =	sbr.rel @p0 .LBB2_1-.Ltmp1, $4  }
0x24: {  	[hbm:s8], [sflag:s6] =	dma.local [spmem:s10], $0x500  }
0x25: {  	_ =	swait.ge [sflag:s11], $0x500  }
0x26: {  	[sflag:s11] =	ssyncset.done $0x0  }
0x27: {  	[sflag:s11] =	ssyncadd.s32 $0xFFFFFB00  }
0x28: {  	_ =	sfence.sel $0x180000  }
0x29: {  	[bflag:$0x0] =	sbarrier.arrive $0xFFFF  }
0x2a: {  	p0 =	sne.s32 s0, $0x0;
	_ =	strace $0x90000047  }
0x2b: {  	s0 =	sadd.s32 @!p0 $0x100000, s1;
	[bflag:$0x2] =	sbarrier.arrive $0xFFFF  }
0x2c: {  	[sflag:s0] =	ssyncadd.tile.s32 @!p0 $0x1;
	_ =	shalt  }
.Lfunc_end2:
_tile_overlayer_lowered:
.L_overlay_start_2:
0x2d: {  	(tag) =	ssettag $0x2  }
0x2e: {  	s0 =	rddreg [dreg:$0x0];
	s2 =	stileid.u32  }
0x2f: {  	s1 =	rddreg [dreg:$0x1];
	p0 =	sne.s32 s2, $0x0  }
0x30: {  	s3 =	rddreg [dreg:$0x2];
	[bflag:$0x3] =	sbarrier.arrive $0xFFFF;
	s2 =	simm.s32 @!p0 $0x1C01  }
0x31: {  	[timem:s3], [sflag:s2] =	dma.local @!p0 [hbm:s0], s1  }
0x32: {  	s0 =	simm.s32 @!p0 $0x1  }
0x33: {  	_ =	swait.ge @!p0 [sflag:s0], s1  }
0x34: {  	s1 =	ssub.s32 @!p0 $0x0, s1;
	[sflag:s0] =	ssyncset.done @!p0 $0x0  }
0x35: {  	[sflag:s0] =	ssyncadd.s32 @!p0 s1  }
0x36: {  	[bflag:$0x3] =	sbarrier.arrive $0xFFFF  }
0x37: {  	_ =	shalt  }

</sc_bundles>
